<compile_context>
chip_gen: v7x
topology: tpu7x:2x2x1
jax: 0.10.2.dev20260603
libtpu: 0.0.44.dev20260713+nightly
codegen_flags: <defaults>
</compile_context>

<pallas_src>
import functools

import jax
import jax.numpy as jnp
from jax import lax
from jax.experimental import pallas as pl
from jax.experimental.pallas import tpu as pltpu
from jax.experimental.pallas import tpu_sc as plsc

N = 10000
E = 320000
CHUNK = 128
BTOT = E // CHUNK
RPT = N // 16
WSPLIT = {16: (78, 78), 32: (78, 78), 64: (78, 78)}
X0 = 4
NBMAX = 149


def _sc_scatter(h):
    nb0, nb1 = WSPLIT[h]
    mesh = plsc.VectorSubcoreMesh(core_axis_name="c", subcore_axis_name="s")

    @functools.partial(
        pl.kernel,
        out_type=jax.ShapeDtypeStruct((2 * N, h), jnp.float32),
        mesh=mesh,
        scratch_types=[
            pltpu.VMEM((NBMAX, CHUNK), jnp.int32),
            pltpu.VMEM((NBMAX, CHUNK), jnp.int32),
            pltpu.VMEM((4, CHUNK, h), jnp.float32),
            pltpu.VMEM_SHARED((N, h), jnp.float32),
            pltpu.SemaphoreType.DMA((4,)),
            pltpu.SemaphoreType.DMA((4,)),
        ],
        compiler_params=pltpu.CompilerParams(use_tc_tiling_on_sc=False),
    )
    def sck(hs_hbm, src_hbm, dst_hbm, zero_hbm, out_hbm,
            idx_s, idx_d, rows, acc, sem_g, sem_s):
        c = lax.axis_index("c")
        s = lax.axis_index("s")
        nb = jnp.where(c == 0, nb0 + (s < X0).astype(jnp.int32), nb1)
        base = jnp.where(c == 0,
                         s * nb0 + jnp.minimum(s, X0),
                         16 * nb0 + X0 + s * nb1)
        bc = jnp.minimum(base, BTOT - NBMAX)
        off = base - bc
        pltpu.sync_copy(zero_hbm, acc.at[pl.ds(s * RPT, RPT)])
        pltpu.sync_copy(src_hbm.at[pl.ds(bc, NBMAX)], idx_s)
        pltpu.sync_copy(dst_hbm.at[pl.ds(bc, NBMAX)], idx_d)
        plsc.subcore_barrier()

        for k in (0, 1):
            pltpu.async_copy(hs_hbm.at[idx_s.at[k + off]], rows.at[k],
                             sem_g.at[k])

        def body(j, carry):
            b = lax.rem(j, 4)

            @pl.when(j >= 2)
            def _():
                bp = lax.rem(j + 2, 4)
                pltpu.make_async_copy(rows.at[bp],
                                      acc.at[idx_d.at[j - 2 + off]],
                                      sem_s.at[bp]).wait()

            @pl.when(j + 2 < nb)
            def _():
                bn = lax.rem(j + 2, 4)
                pltpu.async_copy(hs_hbm.at[idx_s.at[j + 2 + off]],
                                 rows.at[bn], sem_g.at[bn])

            @pl.when(j < nb)
            def _():
                pltpu.make_async_copy(hs_hbm.at[idx_s.at[j + off]],
                                      rows.at[b], sem_g.at[b]).wait()
                pltpu.async_copy(rows.at[b], acc.at[idx_d.at[j + off]],
                                 sem_s.at[b], add=True)

            return carry

        lax.fori_loop(0, nb + 2, body, 0)
        plsc.subcore_barrier()
        pltpu.sync_copy(acc.at[pl.ds(s * RPT, RPT)],
                        out_hbm.at[pl.ds(c * N + s * RPT, RPT)])

    return sck


def _mm0(x, w1, d):
    def body(x_ref, w_ref, d_ref, hs_ref, dinv_ref):
        dv2 = d_ref[...]
        deg = dv2[:N, :1] + dv2[N:, :1] + 1.0
        dinv = lax.rsqrt(deg)
        dinv_ref[...] = dinv
        hs_ref[...] = dinv * jnp.dot(x_ref[...], w_ref[...],
                                     preferred_element_type=jnp.float32)

    h = w1.shape[1]
    return pl.pallas_call(
        body,
        out_shape=[
            jax.ShapeDtypeStruct((N, h), jnp.float32),
            jax.ShapeDtypeStruct((N, 1), jnp.float32),
        ],
    )(x, w1, d)


def _layer(a, hs, dinv, b, w):
    hn = w.shape[1]

    def body(a_ref, hs_ref, dinv_ref, b_ref, w_ref, o_ref):
        dv = dinv_ref[...]
        av = a_ref[...]
        u = dv * (av[:N] + av[N:] + hs_ref[...]) + b_ref[...]
        u = jnp.maximum(u, 0.0)
        o_ref[...] = dv * jnp.dot(u, w_ref[...],
                                  preferred_element_type=jnp.float32)

    return pl.pallas_call(
        body,
        out_shape=jax.ShapeDtypeStruct((N, hn), jnp.float32),
    )(a, hs, dinv, b, w)


def _final(a, hs, dinv, b, batchp):
    def body(a_ref, hs_ref, dinv_ref, b_ref, bat_ref, o_ref):
        av = a_ref[...]
        h4 = (dinv_ref[...] * (av[:N] + av[N:] + hs_ref[...])
              + b_ref[...])
        ids = lax.broadcasted_iota(jnp.int32, (1, 64), 1)
        m = bat_ref[...] == ids
        neg = jnp.float32(-jnp.inf)
        p0 = jnp.max(jnp.where(m, h4[:, 0:1], neg), axis=0, keepdims=True)
        p1 = jnp.max(jnp.where(m, h4[:, 1:2], neg), axis=0, keepdims=True)
        mx = jnp.maximum(p0, p1)
        lse = jnp.log(jnp.exp(p0 - mx) + jnp.exp(p1 - mx)) + mx
        o_ref[...] = jnp.concatenate([p0 - lse, p1 - lse], axis=0)

    return pl.pallas_call(
        body,
        out_shape=jax.ShapeDtypeStruct((2, 64), jnp.float32),
    )(a, hs, dinv, b, batchp)


def kernel(x, edge_index, batch, W1, b1, W2, b2, W3, b3, W4, b4):
    f32 = jnp.float32
    srcr = edge_index[0].reshape(BTOT, CHUNK)
    dstr = edge_index[1].reshape(BTOT, CHUNK)
    batchp = batch.reshape(N, 1)
    ones16 = jnp.ones((N, 16), f32)
    z16 = jnp.zeros((RPT, 16), f32)
    z32 = jnp.zeros((RPT, 32), f32)
    z64 = jnp.zeros((RPT, 64), f32)
    W4p = jnp.pad(W4, ((0, 0), (0, 16 - W4.shape[1])))
    b4p = jnp.pad(b4, (0, 16 - b4.shape[0])).reshape(1, 16)

    sck16 = _sc_scatter(16)
    sck32 = _sc_scatter(32)
    sck64 = _sc_scatter(64)
    deg = sck16(ones16, srcr, dstr, z16)
    hs1, dinv = _mm0(x, W1, deg)
    a = sck64(hs1, srcr, dstr, z64)
    hs2 = _layer(a, hs1, dinv, b1.reshape(1, 64), W2)
    a = sck64(hs2, srcr, dstr, z64)
    hs3 = _layer(a, hs2, dinv, b2.reshape(1, 64), W3)
    a = sck32(hs3, srcr, dstr, z32)
    hs4 = _layer(a, hs3, dinv, b3.reshape(1, 32), W4p)
    a = sck16(hs4, srcr, dstr, z16)
    out2 = _final(a, hs4, dinv, b4p, batchp)
    return out2.T

# --- scband reference (transcript-rebuilt; emitter-appended) ---
"""Pipeline reference for scband-gcn-mutag-36644660969782 (READ-ONLY COPY).

The authoritative reference and input builder live on the scoring server;
editing this copy changes nothing except your own understanding.
"""

import jax, jax.numpy as jnp
import numpy as np

N = 10000
E = 320000
F_IN = 128
H1, H2, H3 = 64, 64, 32
C = 2
G = 64


def setup_inputs(seed: int = 0) -> dict:
    key = jax.random.key(seed)
    ks = jax.random.split(key, 12)
    x = jax.random.normal(ks[0], (N, F_IN), dtype=jnp.float32)
    edge_index = jax.random.randint(ks[1], (2, E), 0, N, dtype=jnp.int32)
    batch = jnp.sort(jax.random.randint(ks[2], (N,), 0, G, dtype=jnp.int32))
    def glorot(k, fan_in, fan_out):
        lim = float(np.sqrt(6.0 / (fan_in + fan_out)))
        return jax.random.uniform(k, (fan_in, fan_out), dtype=jnp.float32, minval=-lim, maxval=lim)
    W1 = glorot(ks[3], F_IN, H1); b1 = jnp.zeros((H1,), jnp.float32)
    W2 = glorot(ks[4], H1, H2); b2 = jnp.zeros((H2,), jnp.float32)
    W3 = glorot(ks[5], H2, H3); b3 = jnp.zeros((H3,), jnp.float32)
    W4 = glorot(ks[6], H3, C); b4 = jnp.zeros((C,), jnp.float32)
    return {"x": x, "edge_index": edge_index, "batch": batch,
            "W1": W1, "b1": b1, "W2": W2, "b2": b2,
            "W3": W3, "b3": b3, "W4": W4, "b4": b4}


def gcn_conv(x, src, dst, W, b):
    n = x.shape[0]
    loop = jnp.arange(n, dtype=src.dtype)
    s = jnp.concatenate([src, loop])
    d = jnp.concatenate([dst, loop])
    deg = jnp.zeros((n,), x.dtype).at[d].add(1.0)
    dinv = jnp.where(deg > 0, 1.0 / jnp.sqrt(deg), 0.0)
    norm = dinv[s] * dinv[d]
    h = x @ W
    msg = h[s] * norm[:, None]
    out = jnp.zeros((n, W.shape[1]), x.dtype).at[d].add(msg)
    return out + b


def reference(x, edge_index, batch, W1, b1, W2, b2, W3, b3, W4, b4):
    # dropout layers are identity in eval mode
    src, dst = edge_index[0], edge_index[1]
    h = jax.nn.relu(gcn_conv(x, src, dst, W1, b1))
    h = jax.nn.relu(gcn_conv(h, src, dst, W2, b2))
    h = jax.nn.relu(gcn_conv(h, src, dst, W3, b3))
    h = gcn_conv(h, src, dst, W4, b4)
    pooled = jax.ops.segment_max(h, batch, num_segments=G)
    return jax.nn.log_softmax(pooled, axis=-1)

if __name__ == "__main__":
    import jax
    _d = setup_inputs()
    print(jax.jit(kernel)(*tuple(_d.values())))

</pallas_src>

<mosaic_0001>
#map = affine_map<(d0, d1) -> (0, 0)>
module attributes {stable_mosaic.version = 14 : i64} {
  func.func @sck(%arg0: i32, %arg1: i32, %arg2: memref<10000x32xf32, #tpu.memory_space<hbm>>, %arg3: memref<2500x128xi32, #tpu.memory_space<hbm>>, %arg4: memref<2500x128xi32, #tpu.memory_space<hbm>>, %arg5: memref<625x32xf32, #tpu.memory_space<hbm>>, %arg6: memref<20000x32xf32, #tpu.memory_space<hbm>>, %arg7: memref<149x128xi32, #tpu.memory_space<vmem>>, %arg8: memref<149x128xi32, #tpu.memory_space<vmem>>, %arg9: memref<4x128x32xf32, #tpu.memory_space<vmem>>, %arg10: memref<10000x32xf32, #tpu.memory_space<vmem_shared>>, %arg11: memref<4x!tpu.dma_semaphore, #tpu.memory_space<semaphore_mem>>, %arg12: memref<4x!tpu.dma_semaphore, #tpu.memory_space<semaphore_mem>>) attributes {dimension_semantics = [#tpu.dimension_semantics<core_parallel>, #tpu.dimension_semantics<subcore_parallel>], iteration_bounds = array<i64: 2, 16>, scalar_prefetch = 0 : i64, scratch_operands = 6 : i64, tpu.core_type = #tpu.core_type<sc_vector_subcore>, window_params = [{transform_indices = #map}, {transform_indices = #map}, {transform_indices = #map}, {transform_indices = #map}, {transform_indices = #map}]} {
    %eq3A = arith.constant 0 : i32
    %eq3A_0 = arith.cmpi eq, %arg0, %eq3A : i32
    %lt3A = arith.constant 4 : i32
    %lt3A_1 = arith.cmpi slt, %arg1, %lt3A : i32
    %convert_element_type3A = arith.extui %lt3A_1 : i1 to i32
    %add3A = arith.constant 78 : i32
    %add3A_2 = arith.addi %add3A, %convert_element_type3A : i32
    %jit3A = arith.constant 78 : i32
    %select_n3A = arith.select %eq3A_0, %add3A_2, %jit3A : i32
    %eq3A_3 = arith.constant 0 : i32
    %eq3A_4 = arith.cmpi eq, %arg0, %eq3A_3 : i32
    %mul3A = arith.constant 78 : i32
    %mul3A_5 = arith.muli %arg1, %mul3A : i32
    %min3A = arith.constant 4 : i32
    %min3A_6 = arith.minsi %arg1, %min3A : i32
    %add3A_7 = arith.addi %mul3A_5, %min3A_6 : i32
    %mul3A_8 = arith.constant 78 : i32
    %mul3A_9 = arith.muli %arg1, %mul3A_8 : i32
    %add3A_10 = arith.constant 1252 : i32
    %add3A_11 = arith.addi %add3A_10, %mul3A_9 : i32
    %select_n3A_12 = arith.select %eq3A_4, %add3A_7, %add3A_11 : i32
    %min3A_13 = arith.constant 2351 : i32
    %min3A_14 = arith.minsi %select_n3A_12, %min3A_13 : i32
    %sub3A = arith.subi %select_n3A_12, %min3A_14 : i32
    %mul3A_15 = arith.constant 625 : i32
    %mul3A_16 = arith.muli %arg1, %mul3A_15 : i32
    "tpu.region"() ({
      %run_scoped3A = tpu.sem_alloc : memref<!tpu.dma_semaphore, #tpu.memory_space<semaphore_mem>>
      %dma_start3A_67 = arith.constant 0 : i32
      %dma_start3A_68 = tpu.memref_slice %arg10[%mul3A_16, %dma_start3A_67] : memref<10000x32xf32, #tpu.memory_space<vmem_shared>> -> memref<625x32xf32, #tpu.memory_space<vmem_shared>>
      tpu.enqueue_dma source(%arg5 : memref<625x32xf32, #tpu.memory_space<hbm>>) target(%dma_start3A_68 : memref<625x32xf32, #tpu.memory_space<vmem_shared>>) target_semaphore(%run_scoped3A : memref<!tpu.dma_semaphore, #tpu.memory_space<semaphore_mem>>)
      %dma_wait3A = arith.constant 0 : i32
      %dma_wait3A_69 = tpu.memref_slice %arg10[%mul3A_16, %dma_wait3A] : memref<10000x32xf32, #tpu.memory_space<vmem_shared>> -> memref<625x32xf32, #tpu.memory_space<vmem_shared>>
      tpu.wait_dma2 semaphore(%run_scoped3A : memref<!tpu.dma_semaphore, #tpu.memory_space<semaphore_mem>>) src(%arg5 : memref<625x32xf32, #tpu.memory_space<hbm>>) dst(%dma_wait3A_69 : memref<625x32xf32, #tpu.memory_space<vmem_shared>>)
      tpu.yield
    }) : () -> ()
    "tpu.region"() ({
      %run_scoped3A = tpu.sem_alloc : memref<!tpu.dma_semaphore, #tpu.memory_space<semaphore_mem>>
      %dma_start3A_67 = arith.constant 0 : i32
      %dma_start3A_68 = tpu.memref_slice %arg3[%min3A_14, %dma_start3A_67] : memref<2500x128xi32, #tpu.memory_space<hbm>> -> memref<149x128xi32, #tpu.memory_space<hbm>>
      %dma_start3A_69 = arith.constant 0 : i32
      %dma_start3A_70 = tpu.memref_slice %arg3[%min3A_14, %dma_start3A_69] : memref<2500x128xi32, #tpu.memory_space<hbm>> -> memref<149x128xi32, #tpu.memory_space<hbm>>
      tpu.enqueue_dma source(%dma_start3A_70 : memref<149x128xi32, #tpu.memory_space<hbm>>) target(%arg7 : memref<149x128xi32, #tpu.memory_space<vmem>>) target_semaphore(%run_scoped3A : memref<!tpu.dma_semaphore, #tpu.memory_space<semaphore_mem>>)
      %dma_wait3A = arith.constant 0 : i32
      %dma_wait3A_71 = tpu.memref_slice %arg3[%min3A_14, %dma_wait3A] : memref<2500x128xi32, #tpu.memory_space<hbm>> -> memref<149x128xi32, #tpu.memory_space<hbm>>
      %dma_wait3A_72 = arith.constant 0 : i32
      %dma_wait3A_73 = tpu.memref_slice %arg3[%min3A_14, %dma_wait3A_72] : memref<2500x128xi32, #tpu.memory_space<hbm>> -> memref<149x128xi32, #tpu.memory_space<hbm>>
      tpu.wait_dma2 semaphore(%run_scoped3A : memref<!tpu.dma_semaphore, #tpu.memory_space<semaphore_mem>>) src(%dma_wait3A_73 : memref<149x128xi32, #tpu.memory_space<hbm>>) dst(%arg7 : memref<149x128xi32, #tpu.memory_space<vmem>>)
      tpu.yield
    }) : () -> ()
    "tpu.region"() ({
      %run_scoped3A = tpu.sem_alloc : memref<!tpu.dma_semaphore, #tpu.memory_space<semaphore_mem>>
      %dma_start3A_67 = arith.constant 0 : i32
      %dma_start3A_68 = tpu.memref_slice %arg4[%min3A_14, %dma_start3A_67] : memref<2500x128xi32, #tpu.memory_space<hbm>> -> memref<149x128xi32, #tpu.memory_space<hbm>>
      %dma_start3A_69 = arith.constant 0 : i32
      %dma_start3A_70 = tpu.memref_slice %arg4[%min3A_14, %dma_start3A_69] : memref<2500x128xi32, #tpu.memory_space<hbm>> -> memref<149x128xi32, #tpu.memory_space<hbm>>
      tpu.enqueue_dma source(%dma_start3A_70 : memref<149x128xi32, #tpu.memory_space<hbm>>) target(%arg8 : memref<149x128xi32, #tpu.memory_space<vmem>>) target_semaphore(%run_scoped3A : memref<!tpu.dma_semaphore, #tpu.memory_space<semaphore_mem>>)
      %dma_wait3A = arith.constant 0 : i32
      %dma_wait3A_71 = tpu.memref_slice %arg4[%min3A_14, %dma_wait3A] : memref<2500x128xi32, #tpu.memory_space<hbm>> -> memref<149x128xi32, #tpu.memory_space<hbm>>
      %dma_wait3A_72 = arith.constant 0 : i32
      %dma_wait3A_73 = tpu.memref_slice %arg4[%min3A_14, %dma_wait3A_72] : memref<2500x128xi32, #tpu.memory_space<hbm>> -> memref<149x128xi32, #tpu.memory_space<hbm>>
      tpu.wait_dma2 semaphore(%run_scoped3A : memref<!tpu.dma_semaphore, #tpu.memory_space<semaphore_mem>>) src(%dma_wait3A_73 : memref<149x128xi32, #tpu.memory_space<hbm>>) dst(%arg8 : memref<149x128xi32, #tpu.memory_space<vmem>>)
      tpu.yield
    }) : () -> ()
    %barrier3A = arith.constant 0 : index
    tpu.barrier barrier_id(%barrier3A)
    %add3A_17 = arith.constant 0 : i32
    %add3A_18 = arith.addi %add3A_17, %sub3A : i32
    %dma_start3A = arith.constant 0 : i32
    %dma_start3A_19 = arith.constant 0 : i32
    %dma_start3A_20 = arith.constant 0 : i32
    %dma_start3A_21 = arith.constant 0 : i32
    %dma_start3A_22 = tpu.memref_slice %arg9[%dma_start3A, %dma_start3A_20, %dma_start3A_21] : memref<4x128x32xf32, #tpu.memory_space<vmem>> -> memref<1x128x32xf32, #tpu.memory_space<vmem>>
    %dma_start3A_23 = tpu.memref_squeeze %dma_start3A_22 : memref<1x128x32xf32, #tpu.memory_space<vmem>> -> memref<128x32xf32, #tpu.memory_space<vmem>>
    %dma_start3A_24 = arith.constant 0 : i32
    %dma_start3A_25 = tpu.memref_slice %arg7[%add3A_18, %dma_start3A_24] : memref<149x128xi32, #tpu.memory_space<vmem>> -> memref<1x128xi32, #tpu.memory_space<vmem>>
    %dma_start3A_26 = tpu.memref_squeeze %dma_start3A_25 : memref<1x128xi32, #tpu.memory_space<vmem>> -> memref<128xi32, #tpu.memory_space<vmem>>
    %dma_start3A_27 = arith.constant 0 : i32
    %dma_start3A_28 = arith.constant 0 : i32
    %dma_start3A_29 = tpu.memref_slice %arg2[%dma_start3A_27, %dma_start3A_28] : memref<10000x32xf32, #tpu.memory_space<hbm>> -> memref<10000x32xf32, #tpu.memory_space<hbm>>
    %dma_start3A_30 = tpu.memref_slice %arg11[%dma_start3A_19] : memref<4x!tpu.dma_semaphore, #tpu.memory_space<semaphore_mem>> -> memref<1x!tpu.dma_semaphore, #tpu.memory_space<semaphore_mem>>
    %dma_start3A_31 = tpu.memref_squeeze %dma_start3A_30 : memref<1x!tpu.dma_semaphore, #tpu.memory_space<semaphore_mem>> -> memref<!tpu.dma_semaphore, #tpu.memory_space<semaphore_mem>>
    tpu.enqueue_indirect_dma source(%dma_start3A_29 : memref<10000x32xf32, #tpu.memory_space<hbm>>) target(%dma_start3A_23 : memref<128x32xf32, #tpu.memory_space<vmem>>) offsets(%dma_start3A_26 : memref<128xi32, #tpu.memory_space<vmem>>) semaphore(%dma_start3A_31 : memref<!tpu.dma_semaphore, #tpu.memory_space<semaphore_mem>>)
    %add3A_32 = arith.constant 1 : i32
    %add3A_33 = arith.addi %add3A_32, %sub3A : i32
    %dma_start3A_34 = arith.constant 1 : i32
    %dma_start3A_35 = arith.constant 1 : i32
    %dma_start3A_36 = arith.constant 0 : i32
    %dma_start3A_37 = arith.constant 0 : i32
    %dma_start3A_38 = tpu.memref_slice %arg9[%dma_start3A_34, %dma_start3A_36, %dma_start3A_37] : memref<4x128x32xf32, #tpu.memory_space<vmem>> -> memref<1x128x32xf32, #tpu.memory_space<vmem>>
    %dma_start3A_39 = tpu.memref_squeeze %dma_start3A_38 : memref<1x128x32xf32, #tpu.memory_space<vmem>> -> memref<128x32xf32, #tpu.memory_space<vmem>>
    %dma_start3A_40 = arith.constant 0 : i32
    %dma_start3A_41 = tpu.memref_slice %arg7[%add3A_33, %dma_start3A_40] : memref<149x128xi32, #tpu.memory_space<vmem>> -> memref<1x128xi32, #tpu.memory_space<vmem>>
    %dma_start3A_42 = tpu.memref_squeeze %dma_start3A_41 : memref<1x128xi32, #tpu.memory_space<vmem>> -> memref<128xi32, #tpu.memory_space<vmem>>
    %dma_start3A_43 = arith.constant 0 : i32
    %dma_start3A_44 = arith.constant 0 : i32
    %dma_start3A_45 = tpu.memref_slice %arg2[%dma_start3A_43, %dma_start3A_44] : memref<10000x32xf32, #tpu.memory_space<hbm>> -> memref<10000x32xf32, #tpu.memory_space<hbm>>
    %dma_start3A_46 = tpu.memref_slice %arg11[%dma_start3A_35] : memref<4x!tpu.dma_semaphore, #tpu.memory_space<semaphore_mem>> -> memref<1x!tpu.dma_semaphore, #tpu.memory_space<semaphore_mem>>
    %dma_start3A_47 = tpu.memref_squeeze %dma_start3A_46 : memref<1x!tpu.dma_semaphore, #tpu.memory_space<semaphore_mem>> -> memref<!tpu.dma_semaphore, #tpu.memory_space<semaphore_mem>>
    tpu.enqueue_indirect_dma source(%dma_start3A_45 : memref<10000x32xf32, #tpu.memory_space<hbm>>) target(%dma_start3A_39 : memref<128x32xf32, #tpu.memory_space<vmem>>) offsets(%dma_start3A_42 : memref<128xi32, #tpu.memory_space<vmem>>) semaphore(%dma_start3A_47 : memref<!tpu.dma_semaphore, #tpu.memory_space<semaphore_mem>>)
    %add3A_48 = arith.constant 2 : i32
    %add3A_49 = arith.addi %select_n3A, %add3A_48 : i32
    %while3A = arith.constant 0 : i32
    %while3A_50 = arith.constant 0 : i32
    %while3A_51 = arith.subi %add3A_49, %while3A_50 : i32
    %while3A_52 = arith.addi %while3A_50, %while3A_51 : i32
    %while3A_53 = arith.constant 1 : i32
    %while3A_54 = arith.divsi %while3A_51, %while3A_53 : i32
    %while3A_55 = arith.muli %while3A_54, %while3A_53 : i32
    %while3A_56 = arith.addi %while3A_50, %while3A_55 : i32
    %while3A_57 = arith.constant 1 : i32
    scf.for %while3A_67 = %while3A_50 to %while3A_56 step %while3A_57  : i32 {
      %rem3A = arith.constant 4 : i32
      %rem3A_68 = arith.remsi %while3A_67, %rem3A : i32
      %ge3A = arith.constant 2 : i32
      %ge3A_69 = arith.cmpi sge, %while3A_67, %ge3A : i32
      %convert_element_type3A_70 = arith.extui %ge3A_69 : i1 to i32
      %cond3A = arith.constant 0 : i32
      %cond3A_71 = arith.cmpi ne, %convert_element_type3A_70, %cond3A : i32
      scf.if %cond3A_71 {
        %add3A_82 = arith.constant 2 : i32
        %add3A_83 = arith.addi %while3A_67, %add3A_82 : i32
        %rem3A_84 = arith.constant 4 : i32
        %rem3A_85 = arith.remsi %add3A_83, %rem3A_84 : i32
        %sub3A_86 = arith.constant 2 : i32
        %sub3A_87 = arith.subi %while3A_67, %sub3A_86 : i32
        %add3A_88 = arith.addi %sub3A_87, %sub3A : i32
        %dma_wait3A = arith.constant 0 : i32
        %dma_wait3A_89 = arith.constant 0 : i32
        %dma_wait3A_90 = tpu.memref_slice %arg9[%rem3A_85, %dma_wait3A, %dma_wait3A_89] : memref<4x128x32xf32, #tpu.memory_space<vmem>> -> memref<1x128x32xf32, #tpu.memory_space<vmem>>
        %dma_wait3A_91 = tpu.memref_squeeze %dma_wait3A_90 : memref<1x128x32xf32, #tpu.memory_space<vmem>> -> memref<128x32xf32, #tpu.memory_space<vmem>>
        %dma_wait3A_92 = arith.constant 0 : i32
        %dma_wait3A_93 = tpu.memref_slice %arg8[%add3A_88, %dma_wait3A_92] : memref<149x128xi32, #tpu.memory_space<vmem>> -> memref<1x128xi32, #tpu.memory_space<vmem>>
        %dma_wait3A_94 = tpu.memref_squeeze %dma_wait3A_93 : memref<1x128xi32, #tpu.memory_space<vmem>> -> memref<128xi32, #tpu.memory_space<vmem>>
        %dma_wait3A_95 = arith.constant 0 : i32
        %dma_wait3A_96 = arith.constant 0 : i32
        %dma_wait3A_97 = tpu.memref_slice %arg10[%dma_wait3A_95, %dma_wait3A_96] : memref<10000x32xf32, #tpu.memory_space<vmem_shared>> -> memref<10000x32xf32, #tpu.memory_space<vmem_shared>>
        %dma_wait3A_98 = tpu.memref_slice %arg12[%rem3A_85] : memref<4x!tpu.dma_semaphore, #tpu.memory_space<semaphore_mem>> -> memref<1x!tpu.dma_semaphore, #tpu.memory_space<semaphore_mem>>
        %dma_wait3A_99 = tpu.memref_squeeze %dma_wait3A_98 : memref<1x!tpu.dma_semaphore, #tpu.memory_space<semaphore_mem>> -> memref<!tpu.dma_semaphore, #tpu.memory_space<semaphore_mem>>
        tpu.wait_indirect_dma semaphore(%dma_wait3A_99 : memref<!tpu.dma_semaphore, #tpu.memory_space<semaphore_mem>>) src(%dma_wait3A_91 : memref<128x32xf32, #tpu.memory_space<vmem>>) dst(%dma_wait3A_97 : memref<10000x32xf32, #tpu.memory_space<vmem_shared>>)
      } else {
      }
      %add3A_72 = arith.constant 2 : i32
      %add3A_73 = arith.addi %while3A_67, %add3A_72 : i32
      %lt3A_74 = arith.cmpi slt, %add3A_73, %select_n3A : i32
      %convert_element_type3A_75 = arith.extui %lt3A_74 : i1 to i32
      %cond3A_76 = arith.constant 0 : i32
      %cond3A_77 = arith.cmpi ne, %convert_element_type3A_75, %cond3A_76 : i32
      scf.if %cond3A_77 {
        %add3A_82 = arith.constant 2 : i32
        %add3A_83 = arith.addi %while3A_67, %add3A_82 : i32
        %rem3A_84 = arith.constant 4 : i32
        %rem3A_85 = arith.remsi %add3A_83, %rem3A_84 : i32
        %add3A_86 = arith.constant 2 : i32
        %add3A_87 = arith.addi %while3A_67, %add3A_86 : i32
        %add3A_88 = arith.addi %add3A_87, %sub3A : i32
        %dma_start3A_89 = arith.constant 0 : i32
        %dma_start3A_90 = arith.constant 0 : i32
        %dma_start3A_91 = tpu.memref_slice %arg9[%rem3A_85, %dma_start3A_89, %dma_start3A_90] : memref<4x128x32xf32, #tpu.memory_space<vmem>> -> memref<1x128x32xf32, #tpu.memory_space<vmem>>
        %dma_start3A_92 = tpu.memref_squeeze %dma_start3A_91 : memref<1x128x32xf32, #tpu.memory_space<vmem>> -> memref<128x32xf32, #tpu.memory_space<vmem>>
        %dma_start3A_93 = arith.constant 0 : i32
        %dma_start3A_94 = tpu.memref_slice %arg7[%add3A_88, %dma_start3A_93] : memref<149x128xi32, #tpu.memory_space<vmem>> -> memref<1x128xi32, #tpu.memory_space<vmem>>
        %dma_start3A_95 = tpu.memref_squeeze %dma_start3A_94 : memref<1x128xi32, #tpu.memory_space<vmem>> -> memref<128xi32, #tpu.memory_space<vmem>>
        %dma_start3A_96 = arith.constant 0 : i32
        %dma_start3A_97 = arith.constant 0 : i32
        %dma_start3A_98 = tpu.memref_slice %arg2[%dma_start3A_96, %dma_start3A_97] : memref<10000x32xf32, #tpu.memory_space<hbm>> -> memref<10000x32xf32, #tpu.memory_space<hbm>>
        %dma_start3A_99 = tpu.memref_slice %arg11[%rem3A_85] : memref<4x!tpu.dma_semaphore, #tpu.memory_space<semaphore_mem>> -> memref<1x!tpu.dma_semaphore, #tpu.memory_space<semaphore_mem>>
        %dma_start3A_100 = tpu.memref_squeeze %dma_start3A_99 : memref<1x!tpu.dma_semaphore, #tpu.memory_space<semaphore_mem>> -> memref<!tpu.dma_semaphore, #tpu.memory_space<semaphore_mem>>
        tpu.enqueue_indirect_dma source(%dma_start3A_98 : memref<10000x32xf32, #tpu.memory_space<hbm>>) target(%dma_start3A_92 : memref<128x32xf32, #tpu.memory_space<vmem>>) offsets(%dma_start3A_95 : memref<128xi32, #tpu.memory_space<vmem>>) semaphore(%dma_start3A_100 : memref<!tpu.dma_semaphore, #tpu.memory_space<semaphore_mem>>)
      } else {
      }
      %lt3A_78 = arith.cmpi slt, %while3A_67, %select_n3A : i32
      %convert_element_type3A_79 = arith.extui %lt3A_78 : i1 to i32
      %cond3A_80 = arith.constant 0 : i32
      %cond3A_81 = arith.cmpi ne, %convert_element_type3A_79, %cond3A_80 : i32
      scf.if %cond3A_81 {
        %add3A_82 = arith.addi %while3A_67, %sub3A : i32
        %dma_wait3A = arith.constant 0 : i32
        %dma_wait3A_83 = arith.constant 0 : i32
        %dma_wait3A_84 = tpu.memref_slice %arg9[%rem3A_68, %dma_wait3A, %dma_wait3A_83] : memref<4x128x32xf32, #tpu.memory_space<vmem>> -> memref<1x128x32xf32, #tpu.memory_space<vmem>>
        %dma_wait3A_85 = tpu.memref_squeeze %dma_wait3A_84 : memref<1x128x32xf32, #tpu.memory_space<vmem>> -> memref<128x32xf32, #tpu.memory_space<vmem>>
        %dma_wait3A_86 = arith.constant 0 : i32
        %dma_wait3A_87 = tpu.memref_slice %arg7[%add3A_82, %dma_wait3A_86] : memref<149x128xi32, #tpu.memory_space<vmem>> -> memref<1x128xi32, #tpu.memory_space<vmem>>
        %dma_wait3A_88 = tpu.memref_squeeze %dma_wait3A_87 : memref<1x128xi32, #tpu.memory_space<vmem>> -> memref<128xi32, #tpu.memory_space<vmem>>
        %dma_wait3A_89 = arith.constant 0 : i32
        %dma_wait3A_90 = arith.constant 0 : i32
        %dma_wait3A_91 = tpu.memref_slice %arg2[%dma_wait3A_89, %dma_wait3A_90] : memref<10000x32xf32, #tpu.memory_space<hbm>> -> memref<10000x32xf32, #tpu.memory_space<hbm>>
        %dma_wait3A_92 = tpu.memref_slice %arg11[%rem3A_68] : memref<4x!tpu.dma_semaphore, #tpu.memory_space<semaphore_mem>> -> memref<1x!tpu.dma_semaphore, #tpu.memory_space<semaphore_mem>>
        %dma_wait3A_93 = tpu.memref_squeeze %dma_wait3A_92 : memref<1x!tpu.dma_semaphore, #tpu.memory_space<semaphore_mem>> -> memref<!tpu.dma_semaphore, #tpu.memory_space<semaphore_mem>>
        tpu.wait_indirect_dma semaphore(%dma_wait3A_93 : memref<!tpu.dma_semaphore, #tpu.memory_space<semaphore_mem>>) src(%dma_wait3A_91 : memref<10000x32xf32, #tpu.memory_space<hbm>>) dst(%dma_wait3A_85 : memref<128x32xf32, #tpu.memory_space<vmem>>)
        %add3A_94 = arith.addi %while3A_67, %sub3A : i32
        %dma_start3A_95 = arith.constant 0 : i32
        %dma_start3A_96 = arith.constant 0 : i32
        %dma_start3A_97 = tpu.memref_slice %arg9[%rem3A_68, %dma_start3A_95, %dma_start3A_96] : memref<4x128x32xf32, #tpu.memory_space<vmem>> -> memref<1x128x32xf32, #tpu.memory_space<vmem>>
        %dma_start3A_98 = tpu.memref_squeeze %dma_start3A_97 : memref<1x128x32xf32, #tpu.memory_space<vmem>> -> memref<128x32xf32, #tpu.memory_space<vmem>>
        %dma_start3A_99 = arith.constant 0 : i32
        %dma_start3A_100 = tpu.memref_slice %arg8[%add3A_94, %dma_start3A_99] : memref<149x128xi32, #tpu.memory_space<vmem>> -> memref<1x128xi32, #tpu.memory_space<vmem>>
        %dma_start3A_101 = tpu.memref_squeeze %dma_start3A_100 : memref<1x128xi32, #tpu.memory_space<vmem>> -> memref<128xi32, #tpu.memory_space<vmem>>
        %dma_start3A_102 = arith.constant 0 : i32
        %dma_start3A_103 = arith.constant 0 : i32
        %dma_start3A_104 = tpu.memref_slice %arg10[%dma_start3A_102, %dma_start3A_103] : memref<10000x32xf32, #tpu.memory_space<vmem_shared>> -> memref<10000x32xf32, #tpu.memory_space<vmem_shared>>
        %dma_start3A_105 = tpu.memref_slice %arg12[%rem3A_68] : memref<4x!tpu.dma_semaphore, #tpu.memory_space<semaphore_mem>> -> memref<1x!tpu.dma_semaphore, #tpu.memory_space<semaphore_mem>>
        %dma_start3A_106 = tpu.memref_squeeze %dma_start3A_105 : memref<1x!tpu.dma_semaphore, #tpu.memory_space<semaphore_mem>> -> memref<!tpu.dma_semaphore, #tpu.memory_space<semaphore_mem>>
        tpu.enqueue_indirect_dma source(%dma_start3A_98 : memref<128x32xf32, #tpu.memory_space<vmem>>) target(%dma_start3A_104 : memref<10000x32xf32, #tpu.memory_space<vmem_shared>>) offsets(%dma_start3A_101 : memref<128xi32, #tpu.memory_space<vmem>>) semaphore(%dma_start3A_106 : memref<!tpu.dma_semaphore, #tpu.memory_space<semaphore_mem>>) {add = true}
      } else {
      }
    }
    %while3A_58 = arith.constant 1 : i32
    scf.for %while3A_67 = %while3A_56 to %while3A_52 step %while3A_58  : i32 {
      %rem3A = arith.constant 4 : i32
      %rem3A_68 = arith.remsi %while3A_67, %rem3A : i32
      %ge3A = arith.constant 2 : i32
      %ge3A_69 = arith.cmpi sge, %while3A_67, %ge3A : i32
      %convert_element_type3A_70 = arith.extui %ge3A_69 : i1 to i32
      %cond3A = arith.constant 0 : i32
      %cond3A_71 = arith.cmpi ne, %convert_element_type3A_70, %cond3A : i32
      scf.if %cond3A_71 {
        %add3A_82 = arith.constant 2 : i32
        %add3A_83 = arith.addi %while3A_67, %add3A_82 : i32
        %rem3A_84 = arith.constant 4 : i32
        %rem3A_85 = arith.remsi %add3A_83, %rem3A_84 : i32
        %sub3A_86 = arith.constant 2 : i32
        %sub3A_87 = arith.subi %while3A_67, %sub3A_86 : i32
        %add3A_88 = arith.addi %sub3A_87, %sub3A : i32
        %dma_wait3A = arith.constant 0 : i32
        %dma_wait3A_89 = arith.constant 0 : i32
        %dma_wait3A_90 = tpu.memref_slice %arg9[%rem3A_85, %dma_wait3A, %dma_wait3A_89] : memref<4x128x32xf32, #tpu.memory_space<vmem>> -> memref<1x128x32xf32, #tpu.memory_space<vmem>>
        %dma_wait3A_91 = tpu.memref_squeeze %dma_wait3A_90 : memref<1x128x32xf32, #tpu.memory_space<vmem>> -> memref<128x32xf32, #tpu.memory_space<vmem>>
        %dma_wait3A_92 = arith.constant 0 : i32
        %dma_wait3A_93 = tpu.memref_slice %arg8[%add3A_88, %dma_wait3A_92] : memref<149x128xi32, #tpu.memory_space<vmem>> -> memref<1x128xi32, #tpu.memory_space<vmem>>
        %dma_wait3A_94 = tpu.memref_squeeze %dma_wait3A_93 : memref<1x128xi32, #tpu.memory_space<vmem>> -> memref<128xi32, #tpu.memory_space<vmem>>
        %dma_wait3A_95 = arith.constant 0 : i32
        %dma_wait3A_96 = arith.constant 0 : i32
        %dma_wait3A_97 = tpu.memref_slice %arg10[%dma_wait3A_95, %dma_wait3A_96] : memref<10000x32xf32, #tpu.memory_space<vmem_shared>> -> memref<10000x32xf32, #tpu.memory_space<vmem_shared>>
        %dma_wait3A_98 = tpu.memref_slice %arg12[%rem3A_85] : memref<4x!tpu.dma_semaphore, #tpu.memory_space<semaphore_mem>> -> memref<1x!tpu.dma_semaphore, #tpu.memory_space<semaphore_mem>>
        %dma_wait3A_99 = tpu.memref_squeeze %dma_wait3A_98 : memref<1x!tpu.dma_semaphore, #tpu.memory_space<semaphore_mem>> -> memref<!tpu.dma_semaphore, #tpu.memory_space<semaphore_mem>>
        tpu.wait_indirect_dma semaphore(%dma_wait3A_99 : memref<!tpu.dma_semaphore, #tpu.memory_space<semaphore_mem>>) src(%dma_wait3A_91 : memref<128x32xf32, #tpu.memory_space<vmem>>) dst(%dma_wait3A_97 : memref<10000x32xf32, #tpu.memory_space<vmem_shared>>)
      } else {
      }
      %add3A_72 = arith.constant 2 : i32
      %add3A_73 = arith.addi %while3A_67, %add3A_72 : i32
      %lt3A_74 = arith.cmpi slt, %add3A_73, %select_n3A : i32
      %convert_element_type3A_75 = arith.extui %lt3A_74 : i1 to i32
      %cond3A_76 = arith.constant 0 : i32
      %cond3A_77 = arith.cmpi ne, %convert_element_type3A_75, %cond3A_76 : i32
      scf.if %cond3A_77 {
        %add3A_82 = arith.constant 2 : i32
        %add3A_83 = arith.addi %while3A_67, %add3A_82 : i32
        %rem3A_84 = arith.constant 4 : i32
        %rem3A_85 = arith.remsi %add3A_83, %rem3A_84 : i32
        %add3A_86 = arith.constant 2 : i32
        %add3A_87 = arith.addi %while3A_67, %add3A_86 : i32
        %add3A_88 = arith.addi %add3A_87, %sub3A : i32
        %dma_start3A_89 = arith.constant 0 : i32
        %dma_start3A_90 = arith.constant 0 : i32
        %dma_start3A_91 = tpu.memref_slice %arg9[%rem3A_85, %dma_start3A_89, %dma_start3A_90] : memref<4x128x32xf32, #tpu.memory_space<vmem>> -> memref<1x128x32xf32, #tpu.memory_space<vmem>>
        %dma_start3A_92 = tpu.memref_squeeze %dma_start3A_91 : memref<1x128x32xf32, #tpu.memory_space<vmem>> -> memref<128x32xf32, #tpu.memory_space<vmem>>
        %dma_start3A_93 = arith.constant 0 : i32
        %dma_start3A_94 = tpu.memref_slice %arg7[%add3A_88, %dma_start3A_93] : memref<149x128xi32, #tpu.memory_space<vmem>> -> memref<1x128xi32, #tpu.memory_space<vmem>>
        %dma_start3A_95 = tpu.memref_squeeze %dma_start3A_94 : memref<1x128xi32, #tpu.memory_space<vmem>> -> memref<128xi32, #tpu.memory_space<vmem>>
        %dma_start3A_96 = arith.constant 0 : i32
        %dma_start3A_97 = arith.constant 0 : i32
        %dma_start3A_98 = tpu.memref_slice %arg2[%dma_start3A_96, %dma_start3A_97] : memref<10000x32xf32, #tpu.memory_space<hbm>> -> memref<10000x32xf32, #tpu.memory_space<hbm>>
        %dma_start3A_99 = tpu.memref_slice %arg11[%rem3A_85] : memref<4x!tpu.dma_semaphore, #tpu.memory_space<semaphore_mem>> -> memref<1x!tpu.dma_semaphore, #tpu.memory_space<semaphore_mem>>
        %dma_start3A_100 = tpu.memref_squeeze %dma_start3A_99 : memref<1x!tpu.dma_semaphore, #tpu.memory_space<semaphore_mem>> -> memref<!tpu.dma_semaphore, #tpu.memory_space<semaphore_mem>>
        tpu.enqueue_indirect_dma source(%dma_start3A_98 : memref<10000x32xf32, #tpu.memory_space<hbm>>) target(%dma_start3A_92 : memref<128x32xf32, #tpu.memory_space<vmem>>) offsets(%dma_start3A_95 : memref<128xi32, #tpu.memory_space<vmem>>) semaphore(%dma_start3A_100 : memref<!tpu.dma_semaphore, #tpu.memory_space<semaphore_mem>>)
      } else {
      }
      %lt3A_78 = arith.cmpi slt, %while3A_67, %select_n3A : i32
      %convert_element_type3A_79 = arith.extui %lt3A_78 : i1 to i32
      %cond3A_80 = arith.constant 0 : i32
      %cond3A_81 = arith.cmpi ne, %convert_element_type3A_79, %cond3A_80 : i32
      scf.if %cond3A_81 {
        %add3A_82 = arith.addi %while3A_67, %sub3A : i32
        %dma_wait3A = arith.constant 0 : i32
        %dma_wait3A_83 = arith.constant 0 : i32
        %dma_wait3A_84 = tpu.memref_slice %arg9[%rem3A_68, %dma_wait3A, %dma_wait3A_83] : memref<4x128x32xf32, #tpu.memory_space<vmem>> -> memref<1x128x32xf32, #tpu.memory_space<vmem>>
        %dma_wait3A_85 = tpu.memref_squeeze %dma_wait3A_84 : memref<1x128x32xf32, #tpu.memory_space<vmem>> -> memref<128x32xf32, #tpu.memory_space<vmem>>
        %dma_wait3A_86 = arith.constant 0 : i32
        %dma_wait3A_87 = tpu.memref_slice %arg7[%add3A_82, %dma_wait3A_86] : memref<149x128xi32, #tpu.memory_space<vmem>> -> memref<1x128xi32, #tpu.memory_space<vmem>>
        %dma_wait3A_88 = tpu.memref_squeeze %dma_wait3A_87 : memref<1x128xi32, #tpu.memory_space<vmem>> -> memref<128xi32, #tpu.memory_space<vmem>>
        %dma_wait3A_89 = arith.constant 0 : i32
        %dma_wait3A_90 = arith.constant 0 : i32
        %dma_wait3A_91 = tpu.memref_slice %arg2[%dma_wait3A_89, %dma_wait3A_90] : memref<10000x32xf32, #tpu.memory_space<hbm>> -> memref<10000x32xf32, #tpu.memory_space<hbm>>
        %dma_wait3A_92 = tpu.memref_slice %arg11[%rem3A_68] : memref<4x!tpu.dma_semaphore, #tpu.memory_space<semaphore_mem>> -> memref<1x!tpu.dma_semaphore, #tpu.memory_space<semaphore_mem>>
        %dma_wait3A_93 = tpu.memref_squeeze %dma_wait3A_92 : memref<1x!tpu.dma_semaphore, #tpu.memory_space<semaphore_mem>> -> memref<!tpu.dma_semaphore, #tpu.memory_space<semaphore_mem>>
        tpu.wait_indirect_dma semaphore(%dma_wait3A_93 : memref<!tpu.dma_semaphore, #tpu.memory_space<semaphore_mem>>) src(%dma_wait3A_91 : memref<10000x32xf32, #tpu.memory_space<hbm>>) dst(%dma_wait3A_85 : memref<128x32xf32, #tpu.memory_space<vmem>>)
        %add3A_94 = arith.addi %while3A_67, %sub3A : i32
        %dma_start3A_95 = arith.constant 0 : i32
        %dma_start3A_96 = arith.constant 0 : i32
        %dma_start3A_97 = tpu.memref_slice %arg9[%rem3A_68, %dma_start3A_95, %dma_start3A_96] : memref<4x128x32xf32, #tpu.memory_space<vmem>> -> memref<1x128x32xf32, #tpu.memory_space<vmem>>
        %dma_start3A_98 = tpu.memref_squeeze %dma_start3A_97 : memref<1x128x32xf32, #tpu.memory_space<vmem>> -> memref<128x32xf32, #tpu.memory_space<vmem>>
        %dma_start3A_99 = arith.constant 0 : i32
        %dma_start3A_100 = tpu.memref_slice %arg8[%add3A_94, %dma_start3A_99] : memref<149x128xi32, #tpu.memory_space<vmem>> -> memref<1x128xi32, #tpu.memory_space<vmem>>
        %dma_start3A_101 = tpu.memref_squeeze %dma_start3A_100 : memref<1x128xi32, #tpu.memory_space<vmem>> -> memref<128xi32, #tpu.memory_space<vmem>>
        %dma_start3A_102 = arith.constant 0 : i32
        %dma_start3A_103 = arith.constant 0 : i32
        %dma_start3A_104 = tpu.memref_slice %arg10[%dma_start3A_102, %dma_start3A_103] : memref<10000x32xf32, #tpu.memory_space<vmem_shared>> -> memref<10000x32xf32, #tpu.memory_space<vmem_shared>>
        %dma_start3A_105 = tpu.memref_slice %arg12[%rem3A_68] : memref<4x!tpu.dma_semaphore, #tpu.memory_space<semaphore_mem>> -> memref<1x!tpu.dma_semaphore, #tpu.memory_space<semaphore_mem>>
        %dma_start3A_106 = tpu.memref_squeeze %dma_start3A_105 : memref<1x!tpu.dma_semaphore, #tpu.memory_space<semaphore_mem>> -> memref<!tpu.dma_semaphore, #tpu.memory_space<semaphore_mem>>
        tpu.enqueue_indirect_dma source(%dma_start3A_98 : memref<128x32xf32, #tpu.memory_space<vmem>>) target(%dma_start3A_104 : memref<10000x32xf32, #tpu.memory_space<vmem_shared>>) offsets(%dma_start3A_101 : memref<128xi32, #tpu.memory_space<vmem>>) semaphore(%dma_start3A_106 : memref<!tpu.dma_semaphore, #tpu.memory_space<semaphore_mem>>) {add = true}
      } else {
      }
    }
    %barrier3A_59 = arith.constant 0 : index
    tpu.barrier barrier_id(%barrier3A_59)
    %mul3A_60 = arith.constant 625 : i32
    %mul3A_61 = arith.muli %arg1, %mul3A_60 : i32
    %mul3A_62 = arith.constant 10000 : i32
    %mul3A_63 = arith.muli %arg0, %mul3A_62 : i32
    %mul3A_64 = arith.constant 625 : i32
    %mul3A_65 = arith.muli %arg1, %mul3A_64 : i32
    %add3A_66 = arith.addi %mul3A_63, %mul3A_65 : i32
    "tpu.region"() ({
      %run_scoped3A = tpu.sem_alloc : memref<!tpu.dma_semaphore, #tpu.memory_space<semaphore_mem>>
      %dma_start3A_67 = arith.constant 0 : i32
      %dma_start3A_68 = tpu.memref_slice %arg6[%add3A_66, %dma_start3A_67] : memref<20000x32xf32, #tpu.memory_space<hbm>> -> memref<625x32xf32, #tpu.memory_space<hbm>>
      %dma_start3A_69 = arith.constant 0 : i32
      %dma_start3A_70 = tpu.memref_slice %arg10[%mul3A_61, %dma_start3A_69] : memref<10000x32xf32, #tpu.memory_space<vmem_shared>> -> memref<625x32xf32, #tpu.memory_space<vmem_shared>>
      tpu.enqueue_dma source(%dma_start3A_70 : memref<625x32xf32, #tpu.memory_space<vmem_shared>>) target(%dma_start3A_68 : memref<625x32xf32, #tpu.memory_space<hbm>>) target_semaphore(%run_scoped3A : memref<!tpu.dma_semaphore, #tpu.memory_space<semaphore_mem>>)
      %dma_wait3A = arith.constant 0 : i32
      %dma_wait3A_71 = tpu.memref_slice %arg6[%add3A_66, %dma_wait3A] : memref<20000x32xf32, #tpu.memory_space<hbm>> -> memref<625x32xf32, #tpu.memory_space<hbm>>
      %dma_wait3A_72 = arith.constant 0 : i32
      %dma_wait3A_73 = tpu.memref_slice %arg10[%mul3A_61, %dma_wait3A_72] : memref<10000x32xf32, #tpu.memory_space<vmem_shared>> -> memref<625x32xf32, #tpu.memory_space<vmem_shared>>
      tpu.wait_dma2 semaphore(%run_scoped3A : memref<!tpu.dma_semaphore, #tpu.memory_space<semaphore_mem>>) src(%dma_wait3A_73 : memref<625x32xf32, #tpu.memory_space<vmem_shared>>) dst(%dma_wait3A_71 : memref<625x32xf32, #tpu.memory_space<hbm>>)
      tpu.yield
    }) : () -> ()
    return
  }
}

#map = affine_map<(d0, d1) -> (0, 0)>
module attributes {stable_mosaic.version = 14 : i64} {
  func.func @sck(%arg0: i32, %arg1: i32, %arg2: memref<10000x16xf32, #tpu.memory_space<hbm>>, %arg3: memref<2500x128xi32, #tpu.memory_space<hbm>>, %arg4: memref<2500x128xi32, #tpu.memory_space<hbm>>, %arg5: memref<625x16xf32, #tpu.memory_space<hbm>>, %arg6: memref<20000x16xf32, #tpu.memory_space<hbm>>, %arg7: memref<149x128xi32, #tpu.memory_space<vmem>>, %arg8: memref<149x128xi32, #tpu.memory_space<vmem>>, %arg9: memref<4x128x16xf32, #tpu.memory_space<vmem>>, %arg10: memref<10000x16xf32, #tpu.memory_space<vmem_shared>>, %arg11: memref<4x!tpu.dma_semaphore, #tpu.memory_space<semaphore_mem>>, %arg12: memref<4x!tpu.dma_semaphore, #tpu.memory_space<semaphore_mem>>) attributes {dimension_semantics = [#tpu.dimension_semantics<core_parallel>, #tpu.dimension_semantics<subcore_parallel>], iteration_bounds = array<i64: 2, 16>, scalar_prefetch = 0 : i64, scratch_operands = 6 : i64, tpu.core_type = #tpu.core_type<sc_vector_subcore>, window_params = [{transform_indices = #map}, {transform_indices = #map}, {transform_indices = #map}, {transform_indices = #map}, {transform_indices = #map}]} {
    %eq3A = arith.constant 0 : i32
    %eq3A_0 = arith.cmpi eq, %arg0, %eq3A : i32
    %lt3A = arith.constant 4 : i32
    %lt3A_1 = arith.cmpi slt, %arg1, %lt3A : i32
    %convert_element_type3A = arith.extui %lt3A_1 : i1 to i32
    %add3A = arith.constant 78 : i32
    %add3A_2 = arith.addi %add3A, %convert_element_type3A : i32
    %jit3A = arith.constant 78 : i32
    %select_n3A = arith.select %eq3A_0, %add3A_2, %jit3A : i32
    %eq3A_3 = arith.constant 0 : i32
    %eq3A_4 = arith.cmpi eq, %arg0, %eq3A_3 : i32
    %mul3A = arith.constant 78 : i32
    %mul3A_5 = arith.muli %arg1, %mul3A : i32
    %min3A = arith.constant 4 : i32
    %min3A_6 = arith.minsi %arg1, %min3A : i32
    %add3A_7 = arith.addi %mul3A_5, %min3A_6 : i32
    %mul3A_8 = arith.constant 78 : i32
    %mul3A_9 = arith.muli %arg1, %mul3A_8 : i32
    %add3A_10 = arith.constant 1252 : i32
    %add3A_11 = arith.addi %add3A_10, %mul3A_9 : i32
    %select_n3A_12 = arith.select %eq3A_4, %add3A_7, %add3A_11 : i32
    %min3A_13 = arith.constant 2351 : i32
    %min3A_14 = arith.minsi %select_n3A_12, %min3A_13 : i32
    %sub3A = arith.subi %select_n3A_12, %min3A_14 : i32
    %mul3A_15 = arith.constant 625 : i32
    %mul3A_16 = arith.muli %arg1, %mul3A_15 : i32
    "tpu.region"() ({
      %run_scoped3A = tpu.sem_alloc : memref<!tpu.dma_semaphore, #tpu.memory_space<semaphore_mem>>
      %dma_start3A_67 = arith.constant 0 : i32
      %dma_start3A_68 = tpu.memref_slice %arg10[%mul3A_16, %dma_start3A_67] : memref<10000x16xf32, #tpu.memory_space<vmem_shared>> -> memref<625x16xf32, #tpu.memory_space<vmem_shared>>
      tpu.enqueue_dma source(%arg5 : memref<625x16xf32, #tpu.memory_space<hbm>>) target(%dma_start3A_68 : memref<625x16xf32, #tpu.memory_space<vmem_shared>>) target_semaphore(%run_scoped3A : memref<!tpu.dma_semaphore, #tpu.memory_space<semaphore_mem>>)
      %dma_wait3A = arith.constant 0 : i32
      %dma_wait3A_69 = tpu.memref_slice %arg10[%mul3A_16, %dma_wait3A] : memref<10000x16xf32, #tpu.memory_space<vmem_shared>> -> memref<625x16xf32, #tpu.memory_space<vmem_shared>>
      tpu.wait_dma2 semaphore(%run_scoped3A : memref<!tpu.dma_semaphore, #tpu.memory_space<semaphore_mem>>) src(%arg5 : memref<625x16xf32, #tpu.memory_space<hbm>>) dst(%dma_wait3A_69 : memref<625x16xf32, #tpu.memory_space<vmem_shared>>)
      tpu.yield
    }) : () -> ()
    "tpu.region"() ({
      %run_scoped3A = tpu.sem_alloc : memref<!tpu.dma_semaphore, #tpu.memory_space<semaphore_mem>>
      %dma_start3A_67 = arith.constant 0 : i32
      %dma_start3A_68 = tpu.memref_slice %arg3[%min3A_14, %dma_start3A_67] : memref<2500x128xi32, #tpu.memory_space<hbm>> -> memref<149x128xi32, #tpu.memory_space<hbm>>
      %dma_start3A_69 = arith.constant 0 : i32
      %dma_start3A_70 = tpu.memref_slice %arg3[%min3A_14, %dma_start3A_69] : memref<2500x128xi32, #tpu.memory_space<hbm>> -> memref<149x128xi32, #tpu.memory_space<hbm>>
      tpu.enqueue_dma source(%dma_start3A_70 : memref<149x128xi32, #tpu.memory_space<hbm>>) target(%arg7 : memref<149x128xi32, #tpu.memory_space<vmem>>) target_semaphore(%run_scoped3A : memref<!tpu.dma_semaphore, #tpu.memory_space<semaphore_mem>>)
      %dma_wait3A = arith.constant 0 : i32
      %dma_wait3A_71 = tpu.memref_slice %arg3[%min3A_14, %dma_wait3A] : memref<2500x128xi32, #tpu.memory_space<hbm>> -> memref<149x128xi32, #tpu.memory_space<hbm>>
      %dma_wait3A_72 = arith.constant 0 : i32
      %dma_wait3A_73 = tpu.memref_slice %arg3[%min3A_14, %dma_wait3A_72] : memref<2500x128xi32, #tpu.memory_space<hbm>> -> memref<149x128xi32, #tpu.memory_space<hbm>>
      tpu.wait_dma2 semaphore(%run_scoped3A : memref<!tpu.dma_semaphore, #tpu.memory_space<semaphore_mem>>) src(%dma_wait3A_73 : memref<149x128xi32, #tpu.memory_space<hbm>>) dst(%arg7 : memref<149x128xi32, #tpu.memory_space<vmem>>)
      tpu.yield
    }) : () -> ()
    "tpu.region"() ({
      %run_scoped3A = tpu.sem_alloc : memref<!tpu.dma_semaphore, #tpu.memory_space<semaphore_mem>>
      %dma_start3A_67 = arith.constant 0 : i32
      %dma_start3A_68 = tpu.memref_slice %arg4[%min3A_14, %dma_start3A_67] : memref<2500x128xi32, #tpu.memory_space<hbm>> -> memref<149x128xi32, #tpu.memory_space<hbm>>
      %dma_start3A_69 = arith.constant 0 : i32
      %dma_start3A_70 = tpu.memref_slice %arg4[%min3A_14, %dma_start3A_69] : memref<2500x128xi32, #tpu.memory_space<hbm>> -> memref<149x128xi32, #tpu.memory_space<hbm>>
      tpu.enqueue_dma source(%dma_start3A_70 : memref<149x128xi32, #tpu.memory_space<hbm>>) target(%arg8 : memref<149x128xi32, #tpu.memory_space<vmem>>) target_semaphore(%run_scoped3A : memref<!tpu.dma_semaphore, #tpu.memory_space<semaphore_mem>>)
      %dma_wait3A = arith.constant 0 : i32
      %dma_wait3A_71 = tpu.memref_slice %arg4[%min3A_14, %dma_wait3A] : memref<2500x128xi32, #tpu.memory_space<hbm>> -> memref<149x128xi32, #tpu.memory_space<hbm>>
      %dma_wait3A_72 = arith.constant 0 : i32
      %dma_wait3A_73 = tpu.memref_slice %arg4[%min3A_14, %dma_wait3A_72] : memref<2500x128xi32, #tpu.memory_space<hbm>> -> memref<149x128xi32, #tpu.memory_space<hbm>>
      tpu.wait_dma2 semaphore(%run_scoped3A : memref<!tpu.dma_semaphore, #tpu.memory_space<semaphore_mem>>) src(%dma_wait3A_73 : memref<149x128xi32, #tpu.memory_space<hbm>>) dst(%arg8 : memref<149x128xi32, #tpu.memory_space<vmem>>)
      tpu.yield
    }) : () -> ()
    %barrier3A = arith.constant 0 : index
    tpu.barrier barrier_id(%barrier3A)
    %add3A_17 = arith.constant 0 : i32
    %add3A_18 = arith.addi %add3A_17, %sub3A : i32
    %dma_start3A = arith.constant 0 : i32
    %dma_start3A_19 = arith.constant 0 : i32
    %dma_start3A_20 = arith.constant 0 : i32
    %dma_start3A_21 = arith.constant 0 : i32
    %dma_start3A_22 = tpu.memref_slice %arg9[%dma_start3A, %dma_start3A_20, %dma_start3A_21] : memref<4x128x16xf32, #tpu.memory_space<vmem>> -> memref<1x128x16xf32, #tpu.memory_space<vmem>>
    %dma_start3A_23 = tpu.memref_squeeze %dma_start3A_22 : memref<1x128x16xf32, #tpu.memory_space<vmem>> -> memref<128x16xf32, #tpu.memory_space<vmem>>
    %dma_start3A_24 = arith.constant 0 : i32
    %dma_start3A_25 = tpu.memref_slice %arg7[%add3A_18, %dma_start3A_24] : memref<149x128xi32, #tpu.memory_space<vmem>> -> memref<1x128xi32, #tpu.memory_space<vmem>>
    %dma_start3A_26 = tpu.memref_squeeze %dma_start3A_25 : memref<1x128xi32, #tpu.memory_space<vmem>> -> memref<128xi32, #tpu.memory_space<vmem>>
    %dma_start3A_27 = arith.constant 0 : i32
    %dma_start3A_28 = arith.constant 0 : i32
    %dma_start3A_29 = tpu.memref_slice %arg2[%dma_start3A_27, %dma_start3A_28] : memref<10000x16xf32, #tpu.memory_space<hbm>> -> memref<10000x16xf32, #tpu.memory_space<hbm>>
    %dma_start3A_30 = tpu.memref_slice %arg11[%dma_start3A_19] : memref<4x!tpu.dma_semaphore, #tpu.memory_space<semaphore_mem>> -> memref<1x!tpu.dma_semaphore, #tpu.memory_space<semaphore_mem>>
    %dma_start3A_31 = tpu.memref_squeeze %dma_start3A_30 : memref<1x!tpu.dma_semaphore, #tpu.memory_space<semaphore_mem>> -> memref<!tpu.dma_semaphore, #tpu.memory_space<semaphore_mem>>
    tpu.enqueue_indirect_dma source(%dma_start3A_29 : memref<10000x16xf32, #tpu.memory_space<hbm>>) target(%dma_start3A_23 : memref<128x16xf32, #tpu.memory_space<vmem>>) offsets(%dma_start3A_26 : memref<128xi32, #tpu.memory_space<vmem>>) semaphore(%dma_start3A_31 : memref<!tpu.dma_semaphore, #tpu.memory_space<semaphore_mem>>)
    %add3A_32 = arith.constant 1 : i32
    %add3A_33 = arith.addi %add3A_32, %sub3A : i32
    %dma_start3A_34 = arith.constant 1 : i32
    %dma_start3A_35 = arith.constant 1 : i32
    %dma_start3A_36 = arith.constant 0 : i32
    %dma_start3A_37 = arith.constant 0 : i32
    %dma_start3A_38 = tpu.memref_slice %arg9[%dma_start3A_34, %dma_start3A_36, %dma_start3A_37] : memref<4x128x16xf32, #tpu.memory_space<vmem>> -> memref<1x128x16xf32, #tpu.memory_space<vmem>>
    %dma_start3A_39 = tpu.memref_squeeze %dma_start3A_38 : memref<1x128x16xf32, #tpu.memory_space<vmem>> -> memref<128x16xf32, #tpu.memory_space<vmem>>
    %dma_start3A_40 = arith.constant 0 : i32
    %dma_start3A_41 = tpu.memref_slice %arg7[%add3A_33, %dma_start3A_40] : memref<149x128xi32, #tpu.memory_space<vmem>> -> memref<1x128xi32, #tpu.memory_space<vmem>>
    %dma_start3A_42 = tpu.memref_squeeze %dma_start3A_41 : memref<1x128xi32, #tpu.memory_space<vmem>> -> memref<128xi32, #tpu.memory_space<vmem>>
    %dma_start3A_43 = arith.constant 0 : i32
    %dma_start3A_44 = arith.constant 0 : i32
    %dma_start3A_45 = tpu.memref_slice %arg2[%dma_start3A_43, %dma_start3A_44] : memref<10000x16xf32, #tpu.memory_space<hbm>> -> memref<10000x16xf32, #tpu.memory_space<hbm>>
    %dma_start3A_46 = tpu.memref_slice %arg11[%dma_start3A_35] : memref<4x!tpu.dma_semaphore, #tpu.memory_space<semaphore_mem>> -> memref<1x!tpu.dma_semaphore, #tpu.memory_space<semaphore_mem>>
    %dma_start3A_47 = tpu.memref_squeeze %dma_start3A_46 : memref<1x!tpu.dma_semaphore, #tpu.memory_space<semaphore_mem>> -> memref<!tpu.dma_semaphore, #tpu.memory_space<semaphore_mem>>
    tpu.enqueue_indirect_dma source(%dma_start3A_45 : memref<10000x16xf32, #tpu.memory_space<hbm>>) target(%dma_start3A_39 : memref<128x16xf32, #tpu.memory_space<vmem>>) offsets(%dma_start3A_42 : memref<128xi32, #tpu.memory_space<vmem>>) semaphore(%dma_start3A_47 : memref<!tpu.dma_semaphore, #tpu.memory_space<semaphore_mem>>)
    %add3A_48 = arith.constant 2 : i32
    %add3A_49 = arith.addi %select_n3A, %add3A_48 : i32
    %while3A = arith.constant 0 : i32
    %while3A_50 = arith.constant 0 : i32
    %while3A_51 = arith.subi %add3A_49, %while3A_50 : i32
    %while3A_52 = arith.addi %while3A_50, %while3A_51 : i32
    %while3A_53 = arith.constant 1 : i32
    %while3A_54 = arith.divsi %while3A_51, %while3A_53 : i32
    %while3A_55 = arith.muli %while3A_54, %while3A_53 : i32
    %while3A_56 = arith.addi %while3A_50, %while3A_55 : i32
    %while3A_57 = arith.constant 1 : i32
    scf.for %while3A_67 = %while3A_50 to %while3A_56 step %while3A_57  : i32 {
      %rem3A = arith.constant 4 : i32
      %rem3A_68 = arith.remsi %while3A_67, %rem3A : i32
      %ge3A = arith.constant 2 : i32
      %ge3A_69 = arith.cmpi sge, %while3A_67, %ge3A : i32
      %convert_element_type3A_70 = arith.extui %ge3A_69 : i1 to i32
      %cond3A = arith.constant 0 : i32
      %cond3A_71 = arith.cmpi ne, %convert_element_type3A_70, %cond3A : i32
      scf.if %cond3A_71 {
        %add3A_82 = arith.constant 2 : i32
        %add3A_83 = arith.addi %while3A_67, %add3A_82 : i32
        %rem3A_84 = arith.constant 4 : i32
        %rem3A_85 = arith.remsi %add3A_83, %rem3A_84 : i32
        %sub3A_86 = arith.constant 2 : i32
        %sub3A_87 = arith.subi %while3A_67, %sub3A_86 : i32
        %add3A_88 = arith.addi %sub3A_87, %sub3A : i32
        %dma_wait3A = arith.constant 0 : i32
        %dma_wait3A_89 = arith.constant 0 : i32
        %dma_wait3A_90 = tpu.memref_slice %arg9[%rem3A_85, %dma_wait3A, %dma_wait3A_89] : memref<4x128x16xf32, #tpu.memory_space<vmem>> -> memref<1x128x16xf32, #tpu.memory_space<vmem>>
        %dma_wait3A_91 = tpu.memref_squeeze %dma_wait3A_90 : memref<1x128x16xf32, #tpu.memory_space<vmem>> -> memref<128x16xf32, #tpu.memory_space<vmem>>
        %dma_wait3A_92 = arith.constant 0 : i32
        %dma_wait3A_93 = tpu.memref_slice %arg8[%add3A_88, %dma_wait3A_92] : memref<149x128xi32, #tpu.memory_space<vmem>> -> memref<1x128xi32, #tpu.memory_space<vmem>>
        %dma_wait3A_94 = tpu.memref_squeeze %dma_wait3A_93 : memref<1x128xi32, #tpu.memory_space<vmem>> -> memref<128xi32, #tpu.memory_space<vmem>>
        %dma_wait3A_95 = arith.constant 0 : i32
        %dma_wait3A_96 = arith.constant 0 : i32
        %dma_wait3A_97 = tpu.memref_slice %arg10[%dma_wait3A_95, %dma_wait3A_96] : memref<10000x16xf32, #tpu.memory_space<vmem_shared>> -> memref<10000x16xf32, #tpu.memory_space<vmem_shared>>
        %dma_wait3A_98 = tpu.memref_slice %arg12[%rem3A_85] : memref<4x!tpu.dma_semaphore, #tpu.memory_space<semaphore_mem>> -> memref<1x!tpu.dma_semaphore, #tpu.memory_space<semaphore_mem>>
        %dma_wait3A_99 = tpu.memref_squeeze %dma_wait3A_98 : memref<1x!tpu.dma_semaphore, #tpu.memory_space<semaphore_mem>> -> memref<!tpu.dma_semaphore, #tpu.memory_space<semaphore_mem>>
        tpu.wait_indirect_dma semaphore(%dma_wait3A_99 : memref<!tpu.dma_semaphore, #tpu.memory_space<semaphore_mem>>) src(%dma_wait3A_91 : memref<128x16xf32, #tpu.memory_space<vmem>>) dst(%dma_wait3A_97 : memref<10000x16xf32, #tpu.memory_space<vmem_shared>>)
      } else {
      }
      %add3A_72 = arith.constant 2 : i32
      %add3A_73 = arith.addi %while3A_67, %add3A_72 : i32
      %lt3A_74 = arith.cmpi slt, %add3A_73, %select_n3A : i32
      %convert_element_type3A_75 = arith.extui %lt3A_74 : i1 to i32
      %cond3A_76 = arith.constant 0 : i32
      %cond3A_77 = arith.cmpi ne, %convert_element_type3A_75, %cond3A_76 : i32
      scf.if %cond3A_77 {
        %add3A_82 = arith.constant 2 : i32
        %add3A_83 = arith.addi %while3A_67, %add3A_82 : i32
        %rem3A_84 = arith.constant 4 : i32
        %rem3A_85 = arith.remsi %add3A_83, %rem3A_84 : i32
        %add3A_86 = arith.constant 2 : i32
        %add3A_87 = arith.addi %while3A_67, %add3A_86 : i32
        %add3A_88 = arith.addi %add3A_87, %sub3A : i32
        %dma_start3A_89 = arith.constant 0 : i32
        %dma_start3A_90 = arith.constant 0 : i32
        %dma_start3A_91 = tpu.memref_slice %arg9[%rem3A_85, %dma_start3A_89, %dma_start3A_90] : memref<4x128x16xf32, #tpu.memory_space<vmem>> -> memref<1x128x16xf32, #tpu.memory_space<vmem>>
        %dma_start3A_92 = tpu.memref_squeeze %dma_start3A_91 : memref<1x128x16xf32, #tpu.memory_space<vmem>> -> memref<128x16xf32, #tpu.memory_space<vmem>>
        %dma_start3A_93 = arith.constant 0 : i32
        %dma_start3A_94 = tpu.memref_slice %arg7[%add3A_88, %dma_start3A_93] : memref<149x128xi32, #tpu.memory_space<vmem>> -> memref<1x128xi32, #tpu.memory_space<vmem>>
        %dma_start3A_95 = tpu.memref_squeeze %dma_start3A_94 : memref<1x128xi32, #tpu.memory_space<vmem>> -> memref<128xi32, #tpu.memory_space<vmem>>
        %dma_start3A_96 = arith.constant 0 : i32
        %dma_start3A_97 = arith.constant 0 : i32
        %dma_start3A_98 = tpu.memref_slice %arg2[%dma_start3A_96, %dma_start3A_97] : memref<10000x16xf32, #tpu.memory_space<hbm>> -> memref<10000x16xf32, #tpu.memory_space<hbm>>
        %dma_start3A_99 = tpu.memref_slice %arg11[%rem3A_85] : memref<4x!tpu.dma_semaphore, #tpu.memory_space<semaphore_mem>> -> memref<1x!tpu.dma_semaphore, #tpu.memory_space<semaphore_mem>>
        %dma_start3A_100 = tpu.memref_squeeze %dma_start3A_99 : memref<1x!tpu.dma_semaphore, #tpu.memory_space<semaphore_mem>> -> memref<!tpu.dma_semaphore, #tpu.memory_space<semaphore_mem>>
        tpu.enqueue_indirect_dma source(%dma_start3A_98 : memref<10000x16xf32, #tpu.memory_space<hbm>>) target(%dma_start3A_92 : memref<128x16xf32, #tpu.memory_space<vmem>>) offsets(%dma_start3A_95 : memref<128xi32, #tpu.memory_space<vmem>>) semaphore(%dma_start3A_100 : memref<!tpu.dma_semaphore, #tpu.memory_space<semaphore_mem>>)
      } else {
      }
      %lt3A_78 = arith.cmpi slt, %while3A_67, %select_n3A : i32
      %convert_element_type3A_79 = arith.extui %lt3A_78 : i1 to i32
      %cond3A_80 = arith.constant 0 : i32
      %cond3A_81 = arith.cmpi ne, %convert_element_type3A_79, %cond3A_80 : i32
      scf.if %cond3A_81 {
        %add3A_82 = arith.addi %while3A_67, %sub3A : i32
        %dma_wait3A = arith.constant 0 : i32
        %dma_wait3A_83 = arith.constant 0 : i32
        %dma_wait3A_84 = tpu.memref_slice %arg9[%rem3A_68, %dma_wait3A, %dma_wait3A_83] : memref<4x128x16xf32, #tpu.memory_space<vmem>> -> memref<1x128x16xf32, #tpu.memory_space<vmem>>
        %dma_wait3A_85 = tpu.memref_squeeze %dma_wait3A_84 : memref<1x128x16xf32, #tpu.memory_space<vmem>> -> memref<128x16xf32, #tpu.memory_space<vmem>>
        %dma_wait3A_86 = arith.constant 0 : i32
        %dma_wait3A_87 = tpu.memref_slice %arg7[%add3A_82, %dma_wait3A_86] : memref<149x128xi32, #tpu.memory_space<vmem>> -> memref<1x128xi32, #tpu.memory_space<vmem>>
        %dma_wait3A_88 = tpu.memref_squeeze %dma_wait3A_87 : memref<1x128xi32, #tpu.memory_space<vmem>> -> memref<128xi32, #tpu.memory_space<vmem>>
        %dma_wait3A_89 = arith.constant 0 : i32
        %dma_wait3A_90 = arith.constant 0 : i32
        %dma_wait3A_91 = tpu.memref_slice %arg2[%dma_wait3A_89, %dma_wait3A_90] : memref<10000x16xf32, #tpu.memory_space<hbm>> -> memref<10000x16xf32, #tpu.memory_space<hbm>>
        %dma_wait3A_92 = tpu.memref_slice %arg11[%rem3A_68] : memref<4x!tpu.dma_semaphore, #tpu.memory_space<semaphore_mem>> -> memref<1x!tpu.dma_semaphore, #tpu.memory_space<semaphore_mem>>
        %dma_wait3A_93 = tpu.memref_squeeze %dma_wait3A_92 : memref<1x!tpu.dma_semaphore, #tpu.memory_space<semaphore_mem>> -> memref<!tpu.dma_semaphore, #tpu.memory_space<semaphore_mem>>
        tpu.wait_indirect_dma semaphore(%dma_wait3A_93 : memref<!tpu.dma_semaphore, #tpu.memory_space<semaphore_mem>>) src(%dma_wait3A_91 : memref<10000x16xf32, #tpu.memory_space<hbm>>) dst(%dma_wait3A_85 : memref<128x16xf32, #tpu.memory_space<vmem>>)
        %add3A_94 = arith.addi %while3A_67, %sub3A : i32
        %dma_start3A_95 = arith.constant 0 : i32
        %dma_start3A_96 = arith.constant 0 : i32
        %dma_start3A_97 = tpu.memref_slice %arg9[%rem3A_68, %dma_start3A_95, %dma_start3A_96] : memref<4x128x16xf32, #tpu.memory_space<vmem>> -> memref<1x128x16xf32, #tpu.memory_space<vmem>>
        %dma_start3A_98 = tpu.memref_squeeze %dma_start3A_97 : memref<1x128x16xf32, #tpu.memory_space<vmem>> -> memref<128x16xf32, #tpu.memory_space<vmem>>
        %dma_start3A_99 = arith.constant 0 : i32
        %dma_start3A_100 = tpu.memref_slice %arg8[%add3A_94, %dma_start3A_99] : memref<149x128xi32, #tpu.memory_space<vmem>> -> memref<1x128xi32, #tpu.memory_space<vmem>>
        %dma_start3A_101 = tpu.memref_squeeze %dma_start3A_100 : memref<1x128xi32, #tpu.memory_space<vmem>> -> memref<128xi32, #tpu.memory_space<vmem>>
        %dma_start3A_102 = arith.constant 0 : i32
        %dma_start3A_103 = arith.constant 0 : i32
        %dma_start3A_104 = tpu.memref_slice %arg10[%dma_start3A_102, %dma_start3A_103] : memref<10000x16xf32, #tpu.memory_space<vmem_shared>> -> memref<10000x16xf32, #tpu.memory_space<vmem_shared>>
        %dma_start3A_105 = tpu.memref_slice %arg12[%rem3A_68] : memref<4x!tpu.dma_semaphore, #tpu.memory_space<semaphore_mem>> -> memref<1x!tpu.dma_semaphore, #tpu.memory_space<semaphore_mem>>
        %dma_start3A_106 = tpu.memref_squeeze %dma_start3A_105 : memref<1x!tpu.dma_semaphore, #tpu.memory_space<semaphore_mem>> -> memref<!tpu.dma_semaphore, #tpu.memory_space<semaphore_mem>>
        tpu.enqueue_indirect_dma source(%dma_start3A_98 : memref<128x16xf32, #tpu.memory_space<vmem>>) target(%dma_start3A_104 : memref<10000x16xf32, #tpu.memory_space<vmem_shared>>) offsets(%dma_start3A_101 : memref<128xi32, #tpu.memory_space<vmem>>) semaphore(%dma_start3A_106 : memref<!tpu.dma_semaphore, #tpu.memory_space<semaphore_mem>>) {add = true}
      } else {
      }
    }
    %while3A_58 = arith.constant 1 : i32
    scf.for %while3A_67 = %while3A_56 to %while3A_52 step %while3A_58  : i32 {
      %rem3A = arith.constant 4 : i32
      %rem3A_68 = arith.remsi %while3A_67, %rem3A : i32
      %ge3A = arith.constant 2 : i32
      %ge3A_69 = arith.cmpi sge, %while3A_67, %ge3A : i32
      %convert_element_type3A_70 = arith.extui %ge3A_69 : i1 to i32
      %cond3A = arith.constant 0 : i32
      %cond3A_71 = arith.cmpi ne, %convert_element_type3A_70, %cond3A : i32
      scf.if %cond3A_71 {
        %add3A_82 = arith.constant 2 : i32
        %add3A_83 = arith.addi %while3A_67, %add3A_82 : i32
        %rem3A_84 = arith.constant 4 : i32
        %rem3A_85 = arith.remsi %add3A_83, %rem3A_84 : i32
        %sub3A_86 = arith.constant 2 : i32
        %sub3A_87 = arith.subi %while3A_67, %sub3A_86 : i32
        %add3A_88 = arith.addi %sub3A_87, %sub3A : i32
        %dma_wait3A = arith.constant 0 : i32
        %dma_wait3A_89 = arith.constant 0 : i32
        %dma_wait3A_90 = tpu.memref_slice %arg9[%rem3A_85, %dma_wait3A, %dma_wait3A_89] : memref<4x128x16xf32, #tpu.memory_space<vmem>> -> memref<1x128x16xf32, #tpu.memory_space<vmem>>
        %dma_wait3A_91 = tpu.memref_squeeze %dma_wait3A_90 : memref<1x128x16xf32, #tpu.memory_space<vmem>> -> memref<128x16xf32, #tpu.memory_space<vmem>>
        %dma_wait3A_92 = arith.constant 0 : i32
        %dma_wait3A_93 = tpu.memref_slice %arg8[%add3A_88, %dma_wait3A_92] : memref<149x128xi32, #tpu.memory_space<vmem>> -> memref<1x128xi32, #tpu.memory_space<vmem>>
        %dma_wait3A_94 = tpu.memref_squeeze %dma_wait3A_93 : memref<1x128xi32, #tpu.memory_space<vmem>> -> memref<128xi32, #tpu.memory_space<vmem>>
        %dma_wait3A_95 = arith.constant 0 : i32
        %dma_wait3A_96 = arith.constant 0 : i32
        %dma_wait3A_97 = tpu.memref_slice %arg10[%dma_wait3A_95, %dma_wait3A_96] : memref<10000x16xf32, #tpu.memory_space<vmem_shared>> -> memref<10000x16xf32, #tpu.memory_space<vmem_shared>>
        %dma_wait3A_98 = tpu.memref_slice %arg12[%rem3A_85] : memref<4x!tpu.dma_semaphore, #tpu.memory_space<semaphore_mem>> -> memref<1x!tpu.dma_semaphore, #tpu.memory_space<semaphore_mem>>
        %dma_wait3A_99 = tpu.memref_squeeze %dma_wait3A_98 : memref<1x!tpu.dma_semaphore, #tpu.memory_space<semaphore_mem>> -> memref<!tpu.dma_semaphore, #tpu.memory_space<semaphore_mem>>
        tpu.wait_indirect_dma semaphore(%dma_wait3A_99 : memref<!tpu.dma_semaphore, #tpu.memory_space<semaphore_mem>>) src(%dma_wait3A_91 : memref<128x16xf32, #tpu.memory_space<vmem>>) dst(%dma_wait3A_97 : memref<10000x16xf32, #tpu.memory_space<vmem_shared>>)
      } else {
      }
      %add3A_72 = arith.constant 2 : i32
      %add3A_73 = arith.addi %while3A_67, %add3A_72 : i32
      %lt3A_74 = arith.cmpi slt, %add3A_73, %select_n3A : i32
      %convert_element_type3A_75 = arith.extui %lt3A_74 : i1 to i32
      %cond3A_76 = arith.constant 0 : i32
      %cond3A_77 = arith.cmpi ne, %convert_element_type3A_75, %cond3A_76 : i32
      scf.if %cond3A_77 {
        %add3A_82 = arith.constant 2 : i32
        %add3A_83 = arith.addi %while3A_67, %add3A_82 : i32
        %rem3A_84 = arith.constant 4 : i32
        %rem3A_85 = arith.remsi %add3A_83, %rem3A_84 : i32
        %add3A_86 = arith.constant 2 : i32
        %add3A_87 = arith.addi %while3A_67, %add3A_86 : i32
        %add3A_88 = arith.addi %add3A_87, %sub3A : i32
        %dma_start3A_89 = arith.constant 0 : i32
        %dma_start3A_90 = arith.constant 0 : i32
        %dma_start3A_91 = tpu.memref_slice %arg9[%rem3A_85, %dma_start3A_89, %dma_start3A_90] : memref<4x128x16xf32, #tpu.memory_space<vmem>> -> memref<1x128x16xf32, #tpu.memory_space<vmem>>
        %dma_start3A_92 = tpu.memref_squeeze %dma_start3A_91 : memref<1x128x16xf32, #tpu.memory_space<vmem>> -> memref<128x16xf32, #tpu.memory_space<vmem>>
        %dma_start3A_93 = arith.constant 0 : i32
        %dma_start3A_94 = tpu.memref_slice %arg7[%add3A_88, %dma_start3A_93] : memref<149x128xi32, #tpu.memory_space<vmem>> -> memref<1x128xi32, #tpu.memory_space<vmem>>
        %dma_start3A_95 = tpu.memref_squeeze %dma_start3A_94 : memref<1x128xi32, #tpu.memory_space<vmem>> -> memref<128xi32, #tpu.memory_space<vmem>>
        %dma_start3A_96 = arith.constant 0 : i32
        %dma_start3A_97 = arith.constant 0 : i32
        %dma_start3A_98 = tpu.memref_slice %arg2[%dma_start3A_96, %dma_start3A_97] : memref<10000x16xf32, #tpu.memory_space<hbm>> -> memref<10000x16xf32, #tpu.memory_space<hbm>>
        %dma_start3A_99 = tpu.memref_slice %arg11[%rem3A_85] : memref<4x!tpu.dma_semaphore, #tpu.memory_space<semaphore_mem>> -> memref<1x!tpu.dma_semaphore, #tpu.memory_space<semaphore_mem>>
        %dma_start3A_100 = tpu.memref_squeeze %dma_start3A_99 : memref<1x!tpu.dma_semaphore, #tpu.memory_space<semaphore_mem>> -> memref<!tpu.dma_semaphore, #tpu.memory_space<semaphore_mem>>
        tpu.enqueue_indirect_dma source(%dma_start3A_98 : memref<10000x16xf32, #tpu.memory_space<hbm>>) target(%dma_start3A_92 : memref<128x16xf32, #tpu.memory_space<vmem>>) offsets(%dma_start3A_95 : memref<128xi32, #tpu.memory_space<vmem>>) semaphore(%dma_start3A_100 : memref<!tpu.dma_semaphore, #tpu.memory_space<semaphore_mem>>)
      } else {
      }
      %lt3A_78 = arith.cmpi slt, %while3A_67, %select_n3A : i32
      %convert_element_type3A_79 = arith.extui %lt3A_78 : i1 to i32
      %cond3A_80 = arith.constant 0 : i32
      %cond3A_81 = arith.cmpi ne, %convert_element_type3A_79, %cond3A_80 : i32
      scf.if %cond3A_81 {
        %add3A_82 = arith.addi %while3A_67, %sub3A : i32
        %dma_wait3A = arith.constant 0 : i32
        %dma_wait3A_83 = arith.constant 0 : i32
        %dma_wait3A_84 = tpu.memref_slice %arg9[%rem3A_68, %dma_wait3A, %dma_wait3A_83] : memref<4x128x16xf32, #tpu.memory_space<vmem>> -> memref<1x128x16xf32, #tpu.memory_space<vmem>>
        %dma_wait3A_85 = tpu.memref_squeeze %dma_wait3A_84 : memref<1x128x16xf32, #tpu.memory_space<vmem>> -> memref<128x16xf32, #tpu.memory_space<vmem>>
        %dma_wait3A_86 = arith.constant 0 : i32
        %dma_wait3A_87 = tpu.memref_slice %arg7[%add3A_82, %dma_wait3A_86] : memref<149x128xi32, #tpu.memory_space<vmem>> -> memref<1x128xi32, #tpu.memory_space<vmem>>
        %dma_wait3A_88 = tpu.memref_squeeze %dma_wait3A_87 : memref<1x128xi32, #tpu.memory_space<vmem>> -> memref<128xi32, #tpu.memory_space<vmem>>
        %dma_wait3A_89 = arith.constant 0 : i32
        %dma_wait3A_90 = arith.constant 0 : i32
        %dma_wait3A_91 = tpu.memref_slice %arg2[%dma_wait3A_89, %dma_wait3A_90] : memref<10000x16xf32, #tpu.memory_space<hbm>> -> memref<10000x16xf32, #tpu.memory_space<hbm>>
        %dma_wait3A_92 = tpu.memref_slice %arg11[%rem3A_68] : memref<4x!tpu.dma_semaphore, #tpu.memory_space<semaphore_mem>> -> memref<1x!tpu.dma_semaphore, #tpu.memory_space<semaphore_mem>>
        %dma_wait3A_93 = tpu.memref_squeeze %dma_wait3A_92 : memref<1x!tpu.dma_semaphore, #tpu.memory_space<semaphore_mem>> -> memref<!tpu.dma_semaphore, #tpu.memory_space<semaphore_mem>>
        tpu.wait_indirect_dma semaphore(%dma_wait3A_93 : memref<!tpu.dma_semaphore, #tpu.memory_space<semaphore_mem>>) src(%dma_wait3A_91 : memref<10000x16xf32, #tpu.memory_space<hbm>>) dst(%dma_wait3A_85 : memref<128x16xf32, #tpu.memory_space<vmem>>)
        %add3A_94 = arith.addi %while3A_67, %sub3A : i32
        %dma_start3A_95 = arith.constant 0 : i32
        %dma_start3A_96 = arith.constant 0 : i32
        %dma_start3A_97 = tpu.memref_slice %arg9[%rem3A_68, %dma_start3A_95, %dma_start3A_96] : memref<4x128x16xf32, #tpu.memory_space<vmem>> -> memref<1x128x16xf32, #tpu.memory_space<vmem>>
        %dma_start3A_98 = tpu.memref_squeeze %dma_start3A_97 : memref<1x128x16xf32, #tpu.memory_space<vmem>> -> memref<128x16xf32, #tpu.memory_space<vmem>>
        %dma_start3A_99 = arith.constant 0 : i32
        %dma_start3A_100 = tpu.memref_slice %arg8[%add3A_94, %dma_start3A_99] : memref<149x128xi32, #tpu.memory_space<vmem>> -> memref<1x128xi32, #tpu.memory_space<vmem>>
        %dma_start3A_101 = tpu.memref_squeeze %dma_start3A_100 : memref<1x128xi32, #tpu.memory_space<vmem>> -> memref<128xi32, #tpu.memory_space<vmem>>
        %dma_start3A_102 = arith.constant 0 : i32
        %dma_start3A_103 = arith.constant 0 : i32
        %dma_start3A_104 = tpu.memref_slice %arg10[%dma_start3A_102, %dma_start3A_103] : memref<10000x16xf32, #tpu.memory_space<vmem_shared>> -> memref<10000x16xf32, #tpu.memory_space<vmem_shared>>
        %dma_start3A_105 = tpu.memref_slice %arg12[%rem3A_68] : memref<4x!tpu.dma_semaphore, #tpu.memory_space<semaphore_mem>> -> memref<1x!tpu.dma_semaphore, #tpu.memory_space<semaphore_mem>>
        %dma_start3A_106 = tpu.memref_squeeze %dma_start3A_105 : memref<1x!tpu.dma_semaphore, #tpu.memory_space<semaphore_mem>> -> memref<!tpu.dma_semaphore, #tpu.memory_space<semaphore_mem>>
        tpu.enqueue_indirect_dma source(%dma_start3A_98 : memref<128x16xf32, #tpu.memory_space<vmem>>) target(%dma_start3A_104 : memref<10000x16xf32, #tpu.memory_space<vmem_shared>>) offsets(%dma_start3A_101 : memref<128xi32, #tpu.memory_space<vmem>>) semaphore(%dma_start3A_106 : memref<!tpu.dma_semaphore, #tpu.memory_space<semaphore_mem>>) {add = true}
      } else {
      }
    }
    %barrier3A_59 = arith.constant 0 : index
    tpu.barrier barrier_id(%barrier3A_59)
    %mul3A_60 = arith.constant 625 : i32
    %mul3A_61 = arith.muli %arg1, %mul3A_60 : i32
    %mul3A_62 = arith.constant 10000 : i32
    %mul3A_63 = arith.muli %arg0, %mul3A_62 : i32
    %mul3A_64 = arith.constant 625 : i32
    %mul3A_65 = arith.muli %arg1, %mul3A_64 : i32
    %add3A_66 = arith.addi %mul3A_63, %mul3A_65 : i32
    "tpu.region"() ({
      %run_scoped3A = tpu.sem_alloc : memref<!tpu.dma_semaphore, #tpu.memory_space<semaphore_mem>>
      %dma_start3A_67 = arith.constant 0 : i32
      %dma_start3A_68 = tpu.memref_slice %arg6[%add3A_66, %dma_start3A_67] : memref<20000x16xf32, #tpu.memory_space<hbm>> -> memref<625x16xf32, #tpu.memory_space<hbm>>
      %dma_start3A_69 = arith.constant 0 : i32
      %dma_start3A_70 = tpu.memref_slice %arg10[%mul3A_61, %dma_start3A_69] : memref<10000x16xf32, #tpu.memory_space<vmem_shared>> -> memref<625x16xf32, #tpu.memory_space<vmem_shared>>
      tpu.enqueue_dma source(%dma_start3A_70 : memref<625x16xf32, #tpu.memory_space<vmem_shared>>) target(%dma_start3A_68 : memref<625x16xf32, #tpu.memory_space<hbm>>) target_semaphore(%run_scoped3A : memref<!tpu.dma_semaphore, #tpu.memory_space<semaphore_mem>>)
      %dma_wait3A = arith.constant 0 : i32
      %dma_wait3A_71 = tpu.memref_slice %arg6[%add3A_66, %dma_wait3A] : memref<20000x16xf32, #tpu.memory_space<hbm>> -> memref<625x16xf32, #tpu.memory_space<hbm>>
      %dma_wait3A_72 = arith.constant 0 : i32
      %dma_wait3A_73 = tpu.memref_slice %arg10[%mul3A_61, %dma_wait3A_72] : memref<10000x16xf32, #tpu.memory_space<vmem_shared>> -> memref<625x16xf32, #tpu.memory_space<vmem_shared>>
      tpu.wait_dma2 semaphore(%run_scoped3A : memref<!tpu.dma_semaphore, #tpu.memory_space<semaphore_mem>>) src(%dma_wait3A_73 : memref<625x16xf32, #tpu.memory_space<vmem_shared>>) dst(%dma_wait3A_71 : memref<625x16xf32, #tpu.memory_space<hbm>>)
      tpu.yield
    }) : () -> ()
    return
  }
}

#map = affine_map<(d0, d1) -> (0, 0)>
module attributes {stable_mosaic.version = 14 : i64} {
  func.func @sck(%arg0: i32, %arg1: i32, %arg2: memref<10000x64xf32, #tpu.memory_space<hbm>>, %arg3: memref<2500x128xi32, #tpu.memory_space<hbm>>, %arg4: memref<2500x128xi32, #tpu.memory_space<hbm>>, %arg5: memref<625x64xf32, #tpu.memory_space<hbm>>, %arg6: memref<20000x64xf32, #tpu.memory_space<hbm>>, %arg7: memref<149x128xi32, #tpu.memory_space<vmem>>, %arg8: memref<149x128xi32, #tpu.memory_space<vmem>>, %arg9: memref<4x128x64xf32, #tpu.memory_space<vmem>>, %arg10: memref<10000x64xf32, #tpu.memory_space<vmem_shared>>, %arg11: memref<4x!tpu.dma_semaphore, #tpu.memory_space<semaphore_mem>>, %arg12: memref<4x!tpu.dma_semaphore, #tpu.memory_space<semaphore_mem>>) attributes {dimension_semantics = [#tpu.dimension_semantics<core_parallel>, #tpu.dimension_semantics<subcore_parallel>], iteration_bounds = array<i64: 2, 16>, scalar_prefetch = 0 : i64, scratch_operands = 6 : i64, tpu.core_type = #tpu.core_type<sc_vector_subcore>, window_params = [{transform_indices = #map}, {transform_indices = #map}, {transform_indices = #map}, {transform_indices = #map}, {transform_indices = #map}]} {
    %eq3A = arith.constant 0 : i32
    %eq3A_0 = arith.cmpi eq, %arg0, %eq3A : i32
    %lt3A = arith.constant 4 : i32
    %lt3A_1 = arith.cmpi slt, %arg1, %lt3A : i32
    %convert_element_type3A = arith.extui %lt3A_1 : i1 to i32
    %add3A = arith.constant 78 : i32
    %add3A_2 = arith.addi %add3A, %convert_element_type3A : i32
    %jit3A = arith.constant 78 : i32
    %select_n3A = arith.select %eq3A_0, %add3A_2, %jit3A : i32
    %eq3A_3 = arith.constant 0 : i32
    %eq3A_4 = arith.cmpi eq, %arg0, %eq3A_3 : i32
    %mul3A = arith.constant 78 : i32
    %mul3A_5 = arith.muli %arg1, %mul3A : i32
    %min3A = arith.constant 4 : i32
    %min3A_6 = arith.minsi %arg1, %min3A : i32
    %add3A_7 = arith.addi %mul3A_5, %min3A_6 : i32
    %mul3A_8 = arith.constant 78 : i32
    %mul3A_9 = arith.muli %arg1, %mul3A_8 : i32
    %add3A_10 = arith.constant 1252 : i32
    %add3A_11 = arith.addi %add3A_10, %mul3A_9 : i32
    %select_n3A_12 = arith.select %eq3A_4, %add3A_7, %add3A_11 : i32
    %min3A_13 = arith.constant 2351 : i32
    %min3A_14 = arith.minsi %select_n3A_12, %min3A_13 : i32
    %sub3A = arith.subi %select_n3A_12, %min3A_14 : i32
    %mul3A_15 = arith.constant 625 : i32
    %mul3A_16 = arith.muli %arg1, %mul3A_15 : i32
    "tpu.region"() ({
      %run_scoped3A = tpu.sem_alloc : memref<!tpu.dma_semaphore, #tpu.memory_space<semaphore_mem>>
      %dma_start3A_67 = arith.constant 0 : i32
      %dma_start3A_68 = tpu.memref_slice %arg10[%mul3A_16, %dma_start3A_67] : memref<10000x64xf32, #tpu.memory_space<vmem_shared>> -> memref<625x64xf32, #tpu.memory_space<vmem_shared>>
      tpu.enqueue_dma source(%arg5 : memref<625x64xf32, #tpu.memory_space<hbm>>) target(%dma_start3A_68 : memref<625x64xf32, #tpu.memory_space<vmem_shared>>) target_semaphore(%run_scoped3A : memref<!tpu.dma_semaphore, #tpu.memory_space<semaphore_mem>>)
      %dma_wait3A = arith.constant 0 : i32
      %dma_wait3A_69 = tpu.memref_slice %arg10[%mul3A_16, %dma_wait3A] : memref<10000x64xf32, #tpu.memory_space<vmem_shared>> -> memref<625x64xf32, #tpu.memory_space<vmem_shared>>
      tpu.wait_dma2 semaphore(%run_scoped3A : memref<!tpu.dma_semaphore, #tpu.memory_space<semaphore_mem>>) src(%arg5 : memref<625x64xf32, #tpu.memory_space<hbm>>) dst(%dma_wait3A_69 : memref<625x64xf32, #tpu.memory_space<vmem_shared>>)
      tpu.yield
    }) : () -> ()
    "tpu.region"() ({
      %run_scoped3A = tpu.sem_alloc : memref<!tpu.dma_semaphore, #tpu.memory_space<semaphore_mem>>
      %dma_start3A_67 = arith.constant 0 : i32
      %dma_start3A_68 = tpu.memref_slice %arg3[%min3A_14, %dma_start3A_67] : memref<2500x128xi32, #tpu.memory_space<hbm>> -> memref<149x128xi32, #tpu.memory_space<hbm>>
      %dma_start3A_69 = arith.constant 0 : i32
      %dma_start3A_70 = tpu.memref_slice %arg3[%min3A_14, %dma_start3A_69] : memref<2500x128xi32, #tpu.memory_space<hbm>> -> memref<149x128xi32, #tpu.memory_space<hbm>>
      tpu.enqueue_dma source(%dma_start3A_70 : memref<149x128xi32, #tpu.memory_space<hbm>>) target(%arg7 : memref<149x128xi32, #tpu.memory_space<vmem>>) target_semaphore(%run_scoped3A : memref<!tpu.dma_semaphore, #tpu.memory_space<semaphore_mem>>)
      %dma_wait3A = arith.constant 0 : i32
      %dma_wait3A_71 = tpu.memref_slice %arg3[%min3A_14, %dma_wait3A] : memref<2500x128xi32, #tpu.memory_space<hbm>> -> memref<149x128xi32, #tpu.memory_space<hbm>>
      %dma_wait3A_72 = arith.constant 0 : i32
      %dma_wait3A_73 = tpu.memref_slice %arg3[%min3A_14, %dma_wait3A_72] : memref<2500x128xi32, #tpu.memory_space<hbm>> -> memref<149x128xi32, #tpu.memory_space<hbm>>
      tpu.wait_dma2 semaphore(%run_scoped3A : memref<!tpu.dma_semaphore, #tpu.memory_space<semaphore_mem>>) src(%dma_wait3A_73 : memref<149x128xi32, #tpu.memory_space<hbm>>) dst(%arg7 : memref<149x128xi32, #tpu.memory_space<vmem>>)
      tpu.yield
    }) : () -> ()
    "tpu.region"() ({
      %run_scoped3A = tpu.sem_alloc : memref<!tpu.dma_semaphore, #tpu.memory_space<semaphore_mem>>
      %dma_start3A_67 = arith.constant 0 : i32
      %dma_start3A_68 = tpu.memref_slice %arg4[%min3A_14, %dma_start3A_67] : memref<2500x128xi32, #tpu.memory_space<hbm>> -> memref<149x128xi32, #tpu.memory_space<hbm>>
      %dma_start3A_69 = arith.constant 0 : i32
      %dma_start3A_70 = tpu.memref_slice %arg4[%min3A_14, %dma_start3A_69] : memref<2500x128xi32, #tpu.memory_space<hbm>> -> memref<149x128xi32, #tpu.memory_space<hbm>>
      tpu.enqueue_dma source(%dma_start3A_70 : memref<149x128xi32, #tpu.memory_space<hbm>>) target(%arg8 : memref<149x128xi32, #tpu.memory_space<vmem>>) target_semaphore(%run_scoped3A : memref<!tpu.dma_semaphore, #tpu.memory_space<semaphore_mem>>)
      %dma_wait3A = arith.constant 0 : i32
      %dma_wait3A_71 = tpu.memref_slice %arg4[%min3A_14, %dma_wait3A] : memref<2500x128xi32, #tpu.memory_space<hbm>> -> memref<149x128xi32, #tpu.memory_space<hbm>>
      %dma_wait3A_72 = arith.constant 0 : i32
      %dma_wait3A_73 = tpu.memref_slice %arg4[%min3A_14, %dma_wait3A_72] : memref<2500x128xi32, #tpu.memory_space<hbm>> -> memref<149x128xi32, #tpu.memory_space<hbm>>
      tpu.wait_dma2 semaphore(%run_scoped3A : memref<!tpu.dma_semaphore, #tpu.memory_space<semaphore_mem>>) src(%dma_wait3A_73 : memref<149x128xi32, #tpu.memory_space<hbm>>) dst(%arg8 : memref<149x128xi32, #tpu.memory_space<vmem>>)
      tpu.yield
    }) : () -> ()
    %barrier3A = arith.constant 0 : index
    tpu.barrier barrier_id(%barrier3A)
    %add3A_17 = arith.constant 0 : i32
    %add3A_18 = arith.addi %add3A_17, %sub3A : i32
    %dma_start3A = arith.constant 0 : i32
    %dma_start3A_19 = arith.constant 0 : i32
    %dma_start3A_20 = arith.constant 0 : i32
    %dma_start3A_21 = arith.constant 0 : i32
    %dma_start3A_22 = tpu.memref_slice %arg9[%dma_start3A, %dma_start3A_20, %dma_start3A_21] : memref<4x128x64xf32, #tpu.memory_space<vmem>> -> memref<1x128x64xf32, #tpu.memory_space<vmem>>
    %dma_start3A_23 = tpu.memref_squeeze %dma_start3A_22 : memref<1x128x64xf32, #tpu.memory_space<vmem>> -> memref<128x64xf32, #tpu.memory_space<vmem>>
    %dma_start3A_24 = arith.constant 0 : i32
    %dma_start3A_25 = tpu.memref_slice %arg7[%add3A_18, %dma_start3A_24] : memref<149x128xi32, #tpu.memory_space<vmem>> -> memref<1x128xi32, #tpu.memory_space<vmem>>
    %dma_start3A_26 = tpu.memref_squeeze %dma_start3A_25 : memref<1x128xi32, #tpu.memory_space<vmem>> -> memref<128xi32, #tpu.memory_space<vmem>>
    %dma_start3A_27 = arith.constant 0 : i32
    %dma_start3A_28 = arith.constant 0 : i32
    %dma_start3A_29 = tpu.memref_slice %arg2[%dma_start3A_27, %dma_start3A_28] : memref<10000x64xf32, #tpu.memory_space<hbm>> -> memref<10000x64xf32, #tpu.memory_space<hbm>>
    %dma_start3A_30 = tpu.memref_slice %arg11[%dma_start3A_19] : memref<4x!tpu.dma_semaphore, #tpu.memory_space<semaphore_mem>> -> memref<1x!tpu.dma_semaphore, #tpu.memory_space<semaphore_mem>>
    %dma_start3A_31 = tpu.memref_squeeze %dma_start3A_30 : memref<1x!tpu.dma_semaphore, #tpu.memory_space<semaphore_mem>> -> memref<!tpu.dma_semaphore, #tpu.memory_space<semaphore_mem>>
    tpu.enqueue_indirect_dma source(%dma_start3A_29 : memref<10000x64xf32, #tpu.memory_space<hbm>>) target(%dma_start3A_23 : memref<128x64xf32, #tpu.memory_space<vmem>>) offsets(%dma_start3A_26 : memref<128xi32, #tpu.memory_space<vmem>>) semaphore(%dma_start3A_31 : memref<!tpu.dma_semaphore, #tpu.memory_space<semaphore_mem>>)
    %add3A_32 = arith.constant 1 : i32
    %add3A_33 = arith.addi %add3A_32, %sub3A : i32
    %dma_start3A_34 = arith.constant 1 : i32
    %dma_start3A_35 = arith.constant 1 : i32
    %dma_start3A_36 = arith.constant 0 : i32
    %dma_start3A_37 = arith.constant 0 : i32
    %dma_start3A_38 = tpu.memref_slice %arg9[%dma_start3A_34, %dma_start3A_36, %dma_start3A_37] : memref<4x128x64xf32, #tpu.memory_space<vmem>> -> memref<1x128x64xf32, #tpu.memory_space<vmem>>
    %dma_start3A_39 = tpu.memref_squeeze %dma_start3A_38 : memref<1x128x64xf32, #tpu.memory_space<vmem>> -> memref<128x64xf32, #tpu.memory_space<vmem>>
    %dma_start3A_40 = arith.constant 0 : i32
    %dma_start3A_41 = tpu.memref_slice %arg7[%add3A_33, %dma_start3A_40] : memref<149x128xi32, #tpu.memory_space<vmem>> -> memref<1x128xi32, #tpu.memory_space<vmem>>
    %dma_start3A_42 = tpu.memref_squeeze %dma_start3A_41 : memref<1x128xi32, #tpu.memory_space<vmem>> -> memref<128xi32, #tpu.memory_space<vmem>>
    %dma_start3A_43 = arith.constant 0 : i32
    %dma_start3A_44 = arith.constant 0 : i32
    %dma_start3A_45 = tpu.memref_slice %arg2[%dma_start3A_43, %dma_start3A_44] : memref<10000x64xf32, #tpu.memory_space<hbm>> -> memref<10000x64xf32, #tpu.memory_space<hbm>>
    %dma_start3A_46 = tpu.memref_slice %arg11[%dma_start3A_35] : memref<4x!tpu.dma_semaphore, #tpu.memory_space<semaphore_mem>> -> memref<1x!tpu.dma_semaphore, #tpu.memory_space<semaphore_mem>>
    %dma_start3A_47 = tpu.memref_squeeze %dma_start3A_46 : memref<1x!tpu.dma_semaphore, #tpu.memory_space<semaphore_mem>> -> memref<!tpu.dma_semaphore, #tpu.memory_space<semaphore_mem>>
    tpu.enqueue_indirect_dma source(%dma_start3A_45 : memref<10000x64xf32, #tpu.memory_space<hbm>>) target(%dma_start3A_39 : memref<128x64xf32, #tpu.memory_space<vmem>>) offsets(%dma_start3A_42 : memref<128xi32, #tpu.memory_space<vmem>>) semaphore(%dma_start3A_47 : memref<!tpu.dma_semaphore, #tpu.memory_space<semaphore_mem>>)
    %add3A_48 = arith.constant 2 : i32
    %add3A_49 = arith.addi %select_n3A, %add3A_48 : i32
    %while3A = arith.constant 0 : i32
    %while3A_50 = arith.constant 0 : i32
    %while3A_51 = arith.subi %add3A_49, %while3A_50 : i32
    %while3A_52 = arith.addi %while3A_50, %while3A_51 : i32
    %while3A_53 = arith.constant 1 : i32
    %while3A_54 = arith.divsi %while3A_51, %while3A_53 : i32
    %while3A_55 = arith.muli %while3A_54, %while3A_53 : i32
    %while3A_56 = arith.addi %while3A_50, %while3A_55 : i32
    %while3A_57 = arith.constant 1 : i32
    scf.for %while3A_67 = %while3A_50 to %while3A_56 step %while3A_57  : i32 {
      %rem3A = arith.constant 4 : i32
      %rem3A_68 = arith.remsi %while3A_67, %rem3A : i32
      %ge3A = arith.constant 2 : i32
      %ge3A_69 = arith.cmpi sge, %while3A_67, %ge3A : i32
      %convert_element_type3A_70 = arith.extui %ge3A_69 : i1 to i32
      %cond3A = arith.constant 0 : i32
      %cond3A_71 = arith.cmpi ne, %convert_element_type3A_70, %cond3A : i32
      scf.if %cond3A_71 {
        %add3A_82 = arith.constant 2 : i32
        %add3A_83 = arith.addi %while3A_67, %add3A_82 : i32
        %rem3A_84 = arith.constant 4 : i32
        %rem3A_85 = arith.remsi %add3A_83, %rem3A_84 : i32
        %sub3A_86 = arith.constant 2 : i32
        %sub3A_87 = arith.subi %while3A_67, %sub3A_86 : i32
        %add3A_88 = arith.addi %sub3A_87, %sub3A : i32
        %dma_wait3A = arith.constant 0 : i32
        %dma_wait3A_89 = arith.constant 0 : i32
        %dma_wait3A_90 = tpu.memref_slice %arg9[%rem3A_85, %dma_wait3A, %dma_wait3A_89] : memref<4x128x64xf32, #tpu.memory_space<vmem>> -> memref<1x128x64xf32, #tpu.memory_space<vmem>>
        %dma_wait3A_91 = tpu.memref_squeeze %dma_wait3A_90 : memref<1x128x64xf32, #tpu.memory_space<vmem>> -> memref<128x64xf32, #tpu.memory_space<vmem>>
        %dma_wait3A_92 = arith.constant 0 : i32
        %dma_wait3A_93 = tpu.memref_slice %arg8[%add3A_88, %dma_wait3A_92] : memref<149x128xi32, #tpu.memory_space<vmem>> -> memref<1x128xi32, #tpu.memory_space<vmem>>
        %dma_wait3A_94 = tpu.memref_squeeze %dma_wait3A_93 : memref<1x128xi32, #tpu.memory_space<vmem>> -> memref<128xi32, #tpu.memory_space<vmem>>
        %dma_wait3A_95 = arith.constant 0 : i32
        %dma_wait3A_96 = arith.constant 0 : i32
        %dma_wait3A_97 = tpu.memref_slice %arg10[%dma_wait3A_95, %dma_wait3A_96] : memref<10000x64xf32, #tpu.memory_space<vmem_shared>> -> memref<10000x64xf32, #tpu.memory_space<vmem_shared>>
        %dma_wait3A_98 = tpu.memref_slice %arg12[%rem3A_85] : memref<4x!tpu.dma_semaphore, #tpu.memory_space<semaphore_mem>> -> memref<1x!tpu.dma_semaphore, #tpu.memory_space<semaphore_mem>>
        %dma_wait3A_99 = tpu.memref_squeeze %dma_wait3A_98 : memref<1x!tpu.dma_semaphore, #tpu.memory_space<semaphore_mem>> -> memref<!tpu.dma_semaphore, #tpu.memory_space<semaphore_mem>>
        tpu.wait_indirect_dma semaphore(%dma_wait3A_99 : memref<!tpu.dma_semaphore, #tpu.memory_space<semaphore_mem>>) src(%dma_wait3A_91 : memref<128x64xf32, #tpu.memory_space<vmem>>) dst(%dma_wait3A_97 : memref<10000x64xf32, #tpu.memory_space<vmem_shared>>)
      } else {
      }
      %add3A_72 = arith.constant 2 : i32
      %add3A_73 = arith.addi %while3A_67, %add3A_72 : i32
      %lt3A_74 = arith.cmpi slt, %add3A_73, %select_n3A : i32
      %convert_element_type3A_75 = arith.extui %lt3A_74 : i1 to i32
      %cond3A_76 = arith.constant 0 : i32
      %cond3A_77 = arith.cmpi ne, %convert_element_type3A_75, %cond3A_76 : i32
      scf.if %cond3A_77 {
        %add3A_82 = arith.constant 2 : i32
        %add3A_83 = arith.addi %while3A_67, %add3A_82 : i32
        %rem3A_84 = arith.constant 4 : i32
        %rem3A_85 = arith.remsi %add3A_83, %rem3A_84 : i32
        %add3A_86 = arith.constant 2 : i32
        %add3A_87 = arith.addi %while3A_67, %add3A_86 : i32
        %add3A_88 = arith.addi %add3A_87, %sub3A : i32
        %dma_start3A_89 = arith.constant 0 : i32
        %dma_start3A_90 = arith.constant 0 : i32
        %dma_start3A_91 = tpu.memref_slice %arg9[%rem3A_85, %dma_start3A_89, %dma_start3A_90] : memref<4x128x64xf32, #tpu.memory_space<vmem>> -> memref<1x128x64xf32, #tpu.memory_space<vmem>>
        %dma_start3A_92 = tpu.memref_squeeze %dma_start3A_91 : memref<1x128x64xf32, #tpu.memory_space<vmem>> -> memref<128x64xf32, #tpu.memory_space<vmem>>
        %dma_start3A_93 = arith.constant 0 : i32
        %dma_start3A_94 = tpu.memref_slice %arg7[%add3A_88, %dma_start3A_93] : memref<149x128xi32, #tpu.memory_space<vmem>> -> memref<1x128xi32, #tpu.memory_space<vmem>>
        %dma_start3A_95 = tpu.memref_squeeze %dma_start3A_94 : memref<1x128xi32, #tpu.memory_space<vmem>> -> memref<128xi32, #tpu.memory_space<vmem>>
        %dma_start3A_96 = arith.constant 0 : i32
        %dma_start3A_97 = arith.constant 0 : i32
        %dma_start3A_98 = tpu.memref_slice %arg2[%dma_start3A_96, %dma_start3A_97] : memref<10000x64xf32, #tpu.memory_space<hbm>> -> memref<10000x64xf32, #tpu.memory_space<hbm>>
        %dma_start3A_99 = tpu.memref_slice %arg11[%rem3A_85] : memref<4x!tpu.dma_semaphore, #tpu.memory_space<semaphore_mem>> -> memref<1x!tpu.dma_semaphore, #tpu.memory_space<semaphore_mem>>
        %dma_start3A_100 = tpu.memref_squeeze %dma_start3A_99 : memref<1x!tpu.dma_semaphore, #tpu.memory_space<semaphore_mem>> -> memref<!tpu.dma_semaphore, #tpu.memory_space<semaphore_mem>>
        tpu.enqueue_indirect_dma source(%dma_start3A_98 : memref<10000x64xf32, #tpu.memory_space<hbm>>) target(%dma_start3A_92 : memref<128x64xf32, #tpu.memory_space<vmem>>) offsets(%dma_start3A_95 : memref<128xi32, #tpu.memory_space<vmem>>) semaphore(%dma_start3A_100 : memref<!tpu.dma_semaphore, #tpu.memory_space<semaphore_mem>>)
      } else {
      }
      %lt3A_78 = arith.cmpi slt, %while3A_67, %select_n3A : i32
      %convert_element_type3A_79 = arith.extui %lt3A_78 : i1 to i32
      %cond3A_80 = arith.constant 0 : i32
      %cond3A_81 = arith.cmpi ne, %convert_element_type3A_79, %cond3A_80 : i32
      scf.if %cond3A_81 {
        %add3A_82 = arith.addi %while3A_67, %sub3A : i32
        %dma_wait3A = arith.constant 0 : i32
        %dma_wait3A_83 = arith.constant 0 : i32
        %dma_wait3A_84 = tpu.memref_slice %arg9[%rem3A_68, %dma_wait3A, %dma_wait3A_83] : memref<4x128x64xf32, #tpu.memory_space<vmem>> -> memref<1x128x64xf32, #tpu.memory_space<vmem>>
        %dma_wait3A_85 = tpu.memref_squeeze %dma_wait3A_84 : memref<1x128x64xf32, #tpu.memory_space<vmem>> -> memref<128x64xf32, #tpu.memory_space<vmem>>
        %dma_wait3A_86 = arith.constant 0 : i32
        %dma_wait3A_87 = tpu.memref_slice %arg7[%add3A_82, %dma_wait3A_86] : memref<149x128xi32, #tpu.memory_space<vmem>> -> memref<1x128xi32, #tpu.memory_space<vmem>>
        %dma_wait3A_88 = tpu.memref_squeeze %dma_wait3A_87 : memref<1x128xi32, #tpu.memory_space<vmem>> -> memref<128xi32, #tpu.memory_space<vmem>>
        %dma_wait3A_89 = arith.constant 0 : i32
        %dma_wait3A_90 = arith.constant 0 : i32
        %dma_wait3A_91 = tpu.memref_slice %arg2[%dma_wait3A_89, %dma_wait3A_90] : memref<10000x64xf32, #tpu.memory_space<hbm>> -> memref<10000x64xf32, #tpu.memory_space<hbm>>
        %dma_wait3A_92 = tpu.memref_slice %arg11[%rem3A_68] : memref<4x!tpu.dma_semaphore, #tpu.memory_space<semaphore_mem>> -> memref<1x!tpu.dma_semaphore, #tpu.memory_space<semaphore_mem>>
        %dma_wait3A_93 = tpu.memref_squeeze %dma_wait3A_92 : memref<1x!tpu.dma_semaphore, #tpu.memory_space<semaphore_mem>> -> memref<!tpu.dma_semaphore, #tpu.memory_space<semaphore_mem>>
        tpu.wait_indirect_dma semaphore(%dma_wait3A_93 : memref<!tpu.dma_semaphore, #tpu.memory_space<semaphore_mem>>) src(%dma_wait3A_91 : memref<10000x64xf32, #tpu.memory_space<hbm>>) dst(%dma_wait3A_85 : memref<128x64xf32, #tpu.memory_space<vmem>>)
        %add3A_94 = arith.addi %while3A_67, %sub3A : i32
        %dma_start3A_95 = arith.constant 0 : i32
        %dma_start3A_96 = arith.constant 0 : i32
        %dma_start3A_97 = tpu.memref_slice %arg9[%rem3A_68, %dma_start3A_95, %dma_start3A_96] : memref<4x128x64xf32, #tpu.memory_space<vmem>> -> memref<1x128x64xf32, #tpu.memory_space<vmem>>
        %dma_start3A_98 = tpu.memref_squeeze %dma_start3A_97 : memref<1x128x64xf32, #tpu.memory_space<vmem>> -> memref<128x64xf32, #tpu.memory_space<vmem>>
        %dma_start3A_99 = arith.constant 0 : i32
        %dma_start3A_100 = tpu.memref_slice %arg8[%add3A_94, %dma_start3A_99] : memref<149x128xi32, #tpu.memory_space<vmem>> -> memref<1x128xi32, #tpu.memory_space<vmem>>
        %dma_start3A_101 = tpu.memref_squeeze %dma_start3A_100 : memref<1x128xi32, #tpu.memory_space<vmem>> -> memref<128xi32, #tpu.memory_space<vmem>>
        %dma_start3A_102 = arith.constant 0 : i32
        %dma_start3A_103 = arith.constant 0 : i32
        %dma_start3A_104 = tpu.memref_slice %arg10[%dma_start3A_102, %dma_start3A_103] : memref<10000x64xf32, #tpu.memory_space<vmem_shared>> -> memref<10000x64xf32, #tpu.memory_space<vmem_shared>>
        %dma_start3A_105 = tpu.memref_slice %arg12[%rem3A_68] : memref<4x!tpu.dma_semaphore, #tpu.memory_space<semaphore_mem>> -> memref<1x!tpu.dma_semaphore, #tpu.memory_space<semaphore_mem>>
        %dma_start3A_106 = tpu.memref_squeeze %dma_start3A_105 : memref<1x!tpu.dma_semaphore, #tpu.memory_space<semaphore_mem>> -> memref<!tpu.dma_semaphore, #tpu.memory_space<semaphore_mem>>
        tpu.enqueue_indirect_dma source(%dma_start3A_98 : memref<128x64xf32, #tpu.memory_space<vmem>>) target(%dma_start3A_104 : memref<10000x64xf32, #tpu.memory_space<vmem_shared>>) offsets(%dma_start3A_101 : memref<128xi32, #tpu.memory_space<vmem>>) semaphore(%dma_start3A_106 : memref<!tpu.dma_semaphore, #tpu.memory_space<semaphore_mem>>) {add = true}
      } else {
      }
    }
    %while3A_58 = arith.constant 1 : i32
    scf.for %while3A_67 = %while3A_56 to %while3A_52 step %while3A_58  : i32 {
      %rem3A = arith.constant 4 : i32
      %rem3A_68 = arith.remsi %while3A_67, %rem3A : i32
      %ge3A = arith.constant 2 : i32
      %ge3A_69 = arith.cmpi sge, %while3A_67, %ge3A : i32
      %convert_element_type3A_70 = arith.extui %ge3A_69 : i1 to i32
      %cond3A = arith.constant 0 : i32
      %cond3A_71 = arith.cmpi ne, %convert_element_type3A_70, %cond3A : i32
      scf.if %cond3A_71 {
        %add3A_82 = arith.constant 2 : i32
        %add3A_83 = arith.addi %while3A_67, %add3A_82 : i32
        %rem3A_84 = arith.constant 4 : i32
        %rem3A_85 = arith.remsi %add3A_83, %rem3A_84 : i32
        %sub3A_86 = arith.constant 2 : i32
        %sub3A_87 = arith.subi %while3A_67, %sub3A_86 : i32
        %add3A_88 = arith.addi %sub3A_87, %sub3A : i32
        %dma_wait3A = arith.constant 0 : i32
        %dma_wait3A_89 = arith.constant 0 : i32
        %dma_wait3A_90 = tpu.memref_slice %arg9[%rem3A_85, %dma_wait3A, %dma_wait3A_89] : memref<4x128x64xf32, #tpu.memory_space<vmem>> -> memref<1x128x64xf32, #tpu.memory_space<vmem>>
        %dma_wait3A_91 = tpu.memref_squeeze %dma_wait3A_90 : memref<1x128x64xf32, #tpu.memory_space<vmem>> -> memref<128x64xf32, #tpu.memory_space<vmem>>
        %dma_wait3A_92 = arith.constant 0 : i32
        %dma_wait3A_93 = tpu.memref_slice %arg8[%add3A_88, %dma_wait3A_92] : memref<149x128xi32, #tpu.memory_space<vmem>> -> memref<1x128xi32, #tpu.memory_space<vmem>>
        %dma_wait3A_94 = tpu.memref_squeeze %dma_wait3A_93 : memref<1x128xi32, #tpu.memory_space<vmem>> -> memref<128xi32, #tpu.memory_space<vmem>>
        %dma_wait3A_95 = arith.constant 0 : i32
        %dma_wait3A_96 = arith.constant 0 : i32
        %dma_wait3A_97 = tpu.memref_slice %arg10[%dma_wait3A_95, %dma_wait3A_96] : memref<10000x64xf32, #tpu.memory_space<vmem_shared>> -> memref<10000x64xf32, #tpu.memory_space<vmem_shared>>
        %dma_wait3A_98 = tpu.memref_slice %arg12[%rem3A_85] : memref<4x!tpu.dma_semaphore, #tpu.memory_space<semaphore_mem>> -> memref<1x!tpu.dma_semaphore, #tpu.memory_space<semaphore_mem>>
        %dma_wait3A_99 = tpu.memref_squeeze %dma_wait3A_98 : memref<1x!tpu.dma_semaphore, #tpu.memory_space<semaphore_mem>> -> memref<!tpu.dma_semaphore, #tpu.memory_space<semaphore_mem>>
        tpu.wait_indirect_dma semaphore(%dma_wait3A_99 : memref<!tpu.dma_semaphore, #tpu.memory_space<semaphore_mem>>) src(%dma_wait3A_91 : memref<128x64xf32, #tpu.memory_space<vmem>>) dst(%dma_wait3A_97 : memref<10000x64xf32, #tpu.memory_space<vmem_shared>>)
      } else {
      }
      %add3A_72 = arith.constant 2 : i32
      %add3A_73 = arith.addi %while3A_67, %add3A_72 : i32
      %lt3A_74 = arith.cmpi slt, %add3A_73, %select_n3A : i32
      %convert_element_type3A_75 = arith.extui %lt3A_74 : i1 to i32
      %cond3A_76 = arith.constant 0 : i32
      %cond3A_77 = arith.cmpi ne, %convert_element_type3A_75, %cond3A_76 : i32
      scf.if %cond3A_77 {
        %add3A_82 = arith.constant 2 : i32
        %add3A_83 = arith.addi %while3A_67, %add3A_82 : i32
        %rem3A_84 = arith.constant 4 : i32
        %rem3A_85 = arith.remsi %add3A_83, %rem3A_84 : i32
        %add3A_86 = arith.constant 2 : i32
        %add3A_87 = arith.addi %while3A_67, %add3A_86 : i32
        %add3A_88 = arith.addi %add3A_87, %sub3A : i32
        %dma_start3A_89 = arith.constant 0 : i32
        %dma_start3A_90 = arith.constant 0 : i32
        %dma_start3A_91 = tpu.memref_slice %arg9[%rem3A_85, %dma_start3A_89, %dma_start3A_90] : memref<4x128x64xf32, #tpu.memory_space<vmem>> -> memref<1x128x64xf32, #tpu.memory_space<vmem>>
        %dma_start3A_92 = tpu.memref_squeeze %dma_start3A_91 : memref<1x128x64xf32, #tpu.memory_space<vmem>> -> memref<128x64xf32, #tpu.memory_space<vmem>>
        %dma_start3A_93 = arith.constant 0 : i32
        %dma_start3A_94 = tpu.memref_slice %arg7[%add3A_88, %dma_start3A_93] : memref<149x128xi32, #tpu.memory_space<vmem>> -> memref<1x128xi32, #tpu.memory_space<vmem>>
        %dma_start3A_95 = tpu.memref_squeeze %dma_start3A_94 : memref<1x128xi32, #tpu.memory_space<vmem>> -> memref<128xi32, #tpu.memory_space<vmem>>
        %dma_start3A_96 = arith.constant 0 : i32
        %dma_start3A_97 = arith.constant 0 : i32
        %dma_start3A_98 = tpu.memref_slice %arg2[%dma_start3A_96, %dma_start3A_97] : memref<10000x64xf32, #tpu.memory_space<hbm>> -> memref<10000x64xf32, #tpu.memory_space<hbm>>
        %dma_start3A_99 = tpu.memref_slice %arg11[%rem3A_85] : memref<4x!tpu.dma_semaphore, #tpu.memory_space<semaphore_mem>> -> memref<1x!tpu.dma_semaphore, #tpu.memory_space<semaphore_mem>>
        %dma_start3A_100 = tpu.memref_squeeze %dma_start3A_99 : memref<1x!tpu.dma_semaphore, #tpu.memory_space<semaphore_mem>> -> memref<!tpu.dma_semaphore, #tpu.memory_space<semaphore_mem>>
        tpu.enqueue_indirect_dma source(%dma_start3A_98 : memref<10000x64xf32, #tpu.memory_space<hbm>>) target(%dma_start3A_92 : memref<128x64xf32, #tpu.memory_space<vmem>>) offsets(%dma_start3A_95 : memref<128xi32, #tpu.memory_space<vmem>>) semaphore(%dma_start3A_100 : memref<!tpu.dma_semaphore, #tpu.memory_space<semaphore_mem>>)
      } else {
      }
      %lt3A_78 = arith.cmpi slt, %while3A_67, %select_n3A : i32
      %convert_element_type3A_79 = arith.extui %lt3A_78 : i1 to i32
      %cond3A_80 = arith.constant 0 : i32
      %cond3A_81 = arith.cmpi ne, %convert_element_type3A_79, %cond3A_80 : i32
      scf.if %cond3A_81 {
        %add3A_82 = arith.addi %while3A_67, %sub3A : i32
        %dma_wait3A = arith.constant 0 : i32
        %dma_wait3A_83 = arith.constant 0 : i32
        %dma_wait3A_84 = tpu.memref_slice %arg9[%rem3A_68, %dma_wait3A, %dma_wait3A_83] : memref<4x128x64xf32, #tpu.memory_space<vmem>> -> memref<1x128x64xf32, #tpu.memory_space<vmem>>
        %dma_wait3A_85 = tpu.memref_squeeze %dma_wait3A_84 : memref<1x128x64xf32, #tpu.memory_space<vmem>> -> memref<128x64xf32, #tpu.memory_space<vmem>>
        %dma_wait3A_86 = arith.constant 0 : i32
        %dma_wait3A_87 = tpu.memref_slice %arg7[%add3A_82, %dma_wait3A_86] : memref<149x128xi32, #tpu.memory_space<vmem>> -> memref<1x128xi32, #tpu.memory_space<vmem>>
        %dma_wait3A_88 = tpu.memref_squeeze %dma_wait3A_87 : memref<1x128xi32, #tpu.memory_space<vmem>> -> memref<128xi32, #tpu.memory_space<vmem>>
        %dma_wait3A_89 = arith.constant 0 : i32
        %dma_wait3A_90 = arith.constant 0 : i32
        %dma_wait3A_91 = tpu.memref_slice %arg2[%dma_wait3A_89, %dma_wait3A_90] : memref<10000x64xf32, #tpu.memory_space<hbm>> -> memref<10000x64xf32, #tpu.memory_space<hbm>>
        %dma_wait3A_92 = tpu.memref_slice %arg11[%rem3A_68] : memref<4x!tpu.dma_semaphore, #tpu.memory_space<semaphore_mem>> -> memref<1x!tpu.dma_semaphore, #tpu.memory_space<semaphore_mem>>
        %dma_wait3A_93 = tpu.memref_squeeze %dma_wait3A_92 : memref<1x!tpu.dma_semaphore, #tpu.memory_space<semaphore_mem>> -> memref<!tpu.dma_semaphore, #tpu.memory_space<semaphore_mem>>
        tpu.wait_indirect_dma semaphore(%dma_wait3A_93 : memref<!tpu.dma_semaphore, #tpu.memory_space<semaphore_mem>>) src(%dma_wait3A_91 : memref<10000x64xf32, #tpu.memory_space<hbm>>) dst(%dma_wait3A_85 : memref<128x64xf32, #tpu.memory_space<vmem>>)
        %add3A_94 = arith.addi %while3A_67, %sub3A : i32
        %dma_start3A_95 = arith.constant 0 : i32
        %dma_start3A_96 = arith.constant 0 : i32
        %dma_start3A_97 = tpu.memref_slice %arg9[%rem3A_68, %dma_start3A_95, %dma_start3A_96] : memref<4x128x64xf32, #tpu.memory_space<vmem>> -> memref<1x128x64xf32, #tpu.memory_space<vmem>>
        %dma_start3A_98 = tpu.memref_squeeze %dma_start3A_97 : memref<1x128x64xf32, #tpu.memory_space<vmem>> -> memref<128x64xf32, #tpu.memory_space<vmem>>
        %dma_start3A_99 = arith.constant 0 : i32
        %dma_start3A_100 = tpu.memref_slice %arg8[%add3A_94, %dma_start3A_99] : memref<149x128xi32, #tpu.memory_space<vmem>> -> memref<1x128xi32, #tpu.memory_space<vmem>>
        %dma_start3A_101 = tpu.memref_squeeze %dma_start3A_100 : memref<1x128xi32, #tpu.memory_space<vmem>> -> memref<128xi32, #tpu.memory_space<vmem>>
        %dma_start3A_102 = arith.constant 0 : i32
        %dma_start3A_103 = arith.constant 0 : i32
        %dma_start3A_104 = tpu.memref_slice %arg10[%dma_start3A_102, %dma_start3A_103] : memref<10000x64xf32, #tpu.memory_space<vmem_shared>> -> memref<10000x64xf32, #tpu.memory_space<vmem_shared>>
        %dma_start3A_105 = tpu.memref_slice %arg12[%rem3A_68] : memref<4x!tpu.dma_semaphore, #tpu.memory_space<semaphore_mem>> -> memref<1x!tpu.dma_semaphore, #tpu.memory_space<semaphore_mem>>
        %dma_start3A_106 = tpu.memref_squeeze %dma_start3A_105 : memref<1x!tpu.dma_semaphore, #tpu.memory_space<semaphore_mem>> -> memref<!tpu.dma_semaphore, #tpu.memory_space<semaphore_mem>>
        tpu.enqueue_indirect_dma source(%dma_start3A_98 : memref<128x64xf32, #tpu.memory_space<vmem>>) target(%dma_start3A_104 : memref<10000x64xf32, #tpu.memory_space<vmem_shared>>) offsets(%dma_start3A_101 : memref<128xi32, #tpu.memory_space<vmem>>) semaphore(%dma_start3A_106 : memref<!tpu.dma_semaphore, #tpu.memory_space<semaphore_mem>>) {add = true}
      } else {
      }
    }
    %barrier3A_59 = arith.constant 0 : index
    tpu.barrier barrier_id(%barrier3A_59)
    %mul3A_60 = arith.constant 625 : i32
    %mul3A_61 = arith.muli %arg1, %mul3A_60 : i32
    %mul3A_62 = arith.constant 10000 : i32
    %mul3A_63 = arith.muli %arg0, %mul3A_62 : i32
    %mul3A_64 = arith.constant 625 : i32
    %mul3A_65 = arith.muli %arg1, %mul3A_64 : i32
    %add3A_66 = arith.addi %mul3A_63, %mul3A_65 : i32
    "tpu.region"() ({
      %run_scoped3A = tpu.sem_alloc : memref<!tpu.dma_semaphore, #tpu.memory_space<semaphore_mem>>
      %dma_start3A_67 = arith.constant 0 : i32
      %dma_start3A_68 = tpu.memref_slice %arg6[%add3A_66, %dma_start3A_67] : memref<20000x64xf32, #tpu.memory_space<hbm>> -> memref<625x64xf32, #tpu.memory_space<hbm>>
      %dma_start3A_69 = arith.constant 0 : i32
      %dma_start3A_70 = tpu.memref_slice %arg10[%mul3A_61, %dma_start3A_69] : memref<10000x64xf32, #tpu.memory_space<vmem_shared>> -> memref<625x64xf32, #tpu.memory_space<vmem_shared>>
      tpu.enqueue_dma source(%dma_start3A_70 : memref<625x64xf32, #tpu.memory_space<vmem_shared>>) target(%dma_start3A_68 : memref<625x64xf32, #tpu.memory_space<hbm>>) target_semaphore(%run_scoped3A : memref<!tpu.dma_semaphore, #tpu.memory_space<semaphore_mem>>)
      %dma_wait3A = arith.constant 0 : i32
      %dma_wait3A_71 = tpu.memref_slice %arg6[%add3A_66, %dma_wait3A] : memref<20000x64xf32, #tpu.memory_space<hbm>> -> memref<625x64xf32, #tpu.memory_space<hbm>>
      %dma_wait3A_72 = arith.constant 0 : i32
      %dma_wait3A_73 = tpu.memref_slice %arg10[%mul3A_61, %dma_wait3A_72] : memref<10000x64xf32, #tpu.memory_space<vmem_shared>> -> memref<625x64xf32, #tpu.memory_space<vmem_shared>>
      tpu.wait_dma2 semaphore(%run_scoped3A : memref<!tpu.dma_semaphore, #tpu.memory_space<semaphore_mem>>) src(%dma_wait3A_73 : memref<625x64xf32, #tpu.memory_space<vmem_shared>>) dst(%dma_wait3A_71 : memref<625x64xf32, #tpu.memory_space<hbm>>)
      tpu.yield
    }) : () -> ()
    return
  }
}

#map = affine_map<(d0, d1) -> (0, 0)>
module attributes {stable_mosaic.version = 14 : i64} {
  func.func @sck(%arg0: i32, %arg1: i32, %arg2: memref<10000x64xf32, #tpu.memory_space<hbm>>, %arg3: memref<2500x128xi32, #tpu.memory_space<hbm>>, %arg4: memref<2500x128xi32, #tpu.memory_space<hbm>>, %arg5: memref<625x64xf32, #tpu.memory_space<hbm>>, %arg6: memref<20000x64xf32, #tpu.memory_space<hbm>>, %arg7: memref<149x128xi32, #tpu.memory_space<vmem>>, %arg8: memref<149x128xi32, #tpu.memory_space<vmem>>, %arg9: memref<4x128x64xf32, #tpu.memory_space<vmem>>, %arg10: memref<10000x64xf32, #tpu.memory_space<vmem_shared>>, %arg11: memref<4x!tpu.dma_semaphore, #tpu.memory_space<semaphore_mem>>, %arg12: memref<4x!tpu.dma_semaphore, #tpu.memory_space<semaphore_mem>>) attributes {dimension_semantics = [#tpu.dimension_semantics<core_parallel>, #tpu.dimension_semantics<subcore_parallel>], iteration_bounds = array<i64: 2, 16>, scalar_prefetch = 0 : i64, scratch_operands = 6 : i64, tpu.core_type = #tpu.core_type<sc_vector_subcore>, window_params = [{transform_indices = #map}, {transform_indices = #map}, {transform_indices = #map}, {transform_indices = #map}, {transform_indices = #map}]} {
    %eq3A = arith.constant 0 : i32
    %eq3A_0 = arith.cmpi eq, %arg0, %eq3A : i32
    %lt3A = arith.constant 4 : i32
    %lt3A_1 = arith.cmpi slt, %arg1, %lt3A : i32
    %convert_element_type3A = arith.extui %lt3A_1 : i1 to i32
    %add3A = arith.constant 78 : i32
    %add3A_2 = arith.addi %add3A, %convert_element_type3A : i32
    %jit3A = arith.constant 78 : i32
    %select_n3A = arith.select %eq3A_0, %add3A_2, %jit3A : i32
    %eq3A_3 = arith.constant 0 : i32
    %eq3A_4 = arith.cmpi eq, %arg0, %eq3A_3 : i32
    %mul3A = arith.constant 78 : i32
    %mul3A_5 = arith.muli %arg1, %mul3A : i32
    %min3A = arith.constant 4 : i32
    %min3A_6 = arith.minsi %arg1, %min3A : i32
    %add3A_7 = arith.addi %mul3A_5, %min3A_6 : i32
    %mul3A_8 = arith.constant 78 : i32
    %mul3A_9 = arith.muli %arg1, %mul3A_8 : i32
    %add3A_10 = arith.constant 1252 : i32
    %add3A_11 = arith.addi %add3A_10, %mul3A_9 : i32
    %select_n3A_12 = arith.select %eq3A_4, %add3A_7, %add3A_11 : i32
    %min3A_13 = arith.constant 2351 : i32
    %min3A_14 = arith.minsi %select_n3A_12, %min3A_13 : i32
    %sub3A = arith.subi %select_n3A_12, %min3A_14 : i32
    %mul3A_15 = arith.constant 625 : i32
    %mul3A_16 = arith.muli %arg1, %mul3A_15 : i32
    "tpu.region"() ({
      %run_scoped3A = tpu.sem_alloc : memref<!tpu.dma_semaphore, #tpu.memory_space<semaphore_mem>>
      %dma_start3A_67 = arith.constant 0 : i32
      %dma_start3A_68 = tpu.memref_slice %arg10[%mul3A_16, %dma_start3A_67] : memref<10000x64xf32, #tpu.memory_space<vmem_shared>> -> memref<625x64xf32, #tpu.memory_space<vmem_shared>>
      tpu.enqueue_dma source(%arg5 : memref<625x64xf32, #tpu.memory_space<hbm>>) target(%dma_start3A_68 : memref<625x64xf32, #tpu.memory_space<vmem_shared>>) target_semaphore(%run_scoped3A : memref<!tpu.dma_semaphore, #tpu.memory_space<semaphore_mem>>)
      %dma_wait3A = arith.constant 0 : i32
      %dma_wait3A_69 = tpu.memref_slice %arg10[%mul3A_16, %dma_wait3A] : memref<10000x64xf32, #tpu.memory_space<vmem_shared>> -> memref<625x64xf32, #tpu.memory_space<vmem_shared>>
      tpu.wait_dma2 semaphore(%run_scoped3A : memref<!tpu.dma_semaphore, #tpu.memory_space<semaphore_mem>>) src(%arg5 : memref<625x64xf32, #tpu.memory_space<hbm>>) dst(%dma_wait3A_69 : memref<625x64xf32, #tpu.memory_space<vmem_shared>>)
      tpu.yield
    }) : () -> ()
    "tpu.region"() ({
      %run_scoped3A = tpu.sem_alloc : memref<!tpu.dma_semaphore, #tpu.memory_space<semaphore_mem>>
      %dma_start3A_67 = arith.constant 0 : i32
      %dma_start3A_68 = tpu.memref_slice %arg3[%min3A_14, %dma_start3A_67] : memref<2500x128xi32, #tpu.memory_space<hbm>> -> memref<149x128xi32, #tpu.memory_space<hbm>>
      %dma_start3A_69 = arith.constant 0 : i32
      %dma_start3A_70 = tpu.memref_slice %arg3[%min3A_14, %dma_start3A_69] : memref<2500x128xi32, #tpu.memory_space<hbm>> -> memref<149x128xi32, #tpu.memory_space<hbm>>
      tpu.enqueue_dma source(%dma_start3A_70 : memref<149x128xi32, #tpu.memory_space<hbm>>) target(%arg7 : memref<149x128xi32, #tpu.memory_space<vmem>>) target_semaphore(%run_scoped3A : memref<!tpu.dma_semaphore, #tpu.memory_space<semaphore_mem>>)
      %dma_wait3A = arith.constant 0 : i32
      %dma_wait3A_71 = tpu.memref_slice %arg3[%min3A_14, %dma_wait3A] : memref<2500x128xi32, #tpu.memory_space<hbm>> -> memref<149x128xi32, #tpu.memory_space<hbm>>
      %dma_wait3A_72 = arith.constant 0 : i32
      %dma_wait3A_73 = tpu.memref_slice %arg3[%min3A_14, %dma_wait3A_72] : memref<2500x128xi32, #tpu.memory_space<hbm>> -> memref<149x128xi32, #tpu.memory_space<hbm>>
      tpu.wait_dma2 semaphore(%run_scoped3A : memref<!tpu.dma_semaphore, #tpu.memory_space<semaphore_mem>>) src(%dma_wait3A_73 : memref<149x128xi32, #tpu.memory_space<hbm>>) dst(%arg7 : memref<149x128xi32, #tpu.memory_space<vmem>>)
      tpu.yield
    }) : () -> ()
    "tpu.region"() ({
      %run_scoped3A = tpu.sem_alloc : memref<!tpu.dma_semaphore, #tpu.memory_space<semaphore_mem>>
      %dma_start3A_67 = arith.constant 0 : i32
      %dma_start3A_68 = tpu.memref_slice %arg4[%min3A_14, %dma_start3A_67] : memref<2500x128xi32, #tpu.memory_space<hbm>> -> memref<149x128xi32, #tpu.memory_space<hbm>>
      %dma_start3A_69 = arith.constant 0 : i32
      %dma_start3A_70 = tpu.memref_slice %arg4[%min3A_14, %dma_start3A_69] : memref<2500x128xi32, #tpu.memory_space<hbm>> -> memref<149x128xi32, #tpu.memory_space<hbm>>
      tpu.enqueue_dma source(%dma_start3A_70 : memref<149x128xi32, #tpu.memory_space<hbm>>) target(%arg8 : memref<149x128xi32, #tpu.memory_space<vmem>>) target_semaphore(%run_scoped3A : memref<!tpu.dma_semaphore, #tpu.memory_space<semaphore_mem>>)
      %dma_wait3A = arith.constant 0 : i32
      %dma_wait3A_71 = tpu.memref_slice %arg4[%min3A_14, %dma_wait3A] : memref<2500x128xi32, #tpu.memory_space<hbm>> -> memref<149x128xi32, #tpu.memory_space<hbm>>
      %dma_wait3A_72 = arith.constant 0 : i32
      %dma_wait3A_73 = tpu.memref_slice %arg4[%min3A_14, %dma_wait3A_72] : memref<2500x128xi32, #tpu.memory_space<hbm>> -> memref<149x128xi32, #tpu.memory_space<hbm>>
      tpu.wait_dma2 semaphore(%run_scoped3A : memref<!tpu.dma_semaphore, #tpu.memory_space<semaphore_mem>>) src(%dma_wait3A_73 : memref<149x128xi32, #tpu.memory_space<hbm>>) dst(%arg8 : memref<149x128xi32, #tpu.memory_space<vmem>>)
      tpu.yield
    }) : () -> ()
    %barrier3A = arith.constant 0 : index
    tpu.barrier barrier_id(%barrier3A)
    %add3A_17 = arith.constant 0 : i32
    %add3A_18 = arith.addi %add3A_17, %sub3A : i32
    %dma_start3A = arith.constant 0 : i32
    %dma_start3A_19 = arith.constant 0 : i32
    %dma_start3A_20 = arith.constant 0 : i32
    %dma_start3A_21 = arith.constant 0 : i32
    %dma_start3A_22 = tpu.memref_slice %arg9[%dma_start3A, %dma_start3A_20, %dma_start3A_21] : memref<4x128x64xf32, #tpu.memory_space<vmem>> -> memref<1x128x64xf32, #tpu.memory_space<vmem>>
    %dma_start3A_23 = tpu.memref_squeeze %dma_start3A_22 : memref<1x128x64xf32, #tpu.memory_space<vmem>> -> memref<128x64xf32, #tpu.memory_space<vmem>>
    %dma_start3A_24 = arith.constant 0 : i32
    %dma_start3A_25 = tpu.memref_slice %arg7[%add3A_18, %dma_start3A_24] : memref<149x128xi32, #tpu.memory_space<vmem>> -> memref<1x128xi32, #tpu.memory_space<vmem>>
    %dma_start3A_26 = tpu.memref_squeeze %dma_start3A_25 : memref<1x128xi32, #tpu.memory_space<vmem>> -> memref<128xi32, #tpu.memory_space<vmem>>
    %dma_start3A_27 = arith.constant 0 : i32
    %dma_start3A_28 = arith.constant 0 : i32
    %dma_start3A_29 = tpu.memref_slice %arg2[%dma_start3A_27, %dma_start3A_28] : memref<10000x64xf32, #tpu.memory_space<hbm>> -> memref<10000x64xf32, #tpu.memory_space<hbm>>
    %dma_start3A_30 = tpu.memref_slice %arg11[%dma_start3A_19] : memref<4x!tpu.dma_semaphore, #tpu.memory_space<semaphore_mem>> -> memref<1x!tpu.dma_semaphore, #tpu.memory_space<semaphore_mem>>
    %dma_start3A_31 = tpu.memref_squeeze %dma_start3A_30 : memref<1x!tpu.dma_semaphore, #tpu.memory_space<semaphore_mem>> -> memref<!tpu.dma_semaphore, #tpu.memory_space<semaphore_mem>>
    tpu.enqueue_indirect_dma source(%dma_start3A_29 : memref<10000x64xf32, #tpu.memory_space<hbm>>) target(%dma_start3A_23 : memref<128x64xf32, #tpu.memory_space<vmem>>) offsets(%dma_start3A_26 : memref<128xi32, #tpu.memory_space<vmem>>) semaphore(%dma_start3A_31 : memref<!tpu.dma_semaphore, #tpu.memory_space<semaphore_mem>>)
    %add3A_32 = arith.constant 1 : i32
    %add3A_33 = arith.addi %add3A_32, %sub3A : i32
    %dma_start3A_34 = arith.constant 1 : i32
    %dma_start3A_35 = arith.constant 1 : i32
    %dma_start3A_36 = arith.constant 0 : i32
    %dma_start3A_37 = arith.constant 0 : i32
    %dma_start3A_38 = tpu.memref_slice %arg9[%dma_start3A_34, %dma_start3A_36, %dma_start3A_37] : memref<4x128x64xf32, #tpu.memory_space<vmem>> -> memref<1x128x64xf32, #tpu.memory_space<vmem>>
    %dma_start3A_39 = tpu.memref_squeeze %dma_start3A_38 : memref<1x128x64xf32, #tpu.memory_space<vmem>> -> memref<128x64xf32, #tpu.memory_space<vmem>>
    %dma_start3A_40 = arith.constant 0 : i32
    %dma_start3A_41 = tpu.memref_slice %arg7[%add3A_33, %dma_start3A_40] : memref<149x128xi32, #tpu.memory_space<vmem>> -> memref<1x128xi32, #tpu.memory_space<vmem>>
    %dma_start3A_42 = tpu.memref_squeeze %dma_start3A_41 : memref<1x128xi32, #tpu.memory_space<vmem>> -> memref<128xi32, #tpu.memory_space<vmem>>
    %dma_start3A_43 = arith.constant 0 : i32
    %dma_start3A_44 = arith.constant 0 : i32
    %dma_start3A_45 = tpu.memref_slice %arg2[%dma_start3A_43, %dma_start3A_44] : memref<10000x64xf32, #tpu.memory_space<hbm>> -> memref<10000x64xf32, #tpu.memory_space<hbm>>
    %dma_start3A_46 = tpu.memref_slice %arg11[%dma_start3A_35] : memref<4x!tpu.dma_semaphore, #tpu.memory_space<semaphore_mem>> -> memref<1x!tpu.dma_semaphore, #tpu.memory_space<semaphore_mem>>
    %dma_start3A_47 = tpu.memref_squeeze %dma_start3A_46 : memref<1x!tpu.dma_semaphore, #tpu.memory_space<semaphore_mem>> -> memref<!tpu.dma_semaphore, #tpu.memory_space<semaphore_mem>>
    tpu.enqueue_indirect_dma source(%dma_start3A_45 : memref<10000x64xf32, #tpu.memory_space<hbm>>) target(%dma_start3A_39 : memref<128x64xf32, #tpu.memory_space<vmem>>) offsets(%dma_start3A_42 : memref<128xi32, #tpu.memory_space<vmem>>) semaphore(%dma_start3A_47 : memref<!tpu.dma_semaphore, #tpu.memory_space<semaphore_mem>>)
    %add3A_48 = arith.constant 2 : i32
    %add3A_49 = arith.addi %select_n3A, %add3A_48 : i32
    %while3A = arith.constant 0 : i32
    %while3A_50 = arith.constant 0 : i32
    %while3A_51 = arith.subi %add3A_49, %while3A_50 : i32
    %while3A_52 = arith.addi %while3A_50, %while3A_51 : i32
    %while3A_53 = arith.constant 1 : i32
    %while3A_54 = arith.divsi %while3A_51, %while3A_53 : i32
    %while3A_55 = arith.muli %while3A_54, %while3A_53 : i32
    %while3A_56 = arith.addi %while3A_50, %while3A_55 : i32
    %while3A_57 = arith.constant 1 : i32
    scf.for %while3A_67 = %while3A_50 to %while3A_56 step %while3A_57  : i32 {
      %rem3A = arith.constant 4 : i32
      %rem3A_68 = arith.remsi %while3A_67, %rem3A : i32
      %ge3A = arith.constant 2 : i32
      %ge3A_69 = arith.cmpi sge, %while3A_67, %ge3A : i32
      %convert_element_type3A_70 = arith.extui %ge3A_69 : i1 to i32
      %cond3A = arith.constant 0 : i32
      %cond3A_71 = arith.cmpi ne, %convert_element_type3A_70, %cond3A : i32
      scf.if %cond3A_71 {
        %add3A_82 = arith.constant 2 : i32
        %add3A_83 = arith.addi %while3A_67, %add3A_82 : i32
        %rem3A_84 = arith.constant 4 : i32
        %rem3A_85 = arith.remsi %add3A_83, %rem3A_84 : i32
        %sub3A_86 = arith.constant 2 : i32
        %sub3A_87 = arith.subi %while3A_67, %sub3A_86 : i32
        %add3A_88 = arith.addi %sub3A_87, %sub3A : i32
        %dma_wait3A = arith.constant 0 : i32
        %dma_wait3A_89 = arith.constant 0 : i32
        %dma_wait3A_90 = tpu.memref_slice %arg9[%rem3A_85, %dma_wait3A, %dma_wait3A_89] : memref<4x128x64xf32, #tpu.memory_space<vmem>> -> memref<1x128x64xf32, #tpu.memory_space<vmem>>
        %dma_wait3A_91 = tpu.memref_squeeze %dma_wait3A_90 : memref<1x128x64xf32, #tpu.memory_space<vmem>> -> memref<128x64xf32, #tpu.memory_space<vmem>>
        %dma_wait3A_92 = arith.constant 0 : i32
        %dma_wait3A_93 = tpu.memref_slice %arg8[%add3A_88, %dma_wait3A_92] : memref<149x128xi32, #tpu.memory_space<vmem>> -> memref<1x128xi32, #tpu.memory_space<vmem>>
        %dma_wait3A_94 = tpu.memref_squeeze %dma_wait3A_93 : memref<1x128xi32, #tpu.memory_space<vmem>> -> memref<128xi32, #tpu.memory_space<vmem>>
        %dma_wait3A_95 = arith.constant 0 : i32
        %dma_wait3A_96 = arith.constant 0 : i32
        %dma_wait3A_97 = tpu.memref_slice %arg10[%dma_wait3A_95, %dma_wait3A_96] : memref<10000x64xf32, #tpu.memory_space<vmem_shared>> -> memref<10000x64xf32, #tpu.memory_space<vmem_shared>>
        %dma_wait3A_98 = tpu.memref_slice %arg12[%rem3A_85] : memref<4x!tpu.dma_semaphore, #tpu.memory_space<semaphore_mem>> -> memref<1x!tpu.dma_semaphore, #tpu.memory_space<semaphore_mem>>
        %dma_wait3A_99 = tpu.memref_squeeze %dma_wait3A_98 : memref<1x!tpu.dma_semaphore, #tpu.memory_space<semaphore_mem>> -> memref<!tpu.dma_semaphore, #tpu.memory_space<semaphore_mem>>
        tpu.wait_indirect_dma semaphore(%dma_wait3A_99 : memref<!tpu.dma_semaphore, #tpu.memory_space<semaphore_mem>>) src(%dma_wait3A_91 : memref<128x64xf32, #tpu.memory_space<vmem>>) dst(%dma_wait3A_97 : memref<10000x64xf32, #tpu.memory_space<vmem_shared>>)
      } else {
      }
      %add3A_72 = arith.constant 2 : i32
      %add3A_73 = arith.addi %while3A_67, %add3A_72 : i32
      %lt3A_74 = arith.cmpi slt, %add3A_73, %select_n3A : i32
      %convert_element_type3A_75 = arith.extui %lt3A_74 : i1 to i32
      %cond3A_76 = arith.constant 0 : i32
      %cond3A_77 = arith.cmpi ne, %convert_element_type3A_75, %cond3A_76 : i32
      scf.if %cond3A_77 {
        %add3A_82 = arith.constant 2 : i32
        %add3A_83 = arith.addi %while3A_67, %add3A_82 : i32
        %rem3A_84 = arith.constant 4 : i32
        %rem3A_85 = arith.remsi %add3A_83, %rem3A_84 : i32
        %add3A_86 = arith.constant 2 : i32
        %add3A_87 = arith.addi %while3A_67, %add3A_86 : i32
        %add3A_88 = arith.addi %add3A_87, %sub3A : i32
        %dma_start3A_89 = arith.constant 0 : i32
        %dma_start3A_90 = arith.constant 0 : i32
        %dma_start3A_91 = tpu.memref_slice %arg9[%rem3A_85, %dma_start3A_89, %dma_start3A_90] : memref<4x128x64xf32, #tpu.memory_space<vmem>> -> memref<1x128x64xf32, #tpu.memory_space<vmem>>
        %dma_start3A_92 = tpu.memref_squeeze %dma_start3A_91 : memref<1x128x64xf32, #tpu.memory_space<vmem>> -> memref<128x64xf32, #tpu.memory_space<vmem>>
        %dma_start3A_93 = arith.constant 0 : i32
        %dma_start3A_94 = tpu.memref_slice %arg7[%add3A_88, %dma_start3A_93] : memref<149x128xi32, #tpu.memory_space<vmem>> -> memref<1x128xi32, #tpu.memory_space<vmem>>
        %dma_start3A_95 = tpu.memref_squeeze %dma_start3A_94 : memref<1x128xi32, #tpu.memory_space<vmem>> -> memref<128xi32, #tpu.memory_space<vmem>>
        %dma_start3A_96 = arith.constant 0 : i32
        %dma_start3A_97 = arith.constant 0 : i32
        %dma_start3A_98 = tpu.memref_slice %arg2[%dma_start3A_96, %dma_start3A_97] : memref<10000x64xf32, #tpu.memory_space<hbm>> -> memref<10000x64xf32, #tpu.memory_space<hbm>>
        %dma_start3A_99 = tpu.memref_slice %arg11[%rem3A_85] : memref<4x!tpu.dma_semaphore, #tpu.memory_space<semaphore_mem>> -> memref<1x!tpu.dma_semaphore, #tpu.memory_space<semaphore_mem>>
        %dma_start3A_100 = tpu.memref_squeeze %dma_start3A_99 : memref<1x!tpu.dma_semaphore, #tpu.memory_space<semaphore_mem>> -> memref<!tpu.dma_semaphore, #tpu.memory_space<semaphore_mem>>
        tpu.enqueue_indirect_dma source(%dma_start3A_98 : memref<10000x64xf32, #tpu.memory_space<hbm>>) target(%dma_start3A_92 : memref<128x64xf32, #tpu.memory_space<vmem>>) offsets(%dma_start3A_95 : memref<128xi32, #tpu.memory_space<vmem>>) semaphore(%dma_start3A_100 : memref<!tpu.dma_semaphore, #tpu.memory_space<semaphore_mem>>)
      } else {
      }
      %lt3A_78 = arith.cmpi slt, %while3A_67, %select_n3A : i32
      %convert_element_type3A_79 = arith.extui %lt3A_78 : i1 to i32
      %cond3A_80 = arith.constant 0 : i32
      %cond3A_81 = arith.cmpi ne, %convert_element_type3A_79, %cond3A_80 : i32
      scf.if %cond3A_81 {
        %add3A_82 = arith.addi %while3A_67, %sub3A : i32
        %dma_wait3A = arith.constant 0 : i32
        %dma_wait3A_83 = arith.constant 0 : i32
        %dma_wait3A_84 = tpu.memref_slice %arg9[%rem3A_68, %dma_wait3A, %dma_wait3A_83] : memref<4x128x64xf32, #tpu.memory_space<vmem>> -> memref<1x128x64xf32, #tpu.memory_space<vmem>>
        %dma_wait3A_85 = tpu.memref_squeeze %dma_wait3A_84 : memref<1x128x64xf32, #tpu.memory_space<vmem>> -> memref<128x64xf32, #tpu.memory_space<vmem>>
        %dma_wait3A_86 = arith.constant 0 : i32
        %dma_wait3A_87 = tpu.memref_slice %arg7[%add3A_82, %dma_wait3A_86] : memref<149x128xi32, #tpu.memory_space<vmem>> -> memref<1x128xi32, #tpu.memory_space<vmem>>
        %dma_wait3A_88 = tpu.memref_squeeze %dma_wait3A_87 : memref<1x128xi32, #tpu.memory_space<vmem>> -> memref<128xi32, #tpu.memory_space<vmem>>
        %dma_wait3A_89 = arith.constant 0 : i32
        %dma_wait3A_90 = arith.constant 0 : i32
        %dma_wait3A_91 = tpu.memref_slice %arg2[%dma_wait3A_89, %dma_wait3A_90] : memref<10000x64xf32, #tpu.memory_space<hbm>> -> memref<10000x64xf32, #tpu.memory_space<hbm>>
        %dma_wait3A_92 = tpu.memref_slice %arg11[%rem3A_68] : memref<4x!tpu.dma_semaphore, #tpu.memory_space<semaphore_mem>> -> memref<1x!tpu.dma_semaphore, #tpu.memory_space<semaphore_mem>>
        %dma_wait3A_93 = tpu.memref_squeeze %dma_wait3A_92 : memref<1x!tpu.dma_semaphore, #tpu.memory_space<semaphore_mem>> -> memref<!tpu.dma_semaphore, #tpu.memory_space<semaphore_mem>>
        tpu.wait_indirect_dma semaphore(%dma_wait3A_93 : memref<!tpu.dma_semaphore, #tpu.memory_space<semaphore_mem>>) src(%dma_wait3A_91 : memref<10000x64xf32, #tpu.memory_space<hbm>>) dst(%dma_wait3A_85 : memref<128x64xf32, #tpu.memory_space<vmem>>)
        %add3A_94 = arith.addi %while3A_67, %sub3A : i32
        %dma_start3A_95 = arith.constant 0 : i32
        %dma_start3A_96 = arith.constant 0 : i32
        %dma_start3A_97 = tpu.memref_slice %arg9[%rem3A_68, %dma_start3A_95, %dma_start3A_96] : memref<4x128x64xf32, #tpu.memory_space<vmem>> -> memref<1x128x64xf32, #tpu.memory_space<vmem>>
        %dma_start3A_98 = tpu.memref_squeeze %dma_start3A_97 : memref<1x128x64xf32, #tpu.memory_space<vmem>> -> memref<128x64xf32, #tpu.memory_space<vmem>>
        %dma_start3A_99 = arith.constant 0 : i32
        %dma_start3A_100 = tpu.memref_slice %arg8[%add3A_94, %dma_start3A_99] : memref<149x128xi32, #tpu.memory_space<vmem>> -> memref<1x128xi32, #tpu.memory_space<vmem>>
        %dma_start3A_101 = tpu.memref_squeeze %dma_start3A_100 : memref<1x128xi32, #tpu.memory_space<vmem>> -> memref<128xi32, #tpu.memory_space<vmem>>
        %dma_start3A_102 = arith.constant 0 : i32
        %dma_start3A_103 = arith.constant 0 : i32
        %dma_start3A_104 = tpu.memref_slice %arg10[%dma_start3A_102, %dma_start3A_103] : memref<10000x64xf32, #tpu.memory_space<vmem_shared>> -> memref<10000x64xf32, #tpu.memory_space<vmem_shared>>
        %dma_start3A_105 = tpu.memref_slice %arg12[%rem3A_68] : memref<4x!tpu.dma_semaphore, #tpu.memory_space<semaphore_mem>> -> memref<1x!tpu.dma_semaphore, #tpu.memory_space<semaphore_mem>>
        %dma_start3A_106 = tpu.memref_squeeze %dma_start3A_105 : memref<1x!tpu.dma_semaphore, #tpu.memory_space<semaphore_mem>> -> memref<!tpu.dma_semaphore, #tpu.memory_space<semaphore_mem>>
        tpu.enqueue_indirect_dma source(%dma_start3A_98 : memref<128x64xf32, #tpu.memory_space<vmem>>) target(%dma_start3A_104 : memref<10000x64xf32, #tpu.memory_space<vmem_shared>>) offsets(%dma_start3A_101 : memref<128xi32, #tpu.memory_space<vmem>>) semaphore(%dma_start3A_106 : memref<!tpu.dma_semaphore, #tpu.memory_space<semaphore_mem>>) {add = true}
      } else {
      }
    }
    %while3A_58 = arith.constant 1 : i32
    scf.for %while3A_67 = %while3A_56 to %while3A_52 step %while3A_58  : i32 {
      %rem3A = arith.constant 4 : i32
      %rem3A_68 = arith.remsi %while3A_67, %rem3A : i32
      %ge3A = arith.constant 2 : i32
      %ge3A_69 = arith.cmpi sge, %while3A_67, %ge3A : i32
      %convert_element_type3A_70 = arith.extui %ge3A_69 : i1 to i32
      %cond3A = arith.constant 0 : i32
      %cond3A_71 = arith.cmpi ne, %convert_element_type3A_70, %cond3A : i32
      scf.if %cond3A_71 {
        %add3A_82 = arith.constant 2 : i32
        %add3A_83 = arith.addi %while3A_67, %add3A_82 : i32
        %rem3A_84 = arith.constant 4 : i32
        %rem3A_85 = arith.remsi %add3A_83, %rem3A_84 : i32
        %sub3A_86 = arith.constant 2 : i32
        %sub3A_87 = arith.subi %while3A_67, %sub3A_86 : i32
        %add3A_88 = arith.addi %sub3A_87, %sub3A : i32
        %dma_wait3A = arith.constant 0 : i32
        %dma_wait3A_89 = arith.constant 0 : i32
        %dma_wait3A_90 = tpu.memref_slice %arg9[%rem3A_85, %dma_wait3A, %dma_wait3A_89] : memref<4x128x64xf32, #tpu.memory_space<vmem>> -> memref<1x128x64xf32, #tpu.memory_space<vmem>>
        %dma_wait3A_91 = tpu.memref_squeeze %dma_wait3A_90 : memref<1x128x64xf32, #tpu.memory_space<vmem>> -> memref<128x64xf32, #tpu.memory_space<vmem>>
        %dma_wait3A_92 = arith.constant 0 : i32
        %dma_wait3A_93 = tpu.memref_slice %arg8[%add3A_88, %dma_wait3A_92] : memref<149x128xi32, #tpu.memory_space<vmem>> -> memref<1x128xi32, #tpu.memory_space<vmem>>
        %dma_wait3A_94 = tpu.memref_squeeze %dma_wait3A_93 : memref<1x128xi32, #tpu.memory_space<vmem>> -> memref<128xi32, #tpu.memory_space<vmem>>
        %dma_wait3A_95 = arith.constant 0 : i32
        %dma_wait3A_96 = arith.constant 0 : i32
        %dma_wait3A_97 = tpu.memref_slice %arg10[%dma_wait3A_95, %dma_wait3A_96] : memref<10000x64xf32, #tpu.memory_space<vmem_shared>> -> memref<10000x64xf32, #tpu.memory_space<vmem_shared>>
        %dma_wait3A_98 = tpu.memref_slice %arg12[%rem3A_85] : memref<4x!tpu.dma_semaphore, #tpu.memory_space<semaphore_mem>> -> memref<1x!tpu.dma_semaphore, #tpu.memory_space<semaphore_mem>>
        %dma_wait3A_99 = tpu.memref_squeeze %dma_wait3A_98 : memref<1x!tpu.dma_semaphore, #tpu.memory_space<semaphore_mem>> -> memref<!tpu.dma_semaphore, #tpu.memory_space<semaphore_mem>>
        tpu.wait_indirect_dma semaphore(%dma_wait3A_99 : memref<!tpu.dma_semaphore, #tpu.memory_space<semaphore_mem>>) src(%dma_wait3A_91 : memref<128x64xf32, #tpu.memory_space<vmem>>) dst(%dma_wait3A_97 : memref<10000x64xf32, #tpu.memory_space<vmem_shared>>)
      } else {
      }
      %add3A_72 = arith.constant 2 : i32
      %add3A_73 = arith.addi %while3A_67, %add3A_72 : i32
      %lt3A_74 = arith.cmpi slt, %add3A_73, %select_n3A : i32
      %convert_element_type3A_75 = arith.extui %lt3A_74 : i1 to i32
      %cond3A_76 = arith.constant 0 : i32
      %cond3A_77 = arith.cmpi ne, %convert_element_type3A_75, %cond3A_76 : i32
      scf.if %cond3A_77 {
        %add3A_82 = arith.constant 2 : i32
        %add3A_83 = arith.addi %while3A_67, %add3A_82 : i32
        %rem3A_84 = arith.constant 4 : i32
        %rem3A_85 = arith.remsi %add3A_83, %rem3A_84 : i32
        %add3A_86 = arith.constant 2 : i32
        %add3A_87 = arith.addi %while3A_67, %add3A_86 : i32
        %add3A_88 = arith.addi %add3A_87, %sub3A : i32
        %dma_start3A_89 = arith.constant 0 : i32
        %dma_start3A_90 = arith.constant 0 : i32
        %dma_start3A_91 = tpu.memref_slice %arg9[%rem3A_85, %dma_start3A_89, %dma_start3A_90] : memref<4x128x64xf32, #tpu.memory_space<vmem>> -> memref<1x128x64xf32, #tpu.memory_space<vmem>>
        %dma_start3A_92 = tpu.memref_squeeze %dma_start3A_91 : memref<1x128x64xf32, #tpu.memory_space<vmem>> -> memref<128x64xf32, #tpu.memory_space<vmem>>
        %dma_start3A_93 = arith.constant 0 : i32
        %dma_start3A_94 = tpu.memref_slice %arg7[%add3A_88, %dma_start3A_93] : memref<149x128xi32, #tpu.memory_space<vmem>> -> memref<1x128xi32, #tpu.memory_space<vmem>>
        %dma_start3A_95 = tpu.memref_squeeze %dma_start3A_94 : memref<1x128xi32, #tpu.memory_space<vmem>> -> memref<128xi32, #tpu.memory_space<vmem>>
        %dma_start3A_96 = arith.constant 0 : i32
        %dma_start3A_97 = arith.constant 0 : i32
        %dma_start3A_98 = tpu.memref_slice %arg2[%dma_start3A_96, %dma_start3A_97] : memref<10000x64xf32, #tpu.memory_space<hbm>> -> memref<10000x64xf32, #tpu.memory_space<hbm>>
        %dma_start3A_99 = tpu.memref_slice %arg11[%rem3A_85] : memref<4x!tpu.dma_semaphore, #tpu.memory_space<semaphore_mem>> -> memref<1x!tpu.dma_semaphore, #tpu.memory_space<semaphore_mem>>
        %dma_start3A_100 = tpu.memref_squeeze %dma_start3A_99 : memref<1x!tpu.dma_semaphore, #tpu.memory_space<semaphore_mem>> -> memref<!tpu.dma_semaphore, #tpu.memory_space<semaphore_mem>>
        tpu.enqueue_indirect_dma source(%dma_start3A_98 : memref<10000x64xf32, #tpu.memory_space<hbm>>) target(%dma_start3A_92 : memref<128x64xf32, #tpu.memory_space<vmem>>) offsets(%dma_start3A_95 : memref<128xi32, #tpu.memory_space<vmem>>) semaphore(%dma_start3A_100 : memref<!tpu.dma_semaphore, #tpu.memory_space<semaphore_mem>>)
      } else {
      }
      %lt3A_78 = arith.cmpi slt, %while3A_67, %select_n3A : i32
      %convert_element_type3A_79 = arith.extui %lt3A_78 : i1 to i32
      %cond3A_80 = arith.constant 0 : i32
      %cond3A_81 = arith.cmpi ne, %convert_element_type3A_79, %cond3A_80 : i32
      scf.if %cond3A_81 {
        %add3A_82 = arith.addi %while3A_67, %sub3A : i32
        %dma_wait3A = arith.constant 0 : i32
        %dma_wait3A_83 = arith.constant 0 : i32
        %dma_wait3A_84 = tpu.memref_slice %arg9[%rem3A_68, %dma_wait3A, %dma_wait3A_83] : memref<4x128x64xf32, #tpu.memory_space<vmem>> -> memref<1x128x64xf32, #tpu.memory_space<vmem>>
        %dma_wait3A_85 = tpu.memref_squeeze %dma_wait3A_84 : memref<1x128x64xf32, #tpu.memory_space<vmem>> -> memref<128x64xf32, #tpu.memory_space<vmem>>
        %dma_wait3A_86 = arith.constant 0 : i32
        %dma_wait3A_87 = tpu.memref_slice %arg7[%add3A_82, %dma_wait3A_86] : memref<149x128xi32, #tpu.memory_space<vmem>> -> memref<1x128xi32, #tpu.memory_space<vmem>>
        %dma_wait3A_88 = tpu.memref_squeeze %dma_wait3A_87 : memref<1x128xi32, #tpu.memory_space<vmem>> -> memref<128xi32, #tpu.memory_space<vmem>>
        %dma_wait3A_89 = arith.constant 0 : i32
        %dma_wait3A_90 = arith.constant 0 : i32
        %dma_wait3A_91 = tpu.memref_slice %arg2[%dma_wait3A_89, %dma_wait3A_90] : memref<10000x64xf32, #tpu.memory_space<hbm>> -> memref<10000x64xf32, #tpu.memory_space<hbm>>
        %dma_wait3A_92 = tpu.memref_slice %arg11[%rem3A_68] : memref<4x!tpu.dma_semaphore, #tpu.memory_space<semaphore_mem>> -> memref<1x!tpu.dma_semaphore, #tpu.memory_space<semaphore_mem>>
        %dma_wait3A_93 = tpu.memref_squeeze %dma_wait3A_92 : memref<1x!tpu.dma_semaphore, #tpu.memory_space<semaphore_mem>> -> memref<!tpu.dma_semaphore, #tpu.memory_space<semaphore_mem>>
        tpu.wait_indirect_dma semaphore(%dma_wait3A_93 : memref<!tpu.dma_semaphore, #tpu.memory_space<semaphore_mem>>) src(%dma_wait3A_91 : memref<10000x64xf32, #tpu.memory_space<hbm>>) dst(%dma_wait3A_85 : memref<128x64xf32, #tpu.memory_space<vmem>>)
        %add3A_94 = arith.addi %while3A_67, %sub3A : i32
        %dma_start3A_95 = arith.constant 0 : i32
        %dma_start3A_96 = arith.constant 0 : i32
        %dma_start3A_97 = tpu.memref_slice %arg9[%rem3A_68, %dma_start3A_95, %dma_start3A_96] : memref<4x128x64xf32, #tpu.memory_space<vmem>> -> memref<1x128x64xf32, #tpu.memory_space<vmem>>
        %dma_start3A_98 = tpu.memref_squeeze %dma_start3A_97 : memref<1x128x64xf32, #tpu.memory_space<vmem>> -> memref<128x64xf32, #tpu.memory_space<vmem>>
        %dma_start3A_99 = arith.constant 0 : i32
        %dma_start3A_100 = tpu.memref_slice %arg8[%add3A_94, %dma_start3A_99] : memref<149x128xi32, #tpu.memory_space<vmem>> -> memref<1x128xi32, #tpu.memory_space<vmem>>
        %dma_start3A_101 = tpu.memref_squeeze %dma_start3A_100 : memref<1x128xi32, #tpu.memory_space<vmem>> -> memref<128xi32, #tpu.memory_space<vmem>>
        %dma_start3A_102 = arith.constant 0 : i32
        %dma_start3A_103 = arith.constant 0 : i32
        %dma_start3A_104 = tpu.memref_slice %arg10[%dma_start3A_102, %dma_start3A_103] : memref<10000x64xf32, #tpu.memory_space<vmem_shared>> -> memref<10000x64xf32, #tpu.memory_space<vmem_shared>>
        %dma_start3A_105 = tpu.memref_slice %arg12[%rem3A_68] : memref<4x!tpu.dma_semaphore, #tpu.memory_space<semaphore_mem>> -> memref<1x!tpu.dma_semaphore, #tpu.memory_space<semaphore_mem>>
        %dma_start3A_106 = tpu.memref_squeeze %dma_start3A_105 : memref<1x!tpu.dma_semaphore, #tpu.memory_space<semaphore_mem>> -> memref<!tpu.dma_semaphore, #tpu.memory_space<semaphore_mem>>
        tpu.enqueue_indirect_dma source(%dma_start3A_98 : memref<128x64xf32, #tpu.memory_space<vmem>>) target(%dma_start3A_104 : memref<10000x64xf32, #tpu.memory_space<vmem_shared>>) offsets(%dma_start3A_101 : memref<128xi32, #tpu.memory_space<vmem>>) semaphore(%dma_start3A_106 : memref<!tpu.dma_semaphore, #tpu.memory_space<semaphore_mem>>) {add = true}
      } else {
      }
    }
    %barrier3A_59 = arith.constant 0 : index
    tpu.barrier barrier_id(%barrier3A_59)
    %mul3A_60 = arith.constant 625 : i32
    %mul3A_61 = arith.muli %arg1, %mul3A_60 : i32
    %mul3A_62 = arith.constant 10000 : i32
    %mul3A_63 = arith.muli %arg0, %mul3A_62 : i32
    %mul3A_64 = arith.constant 625 : i32
    %mul3A_65 = arith.muli %arg1, %mul3A_64 : i32
    %add3A_66 = arith.addi %mul3A_63, %mul3A_65 : i32
    "tpu.region"() ({
      %run_scoped3A = tpu.sem_alloc : memref<!tpu.dma_semaphore, #tpu.memory_space<semaphore_mem>>
      %dma_start3A_67 = arith.constant 0 : i32
      %dma_start3A_68 = tpu.memref_slice %arg6[%add3A_66, %dma_start3A_67] : memref<20000x64xf32, #tpu.memory_space<hbm>> -> memref<625x64xf32, #tpu.memory_space<hbm>>
      %dma_start3A_69 = arith.constant 0 : i32
      %dma_start3A_70 = tpu.memref_slice %arg10[%mul3A_61, %dma_start3A_69] : memref<10000x64xf32, #tpu.memory_space<vmem_shared>> -> memref<625x64xf32, #tpu.memory_space<vmem_shared>>
      tpu.enqueue_dma source(%dma_start3A_70 : memref<625x64xf32, #tpu.memory_space<vmem_shared>>) target(%dma_start3A_68 : memref<625x64xf32, #tpu.memory_space<hbm>>) target_semaphore(%run_scoped3A : memref<!tpu.dma_semaphore, #tpu.memory_space<semaphore_mem>>)
      %dma_wait3A = arith.constant 0 : i32
      %dma_wait3A_71 = tpu.memref_slice %arg6[%add3A_66, %dma_wait3A] : memref<20000x64xf32, #tpu.memory_space<hbm>> -> memref<625x64xf32, #tpu.memory_space<hbm>>
      %dma_wait3A_72 = arith.constant 0 : i32
      %dma_wait3A_73 = tpu.memref_slice %arg10[%mul3A_61, %dma_wait3A_72] : memref<10000x64xf32, #tpu.memory_space<vmem_shared>> -> memref<625x64xf32, #tpu.memory_space<vmem_shared>>
      tpu.wait_dma2 semaphore(%run_scoped3A : memref<!tpu.dma_semaphore, #tpu.memory_space<semaphore_mem>>) src(%dma_wait3A_73 : memref<625x64xf32, #tpu.memory_space<vmem_shared>>) dst(%dma_wait3A_71 : memref<625x64xf32, #tpu.memory_space<hbm>>)
      tpu.yield
    }) : () -> ()
    return
  }
}

#map = affine_map<(d0, d1) -> (0, 0)>
module attributes {stable_mosaic.version = 14 : i64} {
  func.func @sck(%arg0: i32, %arg1: i32, %arg2: memref<10000x16xf32, #tpu.memory_space<hbm>>, %arg3: memref<2500x128xi32, #tpu.memory_space<hbm>>, %arg4: memref<2500x128xi32, #tpu.memory_space<hbm>>, %arg5: memref<625x16xf32, #tpu.memory_space<hbm>>, %arg6: memref<20000x16xf32, #tpu.memory_space<hbm>>, %arg7: memref<149x128xi32, #tpu.memory_space<vmem>>, %arg8: memref<149x128xi32, #tpu.memory_space<vmem>>, %arg9: memref<4x128x16xf32, #tpu.memory_space<vmem>>, %arg10: memref<10000x16xf32, #tpu.memory_space<vmem_shared>>, %arg11: memref<4x!tpu.dma_semaphore, #tpu.memory_space<semaphore_mem>>, %arg12: memref<4x!tpu.dma_semaphore, #tpu.memory_space<semaphore_mem>>) attributes {dimension_semantics = [#tpu.dimension_semantics<core_parallel>, #tpu.dimension_semantics<subcore_parallel>], iteration_bounds = array<i64: 2, 16>, scalar_prefetch = 0 : i64, scratch_operands = 6 : i64, tpu.core_type = #tpu.core_type<sc_vector_subcore>, window_params = [{transform_indices = #map}, {transform_indices = #map}, {transform_indices = #map}, {transform_indices = #map}, {transform_indices = #map}]} {
    %eq3A = arith.constant 0 : i32
    %eq3A_0 = arith.cmpi eq, %arg0, %eq3A : i32
    %lt3A = arith.constant 4 : i32
    %lt3A_1 = arith.cmpi slt, %arg1, %lt3A : i32
    %convert_element_type3A = arith.extui %lt3A_1 : i1 to i32
    %add3A = arith.constant 78 : i32
    %add3A_2 = arith.addi %add3A, %convert_element_type3A : i32
    %jit3A = arith.constant 78 : i32
    %select_n3A = arith.select %eq3A_0, %add3A_2, %jit3A : i32
    %eq3A_3 = arith.constant 0 : i32
    %eq3A_4 = arith.cmpi eq, %arg0, %eq3A_3 : i32
    %mul3A = arith.constant 78 : i32
    %mul3A_5 = arith.muli %arg1, %mul3A : i32
    %min3A = arith.constant 4 : i32
    %min3A_6 = arith.minsi %arg1, %min3A : i32
    %add3A_7 = arith.addi %mul3A_5, %min3A_6 : i32
    %mul3A_8 = arith.constant 78 : i32
    %mul3A_9 = arith.muli %arg1, %mul3A_8 : i32
    %add3A_10 = arith.constant 1252 : i32
    %add3A_11 = arith.addi %add3A_10, %mul3A_9 : i32
    %select_n3A_12 = arith.select %eq3A_4, %add3A_7, %add3A_11 : i32
    %min3A_13 = arith.constant 2351 : i32
    %min3A_14 = arith.minsi %select_n3A_12, %min3A_13 : i32
    %sub3A = arith.subi %select_n3A_12, %min3A_14 : i32
    %mul3A_15 = arith.constant 625 : i32
    %mul3A_16 = arith.muli %arg1, %mul3A_15 : i32
    "tpu.region"() ({
      %run_scoped3A = tpu.sem_alloc : memref<!tpu.dma_semaphore, #tpu.memory_space<semaphore_mem>>
      %dma_start3A_67 = arith.constant 0 : i32
      %dma_start3A_68 = tpu.memref_slice %arg10[%mul3A_16, %dma_start3A_67] : memref<10000x16xf32, #tpu.memory_space<vmem_shared>> -> memref<625x16xf32, #tpu.memory_space<vmem_shared>>
      tpu.enqueue_dma source(%arg5 : memref<625x16xf32, #tpu.memory_space<hbm>>) target(%dma_start3A_68 : memref<625x16xf32, #tpu.memory_space<vmem_shared>>) target_semaphore(%run_scoped3A : memref<!tpu.dma_semaphore, #tpu.memory_space<semaphore_mem>>)
      %dma_wait3A = arith.constant 0 : i32
      %dma_wait3A_69 = tpu.memref_slice %arg10[%mul3A_16, %dma_wait3A] : memref<10000x16xf32, #tpu.memory_space<vmem_shared>> -> memref<625x16xf32, #tpu.memory_space<vmem_shared>>
      tpu.wait_dma2 semaphore(%run_scoped3A : memref<!tpu.dma_semaphore, #tpu.memory_space<semaphore_mem>>) src(%arg5 : memref<625x16xf32, #tpu.memory_space<hbm>>) dst(%dma_wait3A_69 : memref<625x16xf32, #tpu.memory_space<vmem_shared>>)
      tpu.yield
    }) : () -> ()
    "tpu.region"() ({
      %run_scoped3A = tpu.sem_alloc : memref<!tpu.dma_semaphore, #tpu.memory_space<semaphore_mem>>
      %dma_start3A_67 = arith.constant 0 : i32
      %dma_start3A_68 = tpu.memref_slice %arg3[%min3A_14, %dma_start3A_67] : memref<2500x128xi32, #tpu.memory_space<hbm>> -> memref<149x128xi32, #tpu.memory_space<hbm>>
      %dma_start3A_69 = arith.constant 0 : i32
      %dma_start3A_70 = tpu.memref_slice %arg3[%min3A_14, %dma_start3A_69] : memref<2500x128xi32, #tpu.memory_space<hbm>> -> memref<149x128xi32, #tpu.memory_space<hbm>>
      tpu.enqueue_dma source(%dma_start3A_70 : memref<149x128xi32, #tpu.memory_space<hbm>>) target(%arg7 : memref<149x128xi32, #tpu.memory_space<vmem>>) target_semaphore(%run_scoped3A : memref<!tpu.dma_semaphore, #tpu.memory_space<semaphore_mem>>)
      %dma_wait3A = arith.constant 0 : i32
      %dma_wait3A_71 = tpu.memref_slice %arg3[%min3A_14, %dma_wait3A] : memref<2500x128xi32, #tpu.memory_space<hbm>> -> memref<149x128xi32, #tpu.memory_space<hbm>>
      %dma_wait3A_72 = arith.constant 0 : i32
      %dma_wait3A_73 = tpu.memref_slice %arg3[%min3A_14, %dma_wait3A_72] : memref<2500x128xi32, #tpu.memory_space<hbm>> -> memref<149x128xi32, #tpu.memory_space<hbm>>
      tpu.wait_dma2 semaphore(%run_scoped3A : memref<!tpu.dma_semaphore, #tpu.memory_space<semaphore_mem>>) src(%dma_wait3A_73 : memref<149x128xi32, #tpu.memory_space<hbm>>) dst(%arg7 : memref<149x128xi32, #tpu.memory_space<vmem>>)
      tpu.yield
    }) : () -> ()
    "tpu.region"() ({
      %run_scoped3A = tpu.sem_alloc : memref<!tpu.dma_semaphore, #tpu.memory_space<semaphore_mem>>
      %dma_start3A_67 = arith.constant 0 : i32
      %dma_start3A_68 = tpu.memref_slice %arg4[%min3A_14, %dma_start3A_67] : memref<2500x128xi32, #tpu.memory_space<hbm>> -> memref<149x128xi32, #tpu.memory_space<hbm>>
      %dma_start3A_69 = arith.constant 0 : i32
      %dma_start3A_70 = tpu.memref_slice %arg4[%min3A_14, %dma_start3A_69] : memref<2500x128xi32, #tpu.memory_space<hbm>> -> memref<149x128xi32, #tpu.memory_space<hbm>>
      tpu.enqueue_dma source(%dma_start3A_70 : memref<149x128xi32, #tpu.memory_space<hbm>>) target(%arg8 : memref<149x128xi32, #tpu.memory_space<vmem>>) target_semaphore(%run_scoped3A : memref<!tpu.dma_semaphore, #tpu.memory_space<semaphore_mem>>)
      %dma_wait3A = arith.constant 0 : i32
      %dma_wait3A_71 = tpu.memref_slice %arg4[%min3A_14, %dma_wait3A] : memref<2500x128xi32, #tpu.memory_space<hbm>> -> memref<149x128xi32, #tpu.memory_space<hbm>>
      %dma_wait3A_72 = arith.constant 0 : i32
      %dma_wait3A_73 = tpu.memref_slice %arg4[%min3A_14, %dma_wait3A_72] : memref<2500x128xi32, #tpu.memory_space<hbm>> -> memref<149x128xi32, #tpu.memory_space<hbm>>
      tpu.wait_dma2 semaphore(%run_scoped3A : memref<!tpu.dma_semaphore, #tpu.memory_space<semaphore_mem>>) src(%dma_wait3A_73 : memref<149x128xi32, #tpu.memory_space<hbm>>) dst(%arg8 : memref<149x128xi32, #tpu.memory_space<vmem>>)
      tpu.yield
    }) : () -> ()
    %barrier3A = arith.constant 0 : index
    tpu.barrier barrier_id(%barrier3A)
    %add3A_17 = arith.constant 0 : i32
    %add3A_18 = arith.addi %add3A_17, %sub3A : i32
    %dma_start3A = arith.constant 0 : i32
    %dma_start3A_19 = arith.constant 0 : i32
    %dma_start3A_20 = arith.constant 0 : i32
    %dma_start3A_21 = arith.constant 0 : i32
    %dma_start3A_22 = tpu.memref_slice %arg9[%dma_start3A, %dma_start3A_20, %dma_start3A_21] : memref<4x128x16xf32, #tpu.memory_space<vmem>> -> memref<1x128x16xf32, #tpu.memory_space<vmem>>
    %dma_start3A_23 = tpu.memref_squeeze %dma_start3A_22 : memref<1x128x16xf32, #tpu.memory_space<vmem>> -> memref<128x16xf32, #tpu.memory_space<vmem>>
    %dma_start3A_24 = arith.constant 0 : i32
    %dma_start3A_25 = tpu.memref_slice %arg7[%add3A_18, %dma_start3A_24] : memref<149x128xi32, #tpu.memory_space<vmem>> -> memref<1x128xi32, #tpu.memory_space<vmem>>
    %dma_start3A_26 = tpu.memref_squeeze %dma_start3A_25 : memref<1x128xi32, #tpu.memory_space<vmem>> -> memref<128xi32, #tpu.memory_space<vmem>>
    %dma_start3A_27 = arith.constant 0 : i32
    %dma_start3A_28 = arith.constant 0 : i32
    %dma_start3A_29 = tpu.memref_slice %arg2[%dma_start3A_27, %dma_start3A_28] : memref<10000x16xf32, #tpu.memory_space<hbm>> -> memref<10000x16xf32, #tpu.memory_space<hbm>>
    %dma_start3A_30 = tpu.memref_slice %arg11[%dma_start3A_19] : memref<4x!tpu.dma_semaphore, #tpu.memory_space<semaphore_mem>> -> memref<1x!tpu.dma_semaphore, #tpu.memory_space<semaphore_mem>>
    %dma_start3A_31 = tpu.memref_squeeze %dma_start3A_30 : memref<1x!tpu.dma_semaphore, #tpu.memory_space<semaphore_mem>> -> memref<!tpu.dma_semaphore, #tpu.memory_space<semaphore_mem>>
    tpu.enqueue_indirect_dma source(%dma_start3A_29 : memref<10000x16xf32, #tpu.memory_space<hbm>>) target(%dma_start3A_23 : memref<128x16xf32, #tpu.memory_space<vmem>>) offsets(%dma_start3A_26 : memref<128xi32, #tpu.memory_space<vmem>>) semaphore(%dma_start3A_31 : memref<!tpu.dma_semaphore, #tpu.memory_space<semaphore_mem>>)
    %add3A_32 = arith.constant 1 : i32
    %add3A_33 = arith.addi %add3A_32, %sub3A : i32
    %dma_start3A_34 = arith.constant 1 : i32
    %dma_start3A_35 = arith.constant 1 : i32
    %dma_start3A_36 = arith.constant 0 : i32
    %dma_start3A_37 = arith.constant 0 : i32
    %dma_start3A_38 = tpu.memref_slice %arg9[%dma_start3A_34, %dma_start3A_36, %dma_start3A_37] : memref<4x128x16xf32, #tpu.memory_space<vmem>> -> memref<1x128x16xf32, #tpu.memory_space<vmem>>
    %dma_start3A_39 = tpu.memref_squeeze %dma_start3A_38 : memref<1x128x16xf32, #tpu.memory_space<vmem>> -> memref<128x16xf32, #tpu.memory_space<vmem>>
    %dma_start3A_40 = arith.constant 0 : i32
    %dma_start3A_41 = tpu.memref_slice %arg7[%add3A_33, %dma_start3A_40] : memref<149x128xi32, #tpu.memory_space<vmem>> -> memref<1x128xi32, #tpu.memory_space<vmem>>
    %dma_start3A_42 = tpu.memref_squeeze %dma_start3A_41 : memref<1x128xi32, #tpu.memory_space<vmem>> -> memref<128xi32, #tpu.memory_space<vmem>>
    %dma_start3A_43 = arith.constant 0 : i32
    %dma_start3A_44 = arith.constant 0 : i32
    %dma_start3A_45 = tpu.memref_slice %arg2[%dma_start3A_43, %dma_start3A_44] : memref<10000x16xf32, #tpu.memory_space<hbm>> -> memref<10000x16xf32, #tpu.memory_space<hbm>>
    %dma_start3A_46 = tpu.memref_slice %arg11[%dma_start3A_35] : memref<4x!tpu.dma_semaphore, #tpu.memory_space<semaphore_mem>> -> memref<1x!tpu.dma_semaphore, #tpu.memory_space<semaphore_mem>>
    %dma_start3A_47 = tpu.memref_squeeze %dma_start3A_46 : memref<1x!tpu.dma_semaphore, #tpu.memory_space<semaphore_mem>> -> memref<!tpu.dma_semaphore, #tpu.memory_space<semaphore_mem>>
    tpu.enqueue_indirect_dma source(%dma_start3A_45 : memref<10000x16xf32, #tpu.memory_space<hbm>>) target(%dma_start3A_39 : memref<128x16xf32, #tpu.memory_space<vmem>>) offsets(%dma_start3A_42 : memref<128xi32, #tpu.memory_space<vmem>>) semaphore(%dma_start3A_47 : memref<!tpu.dma_semaphore, #tpu.memory_space<semaphore_mem>>)
    %add3A_48 = arith.constant 2 : i32
    %add3A_49 = arith.addi %select_n3A, %add3A_48 : i32
    %while3A = arith.constant 0 : i32
    %while3A_50 = arith.constant 0 : i32
    %while3A_51 = arith.subi %add3A_49, %while3A_50 : i32
    %while3A_52 = arith.addi %while3A_50, %while3A_51 : i32
    %while3A_53 = arith.constant 1 : i32
    %while3A_54 = arith.divsi %while3A_51, %while3A_53 : i32
    %while3A_55 = arith.muli %while3A_54, %while3A_53 : i32
    %while3A_56 = arith.addi %while3A_50, %while3A_55 : i32
    %while3A_57 = arith.constant 1 : i32
    scf.for %while3A_67 = %while3A_50 to %while3A_56 step %while3A_57  : i32 {
      %rem3A = arith.constant 4 : i32
      %rem3A_68 = arith.remsi %while3A_67, %rem3A : i32
      %ge3A = arith.constant 2 : i32
      %ge3A_69 = arith.cmpi sge, %while3A_67, %ge3A : i32
      %convert_element_type3A_70 = arith.extui %ge3A_69 : i1 to i32
      %cond3A = arith.constant 0 : i32
      %cond3A_71 = arith.cmpi ne, %convert_element_type3A_70, %cond3A : i32
      scf.if %cond3A_71 {
        %add3A_82 = arith.constant 2 : i32
        %add3A_83 = arith.addi %while3A_67, %add3A_82 : i32
        %rem3A_84 = arith.constant 4 : i32
        %rem3A_85 = arith.remsi %add3A_83, %rem3A_84 : i32
        %sub3A_86 = arith.constant 2 : i32
        %sub3A_87 = arith.subi %while3A_67, %sub3A_86 : i32
        %add3A_88 = arith.addi %sub3A_87, %sub3A : i32
        %dma_wait3A = arith.constant 0 : i32
        %dma_wait3A_89 = arith.constant 0 : i32
        %dma_wait3A_90 = tpu.memref_slice %arg9[%rem3A_85, %dma_wait3A, %dma_wait3A_89] : memref<4x128x16xf32, #tpu.memory_space<vmem>> -> memref<1x128x16xf32, #tpu.memory_space<vmem>>
        %dma_wait3A_91 = tpu.memref_squeeze %dma_wait3A_90 : memref<1x128x16xf32, #tpu.memory_space<vmem>> -> memref<128x16xf32, #tpu.memory_space<vmem>>
        %dma_wait3A_92 = arith.constant 0 : i32
        %dma_wait3A_93 = tpu.memref_slice %arg8[%add3A_88, %dma_wait3A_92] : memref<149x128xi32, #tpu.memory_space<vmem>> -> memref<1x128xi32, #tpu.memory_space<vmem>>
        %dma_wait3A_94 = tpu.memref_squeeze %dma_wait3A_93 : memref<1x128xi32, #tpu.memory_space<vmem>> -> memref<128xi32, #tpu.memory_space<vmem>>
        %dma_wait3A_95 = arith.constant 0 : i32
        %dma_wait3A_96 = arith.constant 0 : i32
        %dma_wait3A_97 = tpu.memref_slice %arg10[%dma_wait3A_95, %dma_wait3A_96] : memref<10000x16xf32, #tpu.memory_space<vmem_shared>> -> memref<10000x16xf32, #tpu.memory_space<vmem_shared>>
        %dma_wait3A_98 = tpu.memref_slice %arg12[%rem3A_85] : memref<4x!tpu.dma_semaphore, #tpu.memory_space<semaphore_mem>> -> memref<1x!tpu.dma_semaphore, #tpu.memory_space<semaphore_mem>>
        %dma_wait3A_99 = tpu.memref_squeeze %dma_wait3A_98 : memref<1x!tpu.dma_semaphore, #tpu.memory_space<semaphore_mem>> -> memref<!tpu.dma_semaphore, #tpu.memory_space<semaphore_mem>>
        tpu.wait_indirect_dma semaphore(%dma_wait3A_99 : memref<!tpu.dma_semaphore, #tpu.memory_space<semaphore_mem>>) src(%dma_wait3A_91 : memref<128x16xf32, #tpu.memory_space<vmem>>) dst(%dma_wait3A_97 : memref<10000x16xf32, #tpu.memory_space<vmem_shared>>)
      } else {
      }
      %add3A_72 = arith.constant 2 : i32
      %add3A_73 = arith.addi %while3A_67, %add3A_72 : i32
      %lt3A_74 = arith.cmpi slt, %add3A_73, %select_n3A : i32
      %convert_element_type3A_75 = arith.extui %lt3A_74 : i1 to i32
      %cond3A_76 = arith.constant 0 : i32
      %cond3A_77 = arith.cmpi ne, %convert_element_type3A_75, %cond3A_76 : i32
      scf.if %cond3A_77 {
        %add3A_82 = arith.constant 2 : i32
        %add3A_83 = arith.addi %while3A_67, %add3A_82 : i32
        %rem3A_84 = arith.constant 4 : i32
        %rem3A_85 = arith.remsi %add3A_83, %rem3A_84 : i32
        %add3A_86 = arith.constant 2 : i32
        %add3A_87 = arith.addi %while3A_67, %add3A_86 : i32
        %add3A_88 = arith.addi %add3A_87, %sub3A : i32
        %dma_start3A_89 = arith.constant 0 : i32
        %dma_start3A_90 = arith.constant 0 : i32
        %dma_start3A_91 = tpu.memref_slice %arg9[%rem3A_85, %dma_start3A_89, %dma_start3A_90] : memref<4x128x16xf32, #tpu.memory_space<vmem>> -> memref<1x128x16xf32, #tpu.memory_space<vmem>>
        %dma_start3A_92 = tpu.memref_squeeze %dma_start3A_91 : memref<1x128x16xf32, #tpu.memory_space<vmem>> -> memref<128x16xf32, #tpu.memory_space<vmem>>
        %dma_start3A_93 = arith.constant 0 : i32
        %dma_start3A_94 = tpu.memref_slice %arg7[%add3A_88, %dma_start3A_93] : memref<149x128xi32, #tpu.memory_space<vmem>> -> memref<1x128xi32, #tpu.memory_space<vmem>>
        %dma_start3A_95 = tpu.memref_squeeze %dma_start3A_94 : memref<1x128xi32, #tpu.memory_space<vmem>> -> memref<128xi32, #tpu.memory_space<vmem>>
        %dma_start3A_96 = arith.constant 0 : i32
        %dma_start3A_97 = arith.constant 0 : i32
        %dma_start3A_98 = tpu.memref_slice %arg2[%dma_start3A_96, %dma_start3A_97] : memref<10000x16xf32, #tpu.memory_space<hbm>> -> memref<10000x16xf32, #tpu.memory_space<hbm>>
        %dma_start3A_99 = tpu.memref_slice %arg11[%rem3A_85] : memref<4x!tpu.dma_semaphore, #tpu.memory_space<semaphore_mem>> -> memref<1x!tpu.dma_semaphore, #tpu.memory_space<semaphore_mem>>
        %dma_start3A_100 = tpu.memref_squeeze %dma_start3A_99 : memref<1x!tpu.dma_semaphore, #tpu.memory_space<semaphore_mem>> -> memref<!tpu.dma_semaphore, #tpu.memory_space<semaphore_mem>>
        tpu.enqueue_indirect_dma source(%dma_start3A_98 : memref<10000x16xf32, #tpu.memory_space<hbm>>) target(%dma_start3A_92 : memref<128x16xf32, #tpu.memory_space<vmem>>) offsets(%dma_start3A_95 : memref<128xi32, #tpu.memory_space<vmem>>) semaphore(%dma_start3A_100 : memref<!tpu.dma_semaphore, #tpu.memory_space<semaphore_mem>>)
      } else {
      }
      %lt3A_78 = arith.cmpi slt, %while3A_67, %select_n3A : i32
      %convert_element_type3A_79 = arith.extui %lt3A_78 : i1 to i32
      %cond3A_80 = arith.constant 0 : i32
      %cond3A_81 = arith.cmpi ne, %convert_element_type3A_79, %cond3A_80 : i32
      scf.if %cond3A_81 {
        %add3A_82 = arith.addi %while3A_67, %sub3A : i32
        %dma_wait3A = arith.constant 0 : i32
        %dma_wait3A_83 = arith.constant 0 : i32
        %dma_wait3A_84 = tpu.memref_slice %arg9[%rem3A_68, %dma_wait3A, %dma_wait3A_83] : memref<4x128x16xf32, #tpu.memory_space<vmem>> -> memref<1x128x16xf32, #tpu.memory_space<vmem>>
        %dma_wait3A_85 = tpu.memref_squeeze %dma_wait3A_84 : memref<1x128x16xf32, #tpu.memory_space<vmem>> -> memref<128x16xf32, #tpu.memory_space<vmem>>
        %dma_wait3A_86 = arith.constant 0 : i32
        %dma_wait3A_87 = tpu.memref_slice %arg7[%add3A_82, %dma_wait3A_86] : memref<149x128xi32, #tpu.memory_space<vmem>> -> memref<1x128xi32, #tpu.memory_space<vmem>>
        %dma_wait3A_88 = tpu.memref_squeeze %dma_wait3A_87 : memref<1x128xi32, #tpu.memory_space<vmem>> -> memref<128xi32, #tpu.memory_space<vmem>>
        %dma_wait3A_89 = arith.constant 0 : i32
        %dma_wait3A_90 = arith.constant 0 : i32
        %dma_wait3A_91 = tpu.memref_slice %arg2[%dma_wait3A_89, %dma_wait3A_90] : memref<10000x16xf32, #tpu.memory_space<hbm>> -> memref<10000x16xf32, #tpu.memory_space<hbm>>
        %dma_wait3A_92 = tpu.memref_slice %arg11[%rem3A_68] : memref<4x!tpu.dma_semaphore, #tpu.memory_space<semaphore_mem>> -> memref<1x!tpu.dma_semaphore, #tpu.memory_space<semaphore_mem>>
        %dma_wait3A_93 = tpu.memref_squeeze %dma_wait3A_92 : memref<1x!tpu.dma_semaphore, #tpu.memory_space<semaphore_mem>> -> memref<!tpu.dma_semaphore, #tpu.memory_space<semaphore_mem>>
        tpu.wait_indirect_dma semaphore(%dma_wait3A_93 : memref<!tpu.dma_semaphore, #tpu.memory_space<semaphore_mem>>) src(%dma_wait3A_91 : memref<10000x16xf32, #tpu.memory_space<hbm>>) dst(%dma_wait3A_85 : memref<128x16xf32, #tpu.memory_space<vmem>>)
        %add3A_94 = arith.addi %while3A_67, %sub3A : i32
        %dma_start3A_95 = arith.constant 0 : i32
        %dma_start3A_96 = arith.constant 0 : i32
        %dma_start3A_97 = tpu.memref_slice %arg9[%rem3A_68, %dma_start3A_95, %dma_start3A_96] : memref<4x128x16xf32, #tpu.memory_space<vmem>> -> memref<1x128x16xf32, #tpu.memory_space<vmem>>
        %dma_start3A_98 = tpu.memref_squeeze %dma_start3A_97 : memref<1x128x16xf32, #tpu.memory_space<vmem>> -> memref<128x16xf32, #tpu.memory_space<vmem>>
        %dma_start3A_99 = arith.constant 0 : i32
        %dma_start3A_100 = tpu.memref_slice %arg8[%add3A_94, %dma_start3A_99] : memref<149x128xi32, #tpu.memory_space<vmem>> -> memref<1x128xi32, #tpu.memory_space<vmem>>
        %dma_start3A_101 = tpu.memref_squeeze %dma_start3A_100 : memref<1x128xi32, #tpu.memory_space<vmem>> -> memref<128xi32, #tpu.memory_space<vmem>>
        %dma_start3A_102 = arith.constant 0 : i32
        %dma_start3A_103 = arith.constant 0 : i32
        %dma_start3A_104 = tpu.memref_slice %arg10[%dma_start3A_102, %dma_start3A_103] : memref<10000x16xf32, #tpu.memory_space<vmem_shared>> -> memref<10000x16xf32, #tpu.memory_space<vmem_shared>>
        %dma_start3A_105 = tpu.memref_slice %arg12[%rem3A_68] : memref<4x!tpu.dma_semaphore, #tpu.memory_space<semaphore_mem>> -> memref<1x!tpu.dma_semaphore, #tpu.memory_space<semaphore_mem>>
        %dma_start3A_106 = tpu.memref_squeeze %dma_start3A_105 : memref<1x!tpu.dma_semaphore, #tpu.memory_space<semaphore_mem>> -> memref<!tpu.dma_semaphore, #tpu.memory_space<semaphore_mem>>
        tpu.enqueue_indirect_dma source(%dma_start3A_98 : memref<128x16xf32, #tpu.memory_space<vmem>>) target(%dma_start3A_104 : memref<10000x16xf32, #tpu.memory_space<vmem_shared>>) offsets(%dma_start3A_101 : memref<128xi32, #tpu.memory_space<vmem>>) semaphore(%dma_start3A_106 : memref<!tpu.dma_semaphore, #tpu.memory_space<semaphore_mem>>) {add = true}
      } else {
      }
    }
    %while3A_58 = arith.constant 1 : i32
    scf.for %while3A_67 = %while3A_56 to %while3A_52 step %while3A_58  : i32 {
      %rem3A = arith.constant 4 : i32
      %rem3A_68 = arith.remsi %while3A_67, %rem3A : i32
      %ge3A = arith.constant 2 : i32
      %ge3A_69 = arith.cmpi sge, %while3A_67, %ge3A : i32
      %convert_element_type3A_70 = arith.extui %ge3A_69 : i1 to i32
      %cond3A = arith.constant 0 : i32
      %cond3A_71 = arith.cmpi ne, %convert_element_type3A_70, %cond3A : i32
      scf.if %cond3A_71 {
        %add3A_82 = arith.constant 2 : i32
        %add3A_83 = arith.addi %while3A_67, %add3A_82 : i32
        %rem3A_84 = arith.constant 4 : i32
        %rem3A_85 = arith.remsi %add3A_83, %rem3A_84 : i32
        %sub3A_86 = arith.constant 2 : i32
        %sub3A_87 = arith.subi %while3A_67, %sub3A_86 : i32
        %add3A_88 = arith.addi %sub3A_87, %sub3A : i32
        %dma_wait3A = arith.constant 0 : i32
        %dma_wait3A_89 = arith.constant 0 : i32
        %dma_wait3A_90 = tpu.memref_slice %arg9[%rem3A_85, %dma_wait3A, %dma_wait3A_89] : memref<4x128x16xf32, #tpu.memory_space<vmem>> -> memref<1x128x16xf32, #tpu.memory_space<vmem>>
        %dma_wait3A_91 = tpu.memref_squeeze %dma_wait3A_90 : memref<1x128x16xf32, #tpu.memory_space<vmem>> -> memref<128x16xf32, #tpu.memory_space<vmem>>
        %dma_wait3A_92 = arith.constant 0 : i32
        %dma_wait3A_93 = tpu.memref_slice %arg8[%add3A_88, %dma_wait3A_92] : memref<149x128xi32, #tpu.memory_space<vmem>> -> memref<1x128xi32, #tpu.memory_space<vmem>>
        %dma_wait3A_94 = tpu.memref_squeeze %dma_wait3A_93 : memref<1x128xi32, #tpu.memory_space<vmem>> -> memref<128xi32, #tpu.memory_space<vmem>>
        %dma_wait3A_95 = arith.constant 0 : i32
        %dma_wait3A_96 = arith.constant 0 : i32
        %dma_wait3A_97 = tpu.memref_slice %arg10[%dma_wait3A_95, %dma_wait3A_96] : memref<10000x16xf32, #tpu.memory_space<vmem_shared>> -> memref<10000x16xf32, #tpu.memory_space<vmem_shared>>
        %dma_wait3A_98 = tpu.memref_slice %arg12[%rem3A_85] : memref<4x!tpu.dma_semaphore, #tpu.memory_space<semaphore_mem>> -> memref<1x!tpu.dma_semaphore, #tpu.memory_space<semaphore_mem>>
        %dma_wait3A_99 = tpu.memref_squeeze %dma_wait3A_98 : memref<1x!tpu.dma_semaphore, #tpu.memory_space<semaphore_mem>> -> memref<!tpu.dma_semaphore, #tpu.memory_space<semaphore_mem>>
        tpu.wait_indirect_dma semaphore(%dma_wait3A_99 : memref<!tpu.dma_semaphore, #tpu.memory_space<semaphore_mem>>) src(%dma_wait3A_91 : memref<128x16xf32, #tpu.memory_space<vmem>>) dst(%dma_wait3A_97 : memref<10000x16xf32, #tpu.memory_space<vmem_shared>>)
      } else {
      }
      %add3A_72 = arith.constant 2 : i32
      %add3A_73 = arith.addi %while3A_67, %add3A_72 : i32
      %lt3A_74 = arith.cmpi slt, %add3A_73, %select_n3A : i32
      %convert_element_type3A_75 = arith.extui %lt3A_74 : i1 to i32
      %cond3A_76 = arith.constant 0 : i32
      %cond3A_77 = arith.cmpi ne, %convert_element_type3A_75, %cond3A_76 : i32
      scf.if %cond3A_77 {
        %add3A_82 = arith.constant 2 : i32
        %add3A_83 = arith.addi %while3A_67, %add3A_82 : i32
        %rem3A_84 = arith.constant 4 : i32
        %rem3A_85 = arith.remsi %add3A_83, %rem3A_84 : i32
        %add3A_86 = arith.constant 2 : i32
        %add3A_87 = arith.addi %while3A_67, %add3A_86 : i32
        %add3A_88 = arith.addi %add3A_87, %sub3A : i32
        %dma_start3A_89 = arith.constant 0 : i32
        %dma_start3A_90 = arith.constant 0 : i32
        %dma_start3A_91 = tpu.memref_slice %arg9[%rem3A_85, %dma_start3A_89, %dma_start3A_90] : memref<4x128x16xf32, #tpu.memory_space<vmem>> -> memref<1x128x16xf32, #tpu.memory_space<vmem>>
        %dma_start3A_92 = tpu.memref_squeeze %dma_start3A_91 : memref<1x128x16xf32, #tpu.memory_space<vmem>> -> memref<128x16xf32, #tpu.memory_space<vmem>>
        %dma_start3A_93 = arith.constant 0 : i32
        %dma_start3A_94 = tpu.memref_slice %arg7[%add3A_88, %dma_start3A_93] : memref<149x128xi32, #tpu.memory_space<vmem>> -> memref<1x128xi32, #tpu.memory_space<vmem>>
        %dma_start3A_95 = tpu.memref_squeeze %dma_start3A_94 : memref<1x128xi32, #tpu.memory_space<vmem>> -> memref<128xi32, #tpu.memory_space<vmem>>
        %dma_start3A_96 = arith.constant 0 : i32
        %dma_start3A_97 = arith.constant 0 : i32
        %dma_start3A_98 = tpu.memref_slice %arg2[%dma_start3A_96, %dma_start3A_97] : memref<10000x16xf32, #tpu.memory_space<hbm>> -> memref<10000x16xf32, #tpu.memory_space<hbm>>
        %dma_start3A_99 = tpu.memref_slice %arg11[%rem3A_85] : memref<4x!tpu.dma_semaphore, #tpu.memory_space<semaphore_mem>> -> memref<1x!tpu.dma_semaphore, #tpu.memory_space<semaphore_mem>>
        %dma_start3A_100 = tpu.memref_squeeze %dma_start3A_99 : memref<1x!tpu.dma_semaphore, #tpu.memory_space<semaphore_mem>> -> memref<!tpu.dma_semaphore, #tpu.memory_space<semaphore_mem>>
        tpu.enqueue_indirect_dma source(%dma_start3A_98 : memref<10000x16xf32, #tpu.memory_space<hbm>>) target(%dma_start3A_92 : memref<128x16xf32, #tpu.memory_space<vmem>>) offsets(%dma_start3A_95 : memref<128xi32, #tpu.memory_space<vmem>>) semaphore(%dma_start3A_100 : memref<!tpu.dma_semaphore, #tpu.memory_space<semaphore_mem>>)
      } else {
      }
      %lt3A_78 = arith.cmpi slt, %while3A_67, %select_n3A : i32
      %convert_element_type3A_79 = arith.extui %lt3A_78 : i1 to i32
      %cond3A_80 = arith.constant 0 : i32
      %cond3A_81 = arith.cmpi ne, %convert_element_type3A_79, %cond3A_80 : i32
      scf.if %cond3A_81 {
        %add3A_82 = arith.addi %while3A_67, %sub3A : i32
        %dma_wait3A = arith.constant 0 : i32
        %dma_wait3A_83 = arith.constant 0 : i32
        %dma_wait3A_84 = tpu.memref_slice %arg9[%rem3A_68, %dma_wait3A, %dma_wait3A_83] : memref<4x128x16xf32, #tpu.memory_space<vmem>> -> memref<1x128x16xf32, #tpu.memory_space<vmem>>
        %dma_wait3A_85 = tpu.memref_squeeze %dma_wait3A_84 : memref<1x128x16xf32, #tpu.memory_space<vmem>> -> memref<128x16xf32, #tpu.memory_space<vmem>>
        %dma_wait3A_86 = arith.constant 0 : i32
        %dma_wait3A_87 = tpu.memref_slice %arg7[%add3A_82, %dma_wait3A_86] : memref<149x128xi32, #tpu.memory_space<vmem>> -> memref<1x128xi32, #tpu.memory_space<vmem>>
        %dma_wait3A_88 = tpu.memref_squeeze %dma_wait3A_87 : memref<1x128xi32, #tpu.memory_space<vmem>> -> memref<128xi32, #tpu.memory_space<vmem>>
        %dma_wait3A_89 = arith.constant 0 : i32
        %dma_wait3A_90 = arith.constant 0 : i32
        %dma_wait3A_91 = tpu.memref_slice %arg2[%dma_wait3A_89, %dma_wait3A_90] : memref<10000x16xf32, #tpu.memory_space<hbm>> -> memref<10000x16xf32, #tpu.memory_space<hbm>>
        %dma_wait3A_92 = tpu.memref_slice %arg11[%rem3A_68] : memref<4x!tpu.dma_semaphore, #tpu.memory_space<semaphore_mem>> -> memref<1x!tpu.dma_semaphore, #tpu.memory_space<semaphore_mem>>
        %dma_wait3A_93 = tpu.memref_squeeze %dma_wait3A_92 : memref<1x!tpu.dma_semaphore, #tpu.memory_space<semaphore_mem>> -> memref<!tpu.dma_semaphore, #tpu.memory_space<semaphore_mem>>
        tpu.wait_indirect_dma semaphore(%dma_wait3A_93 : memref<!tpu.dma_semaphore, #tpu.memory_space<semaphore_mem>>) src(%dma_wait3A_91 : memref<10000x16xf32, #tpu.memory_space<hbm>>) dst(%dma_wait3A_85 : memref<128x16xf32, #tpu.memory_space<vmem>>)
        %add3A_94 = arith.addi %while3A_67, %sub3A : i32
        %dma_start3A_95 = arith.constant 0 : i32
        %dma_start3A_96 = arith.constant 0 : i32
        %dma_start3A_97 = tpu.memref_slice %arg9[%rem3A_68, %dma_start3A_95, %dma_start3A_96] : memref<4x128x16xf32, #tpu.memory_space<vmem>> -> memref<1x128x16xf32, #tpu.memory_space<vmem>>
        %dma_start3A_98 = tpu.memref_squeeze %dma_start3A_97 : memref<1x128x16xf32, #tpu.memory_space<vmem>> -> memref<128x16xf32, #tpu.memory_space<vmem>>
        %dma_start3A_99 = arith.constant 0 : i32
        %dma_start3A_100 = tpu.memref_slice %arg8[%add3A_94, %dma_start3A_99] : memref<149x128xi32, #tpu.memory_space<vmem>> -> memref<1x128xi32, #tpu.memory_space<vmem>>
        %dma_start3A_101 = tpu.memref_squeeze %dma_start3A_100 : memref<1x128xi32, #tpu.memory_space<vmem>> -> memref<128xi32, #tpu.memory_space<vmem>>
        %dma_start3A_102 = arith.constant 0 : i32
        %dma_start3A_103 = arith.constant 0 : i32
        %dma_start3A_104 = tpu.memref_slice %arg10[%dma_start3A_102, %dma_start3A_103] : memref<10000x16xf32, #tpu.memory_space<vmem_shared>> -> memref<10000x16xf32, #tpu.memory_space<vmem_shared>>
        %dma_start3A_105 = tpu.memref_slice %arg12[%rem3A_68] : memref<4x!tpu.dma_semaphore, #tpu.memory_space<semaphore_mem>> -> memref<1x!tpu.dma_semaphore, #tpu.memory_space<semaphore_mem>>
        %dma_start3A_106 = tpu.memref_squeeze %dma_start3A_105 : memref<1x!tpu.dma_semaphore, #tpu.memory_space<semaphore_mem>> -> memref<!tpu.dma_semaphore, #tpu.memory_space<semaphore_mem>>
        tpu.enqueue_indirect_dma source(%dma_start3A_98 : memref<128x16xf32, #tpu.memory_space<vmem>>) target(%dma_start3A_104 : memref<10000x16xf32, #tpu.memory_space<vmem_shared>>) offsets(%dma_start3A_101 : memref<128xi32, #tpu.memory_space<vmem>>) semaphore(%dma_start3A_106 : memref<!tpu.dma_semaphore, #tpu.memory_space<semaphore_mem>>) {add = true}
      } else {
      }
    }
    %barrier3A_59 = arith.constant 0 : index
    tpu.barrier barrier_id(%barrier3A_59)
    %mul3A_60 = arith.constant 625 : i32
    %mul3A_61 = arith.muli %arg1, %mul3A_60 : i32
    %mul3A_62 = arith.constant 10000 : i32
    %mul3A_63 = arith.muli %arg0, %mul3A_62 : i32
    %mul3A_64 = arith.constant 625 : i32
    %mul3A_65 = arith.muli %arg1, %mul3A_64 : i32
    %add3A_66 = arith.addi %mul3A_63, %mul3A_65 : i32
    "tpu.region"() ({
      %run_scoped3A = tpu.sem_alloc : memref<!tpu.dma_semaphore, #tpu.memory_space<semaphore_mem>>
      %dma_start3A_67 = arith.constant 0 : i32
      %dma_start3A_68 = tpu.memref_slice %arg6[%add3A_66, %dma_start3A_67] : memref<20000x16xf32, #tpu.memory_space<hbm>> -> memref<625x16xf32, #tpu.memory_space<hbm>>
      %dma_start3A_69 = arith.constant 0 : i32
      %dma_start3A_70 = tpu.memref_slice %arg10[%mul3A_61, %dma_start3A_69] : memref<10000x16xf32, #tpu.memory_space<vmem_shared>> -> memref<625x16xf32, #tpu.memory_space<vmem_shared>>
      tpu.enqueue_dma source(%dma_start3A_70 : memref<625x16xf32, #tpu.memory_space<vmem_shared>>) target(%dma_start3A_68 : memref<625x16xf32, #tpu.memory_space<hbm>>) target_semaphore(%run_scoped3A : memref<!tpu.dma_semaphore, #tpu.memory_space<semaphore_mem>>)
      %dma_wait3A = arith.constant 0 : i32
      %dma_wait3A_71 = tpu.memref_slice %arg6[%add3A_66, %dma_wait3A] : memref<20000x16xf32, #tpu.memory_space<hbm>> -> memref<625x16xf32, #tpu.memory_space<hbm>>
      %dma_wait3A_72 = arith.constant 0 : i32
      %dma_wait3A_73 = tpu.memref_slice %arg10[%mul3A_61, %dma_wait3A_72] : memref<10000x16xf32, #tpu.memory_space<vmem_shared>> -> memref<625x16xf32, #tpu.memory_space<vmem_shared>>
      tpu.wait_dma2 semaphore(%run_scoped3A : memref<!tpu.dma_semaphore, #tpu.memory_space<semaphore_mem>>) src(%dma_wait3A_73 : memref<625x16xf32, #tpu.memory_space<vmem_shared>>) dst(%dma_wait3A_71 : memref<625x16xf32, #tpu.memory_space<hbm>>)
      tpu.yield
    }) : () -> ()
    return
  }
}

module attributes {stable_mosaic.version = 14 : i64} {
  func.func @body(%arg0: memref<10000x128xf32, #tpu.memory_space<vmem>>, %arg1: memref<128x64xf32, #tpu.memory_space<vmem>>, %arg2: memref<20000x16xf32, #tpu.memory_space<vmem>>, %arg3: memref<10000x64xf32, #tpu.memory_space<vmem>>, %arg4: memref<10000x1xf32, #tpu.memory_space<vmem>>) attributes {dimension_semantics = [], scalar_prefetch = 0 : i64, scratch_operands = 0 : i64, tpu.core_type = #tpu.core_type<tc>} {
    %get3A = arith.constant 0 : index
    %get3A_0 = arith.constant 0 : index
    %get3A_1 = vector.load %arg2[%get3A, %get3A_0] : memref<20000x16xf32, #tpu.memory_space<vmem>>, vector<20000x16xf32>
    %slice3A = vector.extract_strided_slice %get3A_1 {offsets = [0, 0], sizes = [10000, 1], strides = [1, 1]} : vector<20000x16xf32> to vector<10000x1xf32>
    %slice3A_2 = vector.extract_strided_slice %get3A_1 {offsets = [10000, 0], sizes = [10000, 1], strides = [1, 1]} : vector<20000x16xf32> to vector<10000x1xf32>
    %add3A = arith.addf %slice3A, %slice3A_2 : vector<10000x1xf32>
    %add3A_3 = arith.constant 1.000000e+00 : f32
    %add3A_4 = vector.broadcast %add3A_3 : f32 to vector<10000x1xf32>
    %add3A_5 = arith.addf %add3A, %add3A_4 : vector<10000x1xf32>
    %rsqrt3A = math.rsqrt %add3A_5 : vector<10000x1xf32>
    %swap3A = arith.constant 0 : index
    %swap3A_6 = arith.constant 0 : index
    %swap3A_7 = vector.load %arg4[%swap3A, %swap3A_6] : memref<10000x1xf32, #tpu.memory_space<vmem>>, vector<10000x1xf32>
    tpu.vector_store %arg4[%swap3A, %swap3A_6], %rsqrt3A {strides = array<i32>} : memref<10000x1xf32, #tpu.memory_space<vmem>>, vector<10000x1xf32>,
    %get3A_8 = arith.constant 0 : index
    %get3A_9 = arith.constant 0 : index
    %get3A_10 = vector.load %arg0[%get3A_8, %get3A_9] : memref<10000x128xf32, #tpu.memory_space<vmem>>, vector<10000x128xf32>
    %get3A_11 = arith.constant 0 : index
    %get3A_12 = arith.constant 0 : index
    %get3A_13 = vector.load %arg1[%get3A_11, %get3A_12] : memref<128x64xf32, #tpu.memory_space<vmem>>, vector<128x64xf32>
    %dot_general3A = arith.constant dense<0.000000e+00> : vector<10000x64xf32>
    %dot_general3A_14 = tpu.matmul %get3A_10, %get3A_13, %dot_general3A {dimension_numbers = #tpu.dot_dimension_numbers<[1], [0], [0], [1], [0, 0, 1, 1], [], []>, transpose_lhs_hint = false} : vector<10000x128xf32>, vector<128x64xf32>, vector<10000x64xf32> -> vector<10000x64xf32>
    %mul3A = vector.broadcast %rsqrt3A : vector<10000x1xf32> to vector<10000x64xf32>
    %mul3A_15 = arith.mulf %mul3A, %dot_general3A_14 : vector<10000x64xf32>
    %swap3A_16 = arith.constant 0 : index
    %swap3A_17 = arith.constant 0 : index
    %swap3A_18 = vector.load %arg3[%swap3A_16, %swap3A_17] : memref<10000x64xf32, #tpu.memory_space<vmem>>, vector<10000x64xf32>
    tpu.vector_store %arg3[%swap3A_16, %swap3A_17], %mul3A_15 {strides = array<i32>} : memref<10000x64xf32, #tpu.memory_space<vmem>>, vector<10000x64xf32>,
    return
  }
}

module attributes {stable_mosaic.version = 14 : i64} {
  func.func @body(%arg0: memref<20000x64xf32, #tpu.memory_space<vmem>>, %arg1: memref<10000x64xf32, #tpu.memory_space<vmem>>, %arg2: memref<10000x1xf32, #tpu.memory_space<vmem>>, %arg3: memref<1x64xf32, #tpu.memory_space<vmem>>, %arg4: memref<64x64xf32, #tpu.memory_space<vmem>>, %arg5: memref<10000x64xf32, #tpu.memory_space<vmem>>) attributes {dimension_semantics = [], scalar_prefetch = 0 : i64, scratch_operands = 0 : i64, tpu.core_type = #tpu.core_type<tc>} {
    %get3A = arith.constant 0 : index
    %get3A_0 = arith.constant 0 : index
    %get3A_1 = vector.load %arg2[%get3A, %get3A_0] : memref<10000x1xf32, #tpu.memory_space<vmem>>, vector<10000x1xf32>
    %get3A_2 = arith.constant 0 : index
    %get3A_3 = arith.constant 0 : index
    %get3A_4 = vector.load %arg0[%get3A_2, %get3A_3] : memref<20000x64xf32, #tpu.memory_space<vmem>>, vector<20000x64xf32>
    %slice3A = vector.extract_strided_slice %get3A_4 {offsets = [0, 0], sizes = [10000, 64], strides = [1, 1]} : vector<20000x64xf32> to vector<10000x64xf32>
    %slice3A_5 = vector.extract_strided_slice %get3A_4 {offsets = [10000, 0], sizes = [10000, 64], strides = [1, 1]} : vector<20000x64xf32> to vector<10000x64xf32>
    %add3A = arith.addf %slice3A, %slice3A_5 : vector<10000x64xf32>
    %get3A_6 = arith.constant 0 : index
    %get3A_7 = arith.constant 0 : index
    %get3A_8 = vector.load %arg1[%get3A_6, %get3A_7] : memref<10000x64xf32, #tpu.memory_space<vmem>>, vector<10000x64xf32>
    %add3A_9 = arith.addf %add3A, %get3A_8 : vector<10000x64xf32>
    %mul3A = vector.broadcast %get3A_1 : vector<10000x1xf32> to vector<10000x64xf32>
    %mul3A_10 = arith.mulf %mul3A, %add3A_9 : vector<10000x64xf32>
    %get3A_11 = arith.constant 0 : index
    %get3A_12 = arith.constant 0 : index
    %get3A_13 = vector.load %arg3[%get3A_11, %get3A_12] : memref<1x64xf32, #tpu.memory_space<vmem>>, vector<1x64xf32>
    %add3A_14 = vector.broadcast %get3A_13 : vector<1x64xf32> to vector<10000x64xf32>
    %add3A_15 = arith.addf %mul3A_10, %add3A_14 : vector<10000x64xf32>
    %max3A = arith.constant 0.000000e+00 : f32
    %max3A_16 = vector.broadcast %max3A : f32 to vector<10000x64xf32>
    %max3A_17 = arith.maximumf %add3A_15, %max3A_16 : vector<10000x64xf32>
    %get3A_18 = arith.constant 0 : index
    %get3A_19 = arith.constant 0 : index
    %get3A_20 = vector.load %arg4[%get3A_18, %get3A_19] : memref<64x64xf32, #tpu.memory_space<vmem>>, vector<64x64xf32>
    %dot_general3A = arith.constant dense<0.000000e+00> : vector<10000x64xf32>
    %dot_general3A_21 = tpu.matmul %max3A_17, %get3A_20, %dot_general3A {dimension_numbers = #tpu.dot_dimension_numbers<[1], [0], [0], [1], [0, 0, 1, 1], [], []>, transpose_lhs_hint = false} : vector<10000x64xf32>, vector<64x64xf32>, vector<10000x64xf32> -> vector<10000x64xf32>
    %mul3A_22 = vector.broadcast %get3A_1 : vector<10000x1xf32> to vector<10000x64xf32>
    %mul3A_23 = arith.mulf %mul3A_22, %dot_general3A_21 : vector<10000x64xf32>
    %swap3A = arith.constant 0 : index
    %swap3A_24 = arith.constant 0 : index
    %swap3A_25 = vector.load %arg5[%swap3A, %swap3A_24] : memref<10000x64xf32, #tpu.memory_space<vmem>>, vector<10000x64xf32>
    tpu.vector_store %arg5[%swap3A, %swap3A_24], %mul3A_23 {strides = array<i32>} : memref<10000x64xf32, #tpu.memory_space<vmem>>, vector<10000x64xf32>,
    return
  }
}

module attributes {stable_mosaic.version = 14 : i64} {
  func.func @body(%arg0: memref<20000x64xf32, #tpu.memory_space<vmem>>, %arg1: memref<10000x64xf32, #tpu.memory_space<vmem>>, %arg2: memref<10000x1xf32, #tpu.memory_space<vmem>>, %arg3: memref<1x64xf32, #tpu.memory_space<vmem>>, %arg4: memref<64x32xf32, #tpu.memory_space<vmem>>, %arg5: memref<10000x32xf32, #tpu.memory_space<vmem>>) attributes {dimension_semantics = [], scalar_prefetch = 0 : i64, scratch_operands = 0 : i64, tpu.core_type = #tpu.core_type<tc>} {
    %get3A = arith.constant 0 : index
    %get3A_0 = arith.constant 0 : index
    %get3A_1 = vector.load %arg2[%get3A, %get3A_0] : memref<10000x1xf32, #tpu.memory_space<vmem>>, vector<10000x1xf32>
    %get3A_2 = arith.constant 0 : index
    %get3A_3 = arith.constant 0 : index
    %get3A_4 = vector.load %arg0[%get3A_2, %get3A_3] : memref<20000x64xf32, #tpu.memory_space<vmem>>, vector<20000x64xf32>
    %slice3A = vector.extract_strided_slice %get3A_4 {offsets = [0, 0], sizes = [10000, 64], strides = [1, 1]} : vector<20000x64xf32> to vector<10000x64xf32>
    %slice3A_5 = vector.extract_strided_slice %get3A_4 {offsets = [10000, 0], sizes = [10000, 64], strides = [1, 1]} : vector<20000x64xf32> to vector<10000x64xf32>
    %add3A = arith.addf %slice3A, %slice3A_5 : vector<10000x64xf32>
    %get3A_6 = arith.constant 0 : index
    %get3A_7 = arith.constant 0 : index
    %get3A_8 = vector.load %arg1[%get3A_6, %get3A_7] : memref<10000x64xf32, #tpu.memory_space<vmem>>, vector<10000x64xf32>
    %add3A_9 = arith.addf %add3A, %get3A_8 : vector<10000x64xf32>
    %mul3A = vector.broadcast %get3A_1 : vector<10000x1xf32> to vector<10000x64xf32>
    %mul3A_10 = arith.mulf %mul3A, %add3A_9 : vector<10000x64xf32>
    %get3A_11 = arith.constant 0 : index
    %get3A_12 = arith.constant 0 : index
    %get3A_13 = vector.load %arg3[%get3A_11, %get3A_12] : memref<1x64xf32, #tpu.memory_space<vmem>>, vector<1x64xf32>
    %add3A_14 = vector.broadcast %get3A_13 : vector<1x64xf32> to vector<10000x64xf32>
    %add3A_15 = arith.addf %mul3A_10, %add3A_14 : vector<10000x64xf32>
    %max3A = arith.constant 0.000000e+00 : f32
    %max3A_16 = vector.broadcast %max3A : f32 to vector<10000x64xf32>
    %max3A_17 = arith.maximumf %add3A_15, %max3A_16 : vector<10000x64xf32>
    %get3A_18 = arith.constant 0 : index
    %get3A_19 = arith.constant 0 : index
    %get3A_20 = vector.load %arg4[%get3A_18, %get3A_19] : memref<64x32xf32, #tpu.memory_space<vmem>>, vector<64x32xf32>
    %dot_general3A = arith.constant dense<0.000000e+00> : vector<10000x32xf32>
    %dot_general3A_21 = tpu.matmul %max3A_17, %get3A_20, %dot_general3A {dimension_numbers = #tpu.dot_dimension_numbers<[1], [0], [0], [1], [0, 0, 1, 1], [], []>, transpose_lhs_hint = false} : vector<10000x64xf32>, vector<64x32xf32>, vector<10000x32xf32> -> vector<10000x32xf32>
    %mul3A_22 = vector.broadcast %get3A_1 : vector<10000x1xf32> to vector<10000x32xf32>
    %mul3A_23 = arith.mulf %mul3A_22, %dot_general3A_21 : vector<10000x32xf32>
    %swap3A = arith.constant 0 : index
    %swap3A_24 = arith.constant 0 : index
    %swap3A_25 = vector.load %arg5[%swap3A, %swap3A_24] : memref<10000x32xf32, #tpu.memory_space<vmem>>, vector<10000x32xf32>
    tpu.vector_store %arg5[%swap3A, %swap3A_24], %mul3A_23 {strides = array<i32>} : memref<10000x32xf32, #tpu.memory_space<vmem>>, vector<10000x32xf32>,
    return
  }
}

module attributes {stable_mosaic.version = 14 : i64} {
  func.func @body(%arg0: memref<20000x32xf32, #tpu.memory_space<vmem>>, %arg1: memref<10000x32xf32, #tpu.memory_space<vmem>>, %arg2: memref<10000x1xf32, #tpu.memory_space<vmem>>, %arg3: memref<1x32xf32, #tpu.memory_space<vmem>>, %arg4: memref<32x16xf32, #tpu.memory_space<vmem>>, %arg5: memref<10000x16xf32, #tpu.memory_space<vmem>>) attributes {dimension_semantics = [], scalar_prefetch = 0 : i64, scratch_operands = 0 : i64, tpu.core_type = #tpu.core_type<tc>} {
    %get3A = arith.constant 0 : index
    %get3A_0 = arith.constant 0 : index
    %get3A_1 = vector.load %arg2[%get3A, %get3A_0] : memref<10000x1xf32, #tpu.memory_space<vmem>>, vector<10000x1xf32>
    %get3A_2 = arith.constant 0 : index
    %get3A_3 = arith.constant 0 : index
    %get3A_4 = vector.load %arg0[%get3A_2, %get3A_3] : memref<20000x32xf32, #tpu.memory_space<vmem>>, vector<20000x32xf32>
    %slice3A = vector.extract_strided_slice %get3A_4 {offsets = [0, 0], sizes = [10000, 32], strides = [1, 1]} : vector<20000x32xf32> to vector<10000x32xf32>
    %slice3A_5 = vector.extract_strided_slice %get3A_4 {offsets = [10000, 0], sizes = [10000, 32], strides = [1, 1]} : vector<20000x32xf32> to vector<10000x32xf32>
    %add3A = arith.addf %slice3A, %slice3A_5 : vector<10000x32xf32>
    %get3A_6 = arith.constant 0 : index
    %get3A_7 = arith.constant 0 : index
    %get3A_8 = vector.load %arg1[%get3A_6, %get3A_7] : memref<10000x32xf32, #tpu.memory_space<vmem>>, vector<10000x32xf32>
    %add3A_9 = arith.addf %add3A, %get3A_8 : vector<10000x32xf32>
    %mul3A = vector.broadcast %get3A_1 : vector<10000x1xf32> to vector<10000x32xf32>
    %mul3A_10 = arith.mulf %mul3A, %add3A_9 : vector<10000x32xf32>
    %get3A_11 = arith.constant 0 : index
    %get3A_12 = arith.constant 0 : index
    %get3A_13 = vector.load %arg3[%get3A_11, %get3A_12] : memref<1x32xf32, #tpu.memory_space<vmem>>, vector<1x32xf32>
    %add3A_14 = vector.broadcast %get3A_13 : vector<1x32xf32> to vector<10000x32xf32>
    %add3A_15 = arith.addf %mul3A_10, %add3A_14 : vector<10000x32xf32>
    %max3A = arith.constant 0.000000e+00 : f32
    %max3A_16 = vector.broadcast %max3A : f32 to vector<10000x32xf32>
    %max3A_17 = arith.maximumf %add3A_15, %max3A_16 : vector<10000x32xf32>
    %get3A_18 = arith.constant 0 : index
    %get3A_19 = arith.constant 0 : index
    %get3A_20 = vector.load %arg4[%get3A_18, %get3A_19] : memref<32x16xf32, #tpu.memory_space<vmem>>, vector<32x16xf32>
    %dot_general3A = arith.constant dense<0.000000e+00> : vector<10000x16xf32>
    %dot_general3A_21 = tpu.matmul %max3A_17, %get3A_20, %dot_general3A {dimension_numbers = #tpu.dot_dimension_numbers<[1], [0], [0], [1], [0, 0, 1, 1], [], []>, transpose_lhs_hint = false} : vector<10000x32xf32>, vector<32x16xf32>, vector<10000x16xf32> -> vector<10000x16xf32>
    %mul3A_22 = vector.broadcast %get3A_1 : vector<10000x1xf32> to vector<10000x16xf32>
    %mul3A_23 = arith.mulf %mul3A_22, %dot_general3A_21 : vector<10000x16xf32>
    %swap3A = arith.constant 0 : index
    %swap3A_24 = arith.constant 0 : index
    %swap3A_25 = vector.load %arg5[%swap3A, %swap3A_24] : memref<10000x16xf32, #tpu.memory_space<vmem>>, vector<10000x16xf32>
    tpu.vector_store %arg5[%swap3A, %swap3A_24], %mul3A_23 {strides = array<i32>} : memref<10000x16xf32, #tpu.memory_space<vmem>>, vector<10000x16xf32>,
    return
  }
}

module attributes {stable_mosaic.version = 14 : i64} {
  func.func @body(%arg0: memref<20000x16xf32, #tpu.memory_space<vmem>>, %arg1: memref<10000x16xf32, #tpu.memory_space<vmem>>, %arg2: memref<10000x1xf32, #tpu.memory_space<vmem>>, %arg3: memref<1x16xf32, #tpu.memory_space<vmem>>, %arg4: memref<10000x1xi32, #tpu.memory_space<vmem>>, %arg5: memref<2x64xf32, #tpu.memory_space<vmem>>) attributes {dimension_semantics = [], scalar_prefetch = 0 : i64, scratch_operands = 0 : i64, tpu.core_type = #tpu.core_type<tc>} {
    %get3A = arith.constant 0 : index
    %get3A_0 = arith.constant 0 : index
    %get3A_1 = vector.load %arg0[%get3A, %get3A_0] : memref<20000x16xf32, #tpu.memory_space<vmem>>, vector<20000x16xf32>
    %get3A_2 = arith.constant 0 : index
    %get3A_3 = arith.constant 0 : index
    %get3A_4 = vector.load %arg2[%get3A_2, %get3A_3] : memref<10000x1xf32, #tpu.memory_space<vmem>>, vector<10000x1xf32>
    %slice3A = vector.extract_strided_slice %get3A_1 {offsets = [0, 0], sizes = [10000, 16], strides = [1, 1]} : vector<20000x16xf32> to vector<10000x16xf32>
    %slice3A_5 = vector.extract_strided_slice %get3A_1 {offsets = [10000, 0], sizes = [10000, 16], strides = [1, 1]} : vector<20000x16xf32> to vector<10000x16xf32>
    %add3A = arith.addf %slice3A, %slice3A_5 : vector<10000x16xf32>
    %get3A_6 = arith.constant 0 : index
    %get3A_7 = arith.constant 0 : index
    %get3A_8 = vector.load %arg1[%get3A_6, %get3A_7] : memref<10000x16xf32, #tpu.memory_space<vmem>>, vector<10000x16xf32>
    %add3A_9 = arith.addf %add3A, %get3A_8 : vector<10000x16xf32>
    %mul3A = vector.broadcast %get3A_4 : vector<10000x1xf32> to vector<10000x16xf32>
    %mul3A_10 = arith.mulf %mul3A, %add3A_9 : vector<10000x16xf32>
    %get3A_11 = arith.constant 0 : index
    %get3A_12 = arith.constant 0 : index
    %get3A_13 = vector.load %arg3[%get3A_11, %get3A_12] : memref<1x16xf32, #tpu.memory_space<vmem>>, vector<1x16xf32>
    %add3A_14 = vector.broadcast %get3A_13 : vector<1x16xf32> to vector<10000x16xf32>
    %add3A_15 = arith.addf %mul3A_10, %add3A_14 : vector<10000x16xf32>
    %iota3A = tpu.iota {dimensions = array<i32: 1>} : vector<1x64xi32>
    %get3A_16 = arith.constant 0 : index
    %get3A_17 = arith.constant 0 : index
    %get3A_18 = vector.load %arg4[%get3A_16, %get3A_17] : memref<10000x1xi32, #tpu.memory_space<vmem>>, vector<10000x1xi32>
    %eq3A = vector.broadcast %get3A_18 : vector<10000x1xi32> to vector<10000x64xi32>
    %eq3A_19 = vector.broadcast %iota3A : vector<1x64xi32> to vector<10000x64xi32>
    %eq3A_20 = arith.cmpi eq, %eq3A, %eq3A_19 : vector<10000x64xi32>
    %slice3A_21 = vector.extract_strided_slice %add3A_15 {offsets = [0, 0], sizes = [10000, 1], strides = [1, 1]} : vector<10000x16xf32> to vector<10000x1xf32>
    %jit3A = arith.constant 0xFF800000 : f32
    %broadcast_in_dim3A = vector.shape_cast %slice3A_21 : vector<10000x1xf32> to vector<10000x1xf32>
    %broadcast_in_dim3A_22 = vector.broadcast %broadcast_in_dim3A : vector<10000x1xf32> to vector<10000x64xf32>
    %broadcast_in_dim3A_23 = vector.broadcast %jit3A : f32 to vector<10000x64xf32>
    %select_n3A = arith.select %eq3A_20, %broadcast_in_dim3A_22, %broadcast_in_dim3A_23 : vector<10000x64xi1>, vector<10000x64xf32>
    %reduce_max3A = arith.constant dense<0xFF800000> : vector<64xf32>
    %reduce_max3A_24 = vector.multi_reduction <maximumf>, %select_n3A, %reduce_max3A [0] : vector<10000x64xf32> to vector<64xf32>
    %broadcast_in_dim3A_25 = vector.shape_cast %reduce_max3A_24 : vector<64xf32> to vector<1x64xf32>
    %slice3A_26 = vector.extract_strided_slice %add3A_15 {offsets = [0, 1], sizes = [10000, 1], strides = [1, 1]} : vector<10000x16xf32> to vector<10000x1xf32>
    %jit3A_27 = arith.constant 0xFF800000 : f32
    %broadcast_in_dim3A_28 = vector.shape_cast %slice3A_26 : vector<10000x1xf32> to vector<10000x1xf32>
    %broadcast_in_dim3A_29 = vector.broadcast %broadcast_in_dim3A_28 : vector<10000x1xf32> to vector<10000x64xf32>
    %broadcast_in_dim3A_30 = vector.broadcast %jit3A_27 : f32 to vector<10000x64xf32>
    %select_n3A_31 = arith.select %eq3A_20, %broadcast_in_dim3A_29, %broadcast_in_dim3A_30 : vector<10000x64xi1>, vector<10000x64xf32>
    %reduce_max3A_32 = arith.constant dense<0xFF800000> : vector<64xf32>
    %reduce_max3A_33 = vector.multi_reduction <maximumf>, %select_n3A_31, %reduce_max3A_32 [0] : vector<10000x64xf32> to vector<64xf32>
    %broadcast_in_dim3A_34 = vector.shape_cast %reduce_max3A_33 : vector<64xf32> to vector<1x64xf32>
    %max3A = arith.maximumf %broadcast_in_dim3A_25, %broadcast_in_dim3A_34 : vector<1x64xf32>
    %sub3A = arith.subf %broadcast_in_dim3A_25, %max3A : vector<1x64xf32>
    %exp3A = math.exp %sub3A : vector<1x64xf32>
    %sub3A_35 = arith.subf %broadcast_in_dim3A_34, %max3A : vector<1x64xf32>
    %exp3A_36 = math.exp %sub3A_35 : vector<1x64xf32>
    %add3A_37 = arith.addf %exp3A, %exp3A_36 : vector<1x64xf32>
    %log3A = math.log %add3A_37 : vector<1x64xf32>
    %add3A_38 = arith.addf %log3A, %max3A : vector<1x64xf32>
    %sub3A_39 = arith.subf %broadcast_in_dim3A_25, %add3A_38 : vector<1x64xf32>
    %sub3A_40 = arith.subf %broadcast_in_dim3A_34, %add3A_38 : vector<1x64xf32>
    %concatenate3A = tpu.concatenate %sub3A_39, %sub3A_40 in 0 : vector<1x64xf32>, vector<1x64xf32> -> vector<2x64xf32>
    %swap3A = arith.constant 0 : index
    %swap3A_41 = arith.constant 0 : index
    %swap3A_42 = vector.load %arg5[%swap3A, %swap3A_41] : memref<2x64xf32, #tpu.memory_space<vmem>>, vector<2x64xf32>
    tpu.vector_store %arg5[%swap3A, %swap3A_41], %concatenate3A {strides = array<i32>} : memref<2x64xf32, #tpu.memory_space<vmem>>, vector<2x64xf32>,
    return
  }
}

</mosaic_0001>

<sc_bundles>
// kernel: kernel.12.cloned.1.call-start
scs
__scs_entry_jumppad:
0x0: {  	(pc) =	sbr.rel $0x88, $3  }
0x1: {  	(tag) =	ssettag $0x0;
	lr =	simm.s32 $0x1  }
0x2: {  	[smem:$0x3F96] =	sst lr;
	_ =	strace $0xD0000000  }
0x3: {  	_ = 	snop  }
0x4: {  	_ = 	snop  }
0x5: {  	_ = 	snop  }
0x6: {  	_ = 	snop  }
0x7: {  	_ = 	snop  }
__scs_overlays_trampoline_lowered:
0x8: {  	[smem:$0x3FA5] =	sst s0  }
0x9: {  	[smem:$0x3FA6] =	sst s1  }
0xa: {  	[smem:$0x3FA7] =	sst s2  }
0xb: {  	[smem:$0x3FA8] =	sst s3  }
0xc: {  	[smem:$0x3FA9] =	sst s4  }
0xd: {  	[smem:$0x3FAA] =	sst s5  }
0xe: {  	[smem:$0x3FAB] =	sst s6  }
0xf: {  	[smem:$0x3FAC] =	sst s7  }
0x10: {  	[smem:$0x3FAD] =	sst s8  }
0x11: {  	[smem:$0x3FAE] =	sst s9;
	s0 =	simm.s32 @!p0 $0x0  }
0x12: {  	s1 =	sld [smem:$0x3F94];
	s0 =	simm.s32 @p0 $0x1  }
0x13: {  	[smem:$0x3FAF] =	sst s0;
	s0 =	simm.s32 @!p1 $0x0  }
0x14: {  	s2 =	sld [smem:$0x3F93];
	s0 =	simm.s32 @p1 $0x1  }
0x15: {  	[smem:$0x3FB0] =	sst s0;
	s0 =	simm.s32 @!p2 $0x0  }
0x16: {  	s3 =	sld [smem:$0x3FDB];
	s0 =	simm.s32 @p2 $0x1  }
0x17: {  	s4 =	simm.s32 $0x1BF5;
	[smem:$0x3FB2] =	sst s0  }
0x18: {  	s0 =	sld [smem:$0x3F95];
	_ =	swait.ge [sflag:s4], $0x0  }
0x19: {  	s7 =	sld [smem:$0x3F96]  }
0x1a: {  	s8 =	sadd.s32 $0xFFFFE003, lr  }
0x1b: {  	s9 =	sadd.s32 $0xFFFFFEF7, lr;
	s5 =	simm.s32 $0xFFFFFFFF;
	p2 =	slt.u32 s8, $0xFFFFF086  }
0x1c: {  	p1 =	slt.u32 s9, $0xF7A;
	s5 =	simm.s32 @!p2 $0x0  }
0x1d: {  	s5 =	simm.s32 @p1 $0x1;
	p0 =	seq.s32 s7, s2  }
0x1e: {  	s7 =	smul.u32 @!p0 $0xF7A, s2;
	p2 =	seq.s32 @!p0 s5, $0x0  }
0x1f: {  	s9 =	smul.u32 $0xF7A, s1;
	s8 =	simm.s32 @!p0 $0x1BF5;
	p2 =	por !p2, p0  }
0x20: {  	[sflag:s8] =	ssyncset.s32 @!p0 $0xFFFFF086;
	s6 =	sadd.s32 @!p0 s3, s7;
	s7 =	simm.s32 @!p0 $0x108  }
0x21: {  	s3 =	sadd.s32 s3, s9;
	s6 =	sadd.s32 @!p0 $0x88, s6;
	s7 =	simm.s32 @p2 $0x1082  }
0x22: {  	[simem:s7], [sflag:s8] =	dma.local @!p0 [hbm:s6], $0xF7A  }
0x23: {  	s9 =	sor.u32 $0xD0000000, s2;
	s6 =	simm.s32 $0x108;
	_ =	swait.ge @!p0 [sflag:s8], $0x0  }
0x24: {  	s3 =	sadd.s32 $0x88, s3;
	s6 =	simm.s32 @!p1 $0x1082;
	[sflag:s4] =	ssyncset.s32 $0xFFFFF086  }
0x25: {  	[simem:s6], [sflag:s4] =	dma.local [hbm:s3], $0xF7A  }
0x26: {  	[smem:$0x3F96] =	sst s1;
	(tag) =	ssettag s2;
	_ =	strace s9  }
0x27: {  	s1 =	sld [smem:$0x3FA6]  }
0x28: {  	s2 =	sld [smem:$0x3FA7]  }
0x29: {  	s4 =	sld [smem:$0x3FA9]  }
0x2a: {  	p0 =	seq.s32 s5, $0x0;
	s5 =	sld [smem:$0x3FAA]  }
0x2b: {  	s6 =	sld [smem:$0x3FAB]  }
0x2c: {  	s7 =	sld [smem:$0x3FAC]  }
0x2d: {  	s3 =	simm.s32 $0x108;
	s8 =	sld [smem:$0x3FAD]  }
0x2e: {  	s3 =	simm.s32 @!p0 $0x1082;
	s9 =	sld [smem:$0x3FAE]  }
0x2f: {  	lr =	sadd.s32 s0, s3;
	s0 =	sld [smem:$0x3FA5]  }
0x30: {  	s3 =	sld [smem:$0x3FA8]  }
0x31: {  	[smem:$0x3FB1] =	sst s10  }
0x32: {  	s10 =	sld [smem:$0x3FAF];
	_ =	sdelay $0x3  }
0x33: {  	p0 =	seq.s32 s10, $0x1;
	s10 =	sld [smem:$0x3FB1];
	_ =	sdelay $0x3  }
0x34: {  	[smem:$0x3FB1] =	sst s10  }
0x35: {  	s10 =	sld [smem:$0x3FB0];
	_ =	sdelay $0x3  }
0x36: {  	p1 =	seq.s32 s10, $0x1;
	s10 =	sld [smem:$0x3FB1];
	_ =	sdelay $0x3  }
0x37: {  	[smem:$0x3FB1] =	sst s10  }
0x38: {  	s10 =	sld [smem:$0x3FB2]  }
0x39: {  	_ = 	snop;
	(pc) =	sbr.ind lr, $3  }
0x3a: {  	_ = 	snop  }
0x3b: {  	_ = 	snop  }
0x3c: {  	p2 =	seq.s32 s10, $0x1;
	s10 =	sld [smem:$0x3FB1]  }
0x3d: {  	_ =	shalt  }
0x3e: {  	_ =	shalt  }
0x3f: {  	_ =	shalt  }
0x40: {  	_ =	shalt  }
0x41: {  	_ =	shalt  }
0x42: {  	_ =	shalt  }
0x43: {  	_ =	shalt  }
0x44: {  	_ =	shalt  }
0x45: {  	_ =	shalt  }
0x46: {  	_ =	shalt  }
0x47: {  	_ =	shalt  }
0x48: {  	_ =	shalt  }
0x49: {  	_ =	shalt  }
0x4a: {  	_ =	shalt  }
0x4b: {  	_ =	shalt  }
0x4c: {  	_ =	shalt  }
0x4d: {  	_ =	shalt  }
0x4e: {  	_ =	shalt  }
0x4f: {  	_ =	shalt  }
0x50: {  	_ =	shalt  }
0x51: {  	_ =	shalt  }
0x52: {  	_ =	shalt  }
0x53: {  	_ =	shalt  }
0x54: {  	_ =	shalt  }
0x55: {  	_ =	shalt  }
0x56: {  	_ =	shalt  }
0x57: {  	_ =	shalt  }
0x58: {  	_ =	shalt  }
0x59: {  	_ =	shalt  }
0x5a: {  	_ =	shalt  }
0x5b: {  	_ =	shalt  }
0x5c: {  	_ =	shalt  }
0x5d: {  	_ =	shalt  }
0x5e: {  	_ =	shalt  }
0x5f: {  	_ =	shalt  }
0x60: {  	_ =	shalt  }
0x61: {  	_ =	shalt  }
0x62: {  	_ =	shalt  }
0x63: {  	_ =	shalt  }
0x64: {  	_ =	shalt  }
0x65: {  	_ =	shalt  }
0x66: {  	_ =	shalt  }
0x67: {  	_ =	shalt  }
0x68: {  	_ =	shalt  }
0x69: {  	_ =	shalt  }
0x6a: {  	_ =	shalt  }
0x6b: {  	_ =	shalt  }
0x6c: {  	_ =	shalt  }
0x6d: {  	_ =	shalt  }
0x6e: {  	_ =	shalt  }
0x6f: {  	_ =	shalt  }
0x70: {  	_ =	shalt  }
0x71: {  	_ =	shalt  }
0x72: {  	_ =	shalt  }
0x73: {  	_ =	shalt  }
0x74: {  	_ =	shalt  }
0x75: {  	_ =	shalt  }
0x76: {  	_ =	shalt  }
0x77: {  	_ =	shalt  }
0x78: {  	_ =	shalt  }
0x79: {  	_ =	shalt  }
0x7a: {  	_ =	shalt  }
0x7b: {  	_ =	shalt  }
0x7c: {  	_ =	shalt  }
0x7d: {  	_ =	shalt  }
0x7e: {  	_ =	shalt  }
0x7f: {  	_ =	shalt  }
0x80: {  	_ =	shalt  }
0x81: {  	_ =	shalt  }
0x82: {  	_ =	shalt  }
0x83: {  	_ =	shalt  }
0x84: {  	_ =	shalt  }
0x85: {  	_ =	shalt  }
0x86: {  	_ =	shalt  }
0x87: {  	_ =	shalt  }
.Lfunc_end0:
.L_simem_size_0:
called_computation_lowered:
.L_overlay_start_0:
0x88: {  	s2 =	sld [smem:$0x3FD9]  }
0x89: {  	s3 =	sld [smem:$0x3FFE];
	_ =	sdelay $0x1  }
0x8a: {  	s1 =	srdreg.scid  }
0x8b: {  	s0 =	sand.u32 $0x1, s1  }
0x8c: {  	s16 =	sshll.u32 s0, $0xA;
	s2 =	sadd.s32 s3, s2  }
0x8d: {  	s2 =	sadd.s32 s2, s16  }
0x8e: {  	[smem:$0x3FBD] =	sst s2  }
0x8f: {  	_ = 	snop  }
0x90: {  	(tm) =	ssettm $0x1  }
0x91: {  	s17 =	sld [smem:$0x3FFB];
	_ =	sdelay $0x3  }
0x92: {  	_ =	strace s17  }
0x93: {  	s2 =	sld [smem:$0x3FFC];
	_ =	sdelay $0x3  }
0x94: {  	_ =	strace s2  }
0x95: {  	s2 =	sld [smem:$0x3FFD];
	_ =	sdelay $0x3  }
0x96: {  	_ =	strace s2  }
0x97: {  	_ =	strace $0x8FFFFFFF  }
0x98: {  	s18 =	sld [smem:$0x3FDB];
	_ =	sdelay $0x1  }
0x99: {  	s19 =	simm.s32 $_scs_section_size  }
0x9a: {  	s4 =	simm.s32 $_size__tile_overlayer_lowered;
	s5 =	simm.s32 $_tile_overlayer_lowered  }
0x9b: {  	s22 =	simm.s32 $0x1BFF;
	s21 =	sshll.u32 s5, $0x1;
	s2 =	sadd.s32 s19, s18  }
0x9c: {  	s6 =	simm.s32 $0x0;
	s20 =	sshll.u32 s4, $0x1;
	s4 =	sadd.s32 s21, s2  }
0x9d: {  	[timem:s6], [sflag:s22] =	dma.local [hbm:s4], s20  }
0x9e: {  	_ =	swait.ge [sflag:s22], s20  }
0x9f: {  	s3 =	ssub.s32 $0x0, s20;
	[sflag:s22] =	ssyncset.done $0x0  }
0xa0: {  	[sflag:s22] =	ssyncadd.s32 s3;
	_ =	sdelay $0x1  }
0xa1: {  	s23 =	simm.s32 $0x1B8B  }
0xa2: {  	_ =	swait.ge [sflag:s23], $0x1  }
0xa3: {  	[sflag:s23] =	ssyncset.done $0x0  }
0xa4: {  	s25 =	simm.s32 $0x1B8E;
	s24 =	sld [smem:$0x3FFE];
	[sflag:s23] =	ssyncadd.s32 $0xFFFFFFFF  }
0xa5: {  	s26 =	simm.s32 $execute0_lowered;
	[smem:$0x3FD2] =	sst s25  }
0xa6: {  	s4 =	sshll.u32 s26, $0x1;
	_ =	strace $0x80000046;
	[dreg:$0x1] =	wrdreg $0xFFFFFFFF  }
0xa7: {  	s28 =	simm.s32 $_size_execute0_lowered;
	s2 =	sadd.s32 s2, s4;
	[dreg:$0x0] =	wrdreg $0x0  }
0xa8: {  	s4 =	sshll.u32 s28, $0x1;
	[dreg:$0x2] =	wrdreg s2  }
0xa9: {  	[dreg:$0x3] =	wrdreg s4  }
0xaa: {  	[dreg:$0x4] =	wrdreg $0xC0  }
0xab: {  	_ =	task [dreg:s6], $0x5FFFF  }
0xac: {  	[dreg:$0x1] =	wrdreg $0xFFFFFFFF  }
0xad: {  	[dreg:$0x0] =	wrdreg $0x60  }
0xae: {  	[dreg:$0x2] =	wrdreg s24  }
0xaf: {  	[dreg:$0x3] =	wrdreg $0xB5000  }
0xb0: {  	[dreg:$0x4] =	wrdreg $0x9  }
0xb1: {  	_ =	task.clear_ibuf [dreg:s6], $0x5FFFF;
	_ =	strace $0x90000046  }
0xb2: {  	s29 =	simm.s32 $0x9;
	_ =	strace $0x80000048  }
0xb3: {  	_ =	swait.ge [sflag:s29], $0x1  }
0xb4: {  	[sflag:s29] =	ssyncadd.s32 $0xFFFFFFFF  }
0xb5: {  	_ =	strace $0x90000048  }
0xb6: {  	_ =	sfence  }
0xb7: {  	s30 =	sld [smem:$0x0];
	_ =	sdelay $0x2  }
0xb8: {  	s31 =	sshll.u32 s1, $0xD;
	s1 =	sshrl.u32 s1, $0x2  }
0xb9: {  	s3 =	sand.u32 $0x4000, s31;
	s1 =	sadd.s32 s1, s30  }
0xba: {  	s0 =	sor.u32 s3, s0;
	s1 =	sshll.u32 s1, $0x11  }
0xbb: {  	s0 =	sor.u32 s1, s0  }
0xbc: {  	s0 =	sadd.s32 $0x8F2B, s0  }
0xbd: {  	[sflag:s0] =	ssyncadd.remote.s32 $0x1  }
0xbe: {  	_ =	sfence.sel $0xFFFF  }
0xbf: {  	[dreg:$0x0] =	wrdreg $0xFFFFFFFF;
	(pc) =	sbr.abs _section_cstart, $3  }
0xc0: {  	[dreg:$0x1] =	wrdreg $0xFFFFFFFF  }
0xc1: {  	_ =	task.clear_ibuf [dreg:s6], $0x2FFFF;
	_ =	strace $0x9FFFFFFF  }
0xc2: {  	(tm) =	ssettm $0x7FFFFFFF  }
0xc3: {  	_ =	shalt  }
tec
execute0_lowered:
.L_overlay_start_1:
0x0: {  	(tag) =	ssettag $0x1  }
0x1: {  	s0 =	srdreg.scid;
	s1 =	rddreg [dreg:$0x0]  }
0x2: {  	s10 =	stileid.u32;
	s2 =	rddreg [dreg:$0x1]  }
0x3: {  	s4 =	simm.s32 $0x0;
	s28 =	simm.s32 $0x1;
	s30 =	simm.s32 $0x2  }
0x4: {  	s31 =	simm.s32 $0x0;
	s0 =	sand.u32 $0x1, s0;
	s3 =	smul.u32 $0x4E, s10  }
0x5: {  	s5 =	smin.u32 s10, $0x4;
	s6 =	smul.u32 $0x4E2, s10;
	[smem:$0x7FF] =	sst s4  }
0x6: {  	s4 =	sadd.s32 $0x16A00, s1;
	s15 =	sadd.s32 $0x16400, s1;
	s17 =	smul.u32 $0x9C40, s10  }
0x7: {  	p1 =	slt.u32 s10, $0x4;
	s20 =	sshll.u32 s10, $0x6;
	s12 =	smul.u32 $0x9C00, s10  }
0x8: {  	p0 =	seq.s32 s0, $0x0;
	s8 =	smul.u32 $0x4E20, s0;
	_ =	strace $0x80000047  }
0x9: {  	[dreg:$0x3] =	wrdreg s15;
	s0 =	ssub.s32 $0x2, s0;
	s5 =	simm.s32 @!p0 $0x4E4  }
0xa: {  	s18 =	sshrl.u32 s0, $0x1;
	s19 =	sshrl.u32 s17, $0x2;
	s3 =	sadd.s32 s3, s5  }
0xb: {  	s16 =	sadd.s32 s6, s8;
	s6 =	simm.s32 $0x4F;
	s0 =	ssub.s32 s0, s18  }
0xc: {  	s18 =	sadd.s32 s19, s2;
	s5 =	sshll.u32 s5, $0x9;
	s11 =	smin.u32 s3, $0x92F  }
0xd: {  	s6 =	simm.s32 @!p1 $0x4E;
	s23 =	sadd.s32 s5, s12;
	s13 =	smax.u32 s0, $0x1  }
0xe: {  	s7 =	sshll.u32 s11, $0x4;
	s6 =	simm.s32 @!p0 $0x4E;
	s3 =	ssub.s32 s3, s11  }
0xf: {  	s24 =	sshll.u32 s11, $0x9;
	s9 =	sadd.s32 s7, s1;
	s1 =	sadd.s32 s16, s1  }
0x10: {  	s7 =	sadd.s32 $0x1C09, s20;
	s3 =	sshll.u32 s3, $0x9;
	s25 =	ssub.s32 s23, s24  }
0x11: {  	s20 =	sshrl.u32 s18, $0x3;
	s23 =	simm.s32 $0x80;
	s24 =	simm.s32 $0x9500  }
0x12: {  	s21 =	sadd.s32 $0xC600, s9;
	s22 =	sadd.s32 $0x2800, s9;
	s10 =	sshra.s32 s3, $0x2  }
0x13: {  	s12 =	sadd.s32 $0x1BA00, s1;
	s26 =	sadd.s32 $0x400, s25;
	[dreg:$0x4] =	wrdreg s21  }
0x14: {  	s29 =	sadd.s32 $0x800, s25;
	s25 =	simm.s32 $0x9D00;
	[dreg:$0x5] =	wrdreg s22  }
0x15: {  	s11 =	sadd.s32 $0x80, s10;
	s14 =	sadd.s32 $0x100, s10;
	s15 =	sadd.s32 $0x4A80, s10  }
0x16: {  	s16 =	sadd.s32 $0x180, s10;
	s0 =	sshra.s32 s26, $0x2;
	s17 =	sadd.s32 $0x4B00, s10  }
0x17: {  	s19 =	sshra.s32 s29, $0x2;
	s21 =	simm.s32 $0x9;
	s26 =	sadd.s32 $0x4A80, s0  }
.LBB2_1:
0x18: {  	s0 =	rddreg [dreg:$0x3]  }
0x19: {  	[spmem:s20], [sflag:s7] =	dma.local [hbm:s0], $0x4E2  }
0x1a: {  	_ =	swait.ge [sflag:s21], $0x4E2  }
0x1b: {  	[sflag:s21] =	ssyncset.done $0x0  }
0x1c: {  	s22 =	simm.s32 $0x0;
	s1 =	rddreg [dreg:$0x4];
	[sflag:s21] =	ssyncadd.s32 $0xFFFFFB1E  }
0x1d: {  	[tilespmem:s22], [sflag:$0x9] =	stream.linear.gather [hbm4b:s1+s22], $0x4A80, $0x38;
	[tilespmem:$0xDC10] =	vst v63  }
0x1e: {  	_ =	swait.ge [sflag:s21], $0x4A80  }
0x1f: {  	[sflag:s21] =	ssyncset.done $0x0  }
0x20: {  	s3 =	simm.s32 $0x4A80;
	s5 =	rddreg [dreg:$0x5];
	[sflag:s21] =	ssyncadd.s32 $0xFFFFB580  }
0x21: {  	[tilespmem:s3], [sflag:$0x9] =	stream.linear.gather [hbm4b:s5+s22], $0x4A80, $0x38;
	[tilespmem:$0xDC10] =	vst v63  }
0x22: {  	_ =	swait.ge [sflag:s21], $0x4A80  }
0x23: {  	[sflag:s21] =	ssyncset.done $0x0  }
0x24: {  	[sflag:s21] =	ssyncadd.s32 $0xFFFFB580  }
0x25: {  	[bflag:$0x0] =	sbarrier.arrive $0xFFFF  }
0x26: {  	[tilespmem:s24], [sflag:$0x1] =	stream.indirect.gather [hbm4b:s4+s23], $0x10, s10, s23, $0xb8;
	[tilespmem:$0xDC10] =	vst v63  }
0x27: {  	_ = 	snop  }
0x28: {  	[tilespmem:s25], [sflag:$0x2] =	stream.indirect.gather [hbm4b:s4+s23], $0x10, s11, s23, $0xb8;
	[tilespmem:$0xDC10] =	vst v63  }
0x29: {  	s8 =	simm.s32 $0xA500  }
0x2a: {  	[tilespmem:s8], [sflag:$0x3] =	stream.indirect.gather [hbm4b:s4+s23], $0x10, s14, s23, $0xb8;
	[tilespmem:$0xDC10] =	vst v63  }
0x2b: {  	_ =	swait.ge [sflag:s28], $0x800  }
0x2c: {  	[sflag:s28] =	ssyncset.done $0x0  }
0x2d: {  	[sflag:s28] =	ssyncadd.s32 $0xFFFFF800  }
0x2e: {  	[spmem:s2] =	stream.indirect.scatter.add.f32 [tilespmem:s24], [sflag:$0x5], $0x10, s15, s23, $0xb8;
	[tilespmem:$0xDC10] =	vst v63  }
0x2f: {  	s9 =	simm.s32 $0xAD00;
	s18 =	simm.s32 $0x2;
	p1 =	sne.s32 s6, $0x1  }
0x30: {  	[tilespmem:s9], [sflag:$0x4] =	stream.indirect.gather [hbm4b:s4+s23], $0x10, s16, s23, $0xb8;
	[tilespmem:$0xDC10] =	vst v63  }
0x31: {  	p2 =	sle.u32 s6, $0x4;
	s0 =	sand.u32 $0x3, s18;
	_ =	swait.ge [sflag:s30], $0x800  }
0x32: {  	p0 =	sle.u32 s6, $0x2;
	s22 =	sxor.u32 $0x2, s0;
	[sflag:s30] =	ssyncset.done $0x0  }
0x33: {  	s18 =	simm.s32 @!p2 $0x80;
	s3 =	sadd.s32 $0x5, s22;
	[sflag:s30] =	ssyncadd.s32 $0xFFFFF800  }
0x34: {  	[spmem:s2] =	stream.indirect.scatter.add.f32 [tilespmem:s25], [sflag:$0x6], $0x10, s17, s23, $0xb8;
	[tilespmem:$0xDC10] =	vst v63  }
0x35: {  	s29 =	sadd.s32 @!p0 $0x5, s0;
	s5 =	simm.s32 $0x4;
	_ =	swait.ge [sflag:s3], $0x800  }
0x36: {  	s1 =	simm.s32 $0x1;
	s5 =	sand.u32 @!p2 $0x3, s5;
	[sflag:s3] =	ssyncset.done $0x0  }
0x37: {  	s22 =	sshll.u32 @!p2 s5, $0xB;
	s5 =	sadd.s32 @!p2 $0x1, s5;
	[sflag:s3] =	ssyncadd.s32 $0xFFFFF800  }
.Ltmp0:
0x38: {  	s3 =	sadd.s32 @!p2 $0x9500, s22;
	s22 =	sadd.s32 @!p0 $0x1, s0;
	(pc) =	sbr.rel @!p1 .LBB2_3-.Ltmp0, $4  }
0x39: {  	[tilespmem:s3], [sflag:s5] =	stream.indirect.gather @!p2 [hbm4b:s4+s18], $0x10, s19, s18, $0xb8;
	[tilespmem:$0xDC10] =	vst v63  }
0x3a: {  	s3 =	sshll.u32 @!p0 s0, $0xB;
	s0 =	sadd.s32 $0x80, s19;
	_ =	swait.ge @!p0 [sflag:s22], $0x800  }
0x3b: {  	s5 =	simm.s32 @!p0 $0x80;
	s18 =	smov.u32 s26;
	[sflag:s22] =	ssyncset.done @!p0 $0x0  }
0x3c: {  	s3 =	sadd.s32 @!p0 $0x9500, s3;
	[sflag:s22] =	ssyncadd.s32 @!p0 $0xFFFFF800;
	s22 =	sadd.s32 $0x80, s26  }
.LBB2_2:
0x3d: {  	[spmem:s2] =	stream.indirect.scatter.add.f32 @!p0 [tilespmem:s3], [sflag:s29], $0x10, s18, s5, $0xb8;
	[tilespmem:$0xDC10] =	vst v63  }
0x3e: {  	s3 =	smov.u32 s1;
	s1 =	sadd.s32 $0x1, s1;
	s18 =	smov.u32 s22  }
0x3f: {  	s5 =	sadd.s32 $0x2, s3;
	p1 =	sne.s32 s6, s1  }
0x40: {  	s29 =	sand.u32 $0x3, s5  }
0x41: {  	s3 =	sadd.s32 $0x4, s3;
	s8 =	sxor.u32 $0x2, s29  }
0x42: {  	p2 =	sge.u32 s3, s6;
	p0 =	sge.u32 s5, s6;
	s8 =	sadd.s32 $0x5, s8  }
0x43: {  	s3 =	sand.u32 @!p2 $0x3, s3;
	s5 =	simm.s32 @!p2 $0x80;
	_ =	swait.ge [sflag:s8], $0x800  }
0x44: {  	s9 =	sshll.u32 @!p2 s3, $0xB;
	s3 =	sadd.s32 @!p2 $0x1, s3;
	[sflag:s8] =	ssyncset.done $0x0  }
0x45: {  	[sflag:s8] =	ssyncadd.s32 $0xFFFFF800  }
.Ltmp1:
0x46: {  	s8 =	sadd.s32 @!p2 $0x9500, s9;
	s9 =	sadd.s32 @!p0 $0x1, s29;
	(pc) =	sbr.rel @p1 .LBB2_2-.Ltmp1, $4  }
0x47: {  	[tilespmem:s8], [sflag:s3] =	stream.indirect.gather @!p2 [hbm4b:s4+s5], $0x10, s0, s5, $0xb8;
	[tilespmem:$0xDC10] =	vst v63  }
0x48: {  	s3 =	sshll.u32 @!p0 s29, $0xB;
	s29 =	sadd.s32 @!p0 $0x5, s29;
	_ =	swait.ge @!p0 [sflag:s9], $0x800  }
0x49: {  	s0 =	sadd.s32 $0x80, s0;
	s3 =	sadd.s32 @!p0 $0x9500, s3;
	[sflag:s9] =	ssyncset.done @!p0 $0x0  }
0x4a: {  	s22 =	sadd.s32 $0x80, s22;
	s5 =	simm.s32 @!p0 $0x80;
	[sflag:s9] =	ssyncadd.s32 @!p0 $0xFFFFF800  }
.LBB2_3:
0x4b: {  	[spmem:s2] =	stream.indirect.scatter.add.f32 @!p0 [tilespmem:s3], [sflag:s29], $0x10, s18, s5, $0xb8;
	[tilespmem:$0xDC10] =	vst v63  }
0x4c: {  	s31 =	sadd.s32 $0x1, s31  }
0x4d: {  	p0 =	sne.s32 s31, s13  }
.Ltmp2:
0x4e: {  	[bflag:$0x0] =	sbarrier.arrive $0xFFFF;
	(pc) =	sbr.rel @p0 .LBB2_1-.Ltmp2, $4  }
0x4f: {  	[hbm:s12], [sflag:s7] =	dma.local [spmem:s20], $0x4E2  }
0x50: {  	_ =	swait.ge [sflag:s21], $0x4E2  }
0x51: {  	[sflag:s21] =	ssyncset.done $0x0  }
0x52: {  	[sflag:s21] =	ssyncadd.s32 $0xFFFFFB1E  }
0x53: {  	_ =	sfence.sel $0x180000  }
0x54: {  	[bflag:$0x0] =	sbarrier.arrive $0xFFFF  }
0x55: {  	_ =	strace $0x90000047  }
0x56: {  	s0 =	stileid.u32;
	[bflag:$0x2] =	sbarrier.arrive $0xFFFF  }
0x57: {  	p0 =	sne.s32 s0, $0x0;
	s0 =	rddreg [dreg:$0x2]  }
0x58: {  	s0 =	sadd.s32 @!p0 $0x100000, s0  }
0x59: {  	[sflag:s0] =	ssyncadd.tile.s32 @!p0 $0x1;
	_ =	shalt  }
.Lfunc_end2:
_tile_overlayer_lowered:
.L_overlay_start_2:
0x5a: {  	(tag) =	ssettag $0x2  }
0x5b: {  	s0 =	rddreg [dreg:$0x0];
	s2 =	stileid.u32  }
0x5c: {  	s1 =	rddreg [dreg:$0x1];
	p0 =	sne.s32 s2, $0x0  }
0x5d: {  	s3 =	rddreg [dreg:$0x2];
	[bflag:$0x3] =	sbarrier.arrive $0xFFFF;
	s2 =	simm.s32 @!p0 $0x1C09  }
0x5e: {  	[timem:s3], [sflag:s2] =	dma.local @!p0 [hbm:s0], s1  }
0x5f: {  	s0 =	simm.s32 @!p0 $0x9  }
0x60: {  	_ =	swait.ge @!p0 [sflag:s0], s1  }
0x61: {  	s1 =	ssub.s32 @!p0 $0x0, s1;
	[sflag:s0] =	ssyncset.done @!p0 $0x0  }
0x62: {  	[sflag:s0] =	ssyncadd.s32 @!p0 s1  }
0x63: {  	[bflag:$0x3] =	sbarrier.arrive $0xFFFF  }
0x64: {  	_ =	shalt  }

// kernel: kernel.15.cloned.1.call-start
scs
__scs_entry_jumppad:
0x0: {  	(pc) =	sbr.rel $0x88, $3  }
0x1: {  	(tag) =	ssettag $0x0;
	lr =	simm.s32 $0x1  }
0x2: {  	[smem:$0x3F96] =	sst lr;
	_ =	strace $0xD0000000  }
0x3: {  	_ = 	snop  }
0x4: {  	_ = 	snop  }
0x5: {  	_ = 	snop  }
0x6: {  	_ = 	snop  }
0x7: {  	_ = 	snop  }
__scs_overlays_trampoline_lowered:
0x8: {  	[smem:$0x3FA5] =	sst s0  }
0x9: {  	[smem:$0x3FA6] =	sst s1  }
0xa: {  	[smem:$0x3FA7] =	sst s2  }
0xb: {  	[smem:$0x3FA8] =	sst s3  }
0xc: {  	[smem:$0x3FA9] =	sst s4  }
0xd: {  	[smem:$0x3FAA] =	sst s5  }
0xe: {  	[smem:$0x3FAB] =	sst s6  }
0xf: {  	[smem:$0x3FAC] =	sst s7  }
0x10: {  	[smem:$0x3FAD] =	sst s8  }
0x11: {  	[smem:$0x3FAE] =	sst s9;
	s0 =	simm.s32 @!p0 $0x0  }
0x12: {  	s1 =	sld [smem:$0x3F94];
	s0 =	simm.s32 @p0 $0x1  }
0x13: {  	[smem:$0x3FAF] =	sst s0;
	s0 =	simm.s32 @!p1 $0x0  }
0x14: {  	s2 =	sld [smem:$0x3F93];
	s0 =	simm.s32 @p1 $0x1  }
0x15: {  	[smem:$0x3FB0] =	sst s0;
	s0 =	simm.s32 @!p2 $0x0  }
0x16: {  	s3 =	sld [smem:$0x3FDB];
	s0 =	simm.s32 @p2 $0x1  }
0x17: {  	s4 =	simm.s32 $0x1BF5;
	[smem:$0x3FB2] =	sst s0  }
0x18: {  	s0 =	sld [smem:$0x3F95];
	_ =	swait.ge [sflag:s4], $0x0  }
0x19: {  	s7 =	sld [smem:$0x3F96]  }
0x1a: {  	s8 =	sadd.s32 $0xFFFFE003, lr  }
0x1b: {  	s9 =	sadd.s32 $0xFFFFFEF7, lr;
	s5 =	simm.s32 $0xFFFFFFFF;
	p2 =	slt.u32 s8, $0xFFFFF086  }
0x1c: {  	p1 =	slt.u32 s9, $0xF7A;
	s5 =	simm.s32 @!p2 $0x0  }
0x1d: {  	s5 =	simm.s32 @p1 $0x1;
	p0 =	seq.s32 s7, s2  }
0x1e: {  	s7 =	smul.u32 @!p0 $0xF7A, s2;
	p2 =	seq.s32 @!p0 s5, $0x0  }
0x1f: {  	s9 =	smul.u32 $0xF7A, s1;
	s8 =	simm.s32 @!p0 $0x1BF5;
	p2 =	por !p2, p0  }
0x20: {  	[sflag:s8] =	ssyncset.s32 @!p0 $0xFFFFF086;
	s6 =	sadd.s32 @!p0 s3, s7;
	s7 =	simm.s32 @!p0 $0x108  }
0x21: {  	s3 =	sadd.s32 s3, s9;
	s6 =	sadd.s32 @!p0 $0x88, s6;
	s7 =	simm.s32 @p2 $0x1082  }
0x22: {  	[simem:s7], [sflag:s8] =	dma.local @!p0 [hbm:s6], $0xF7A  }
0x23: {  	s9 =	sor.u32 $0xD0000000, s2;
	s6 =	simm.s32 $0x108;
	_ =	swait.ge @!p0 [sflag:s8], $0x0  }
0x24: {  	s3 =	sadd.s32 $0x88, s3;
	s6 =	simm.s32 @!p1 $0x1082;
	[sflag:s4] =	ssyncset.s32 $0xFFFFF086  }
0x25: {  	[simem:s6], [sflag:s4] =	dma.local [hbm:s3], $0xF7A  }
0x26: {  	[smem:$0x3F96] =	sst s1;
	(tag) =	ssettag s2;
	_ =	strace s9  }
0x27: {  	s1 =	sld [smem:$0x3FA6]  }
0x28: {  	s2 =	sld [smem:$0x3FA7]  }
0x29: {  	s4 =	sld [smem:$0x3FA9]  }
0x2a: {  	p0 =	seq.s32 s5, $0x0;
	s5 =	sld [smem:$0x3FAA]  }
0x2b: {  	s6 =	sld [smem:$0x3FAB]  }
0x2c: {  	s7 =	sld [smem:$0x3FAC]  }
0x2d: {  	s3 =	simm.s32 $0x108;
	s8 =	sld [smem:$0x3FAD]  }
0x2e: {  	s3 =	simm.s32 @!p0 $0x1082;
	s9 =	sld [smem:$0x3FAE]  }
0x2f: {  	lr =	sadd.s32 s0, s3;
	s0 =	sld [smem:$0x3FA5]  }
0x30: {  	s3 =	sld [smem:$0x3FA8]  }
0x31: {  	[smem:$0x3FB1] =	sst s10  }
0x32: {  	s10 =	sld [smem:$0x3FAF];
	_ =	sdelay $0x3  }
0x33: {  	p0 =	seq.s32 s10, $0x1;
	s10 =	sld [smem:$0x3FB1];
	_ =	sdelay $0x3  }
0x34: {  	[smem:$0x3FB1] =	sst s10  }
0x35: {  	s10 =	sld [smem:$0x3FB0];
	_ =	sdelay $0x3  }
0x36: {  	p1 =	seq.s32 s10, $0x1;
	s10 =	sld [smem:$0x3FB1];
	_ =	sdelay $0x3  }
0x37: {  	[smem:$0x3FB1] =	sst s10  }
0x38: {  	s10 =	sld [smem:$0x3FB2]  }
0x39: {  	_ = 	snop;
	(pc) =	sbr.ind lr, $3  }
0x3a: {  	_ = 	snop  }
0x3b: {  	_ = 	snop  }
0x3c: {  	p2 =	seq.s32 s10, $0x1;
	s10 =	sld [smem:$0x3FB1]  }
0x3d: {  	_ =	shalt  }
0x3e: {  	_ =	shalt  }
0x3f: {  	_ =	shalt  }
0x40: {  	_ =	shalt  }
0x41: {  	_ =	shalt  }
0x42: {  	_ =	shalt  }
0x43: {  	_ =	shalt  }
0x44: {  	_ =	shalt  }
0x45: {  	_ =	shalt  }
0x46: {  	_ =	shalt  }
0x47: {  	_ =	shalt  }
0x48: {  	_ =	shalt  }
0x49: {  	_ =	shalt  }
0x4a: {  	_ =	shalt  }
0x4b: {  	_ =	shalt  }
0x4c: {  	_ =	shalt  }
0x4d: {  	_ =	shalt  }
0x4e: {  	_ =	shalt  }
0x4f: {  	_ =	shalt  }
0x50: {  	_ =	shalt  }
0x51: {  	_ =	shalt  }
0x52: {  	_ =	shalt  }
0x53: {  	_ =	shalt  }
0x54: {  	_ =	shalt  }
0x55: {  	_ =	shalt  }
0x56: {  	_ =	shalt  }
0x57: {  	_ =	shalt  }
0x58: {  	_ =	shalt  }
0x59: {  	_ =	shalt  }
0x5a: {  	_ =	shalt  }
0x5b: {  	_ =	shalt  }
0x5c: {  	_ =	shalt  }
0x5d: {  	_ =	shalt  }
0x5e: {  	_ =	shalt  }
0x5f: {  	_ =	shalt  }
0x60: {  	_ =	shalt  }
0x61: {  	_ =	shalt  }
0x62: {  	_ =	shalt  }
0x63: {  	_ =	shalt  }
0x64: {  	_ =	shalt  }
0x65: {  	_ =	shalt  }
0x66: {  	_ =	shalt  }
0x67: {  	_ =	shalt  }
0x68: {  	_ =	shalt  }
0x69: {  	_ =	shalt  }
0x6a: {  	_ =	shalt  }
0x6b: {  	_ =	shalt  }
0x6c: {  	_ =	shalt  }
0x6d: {  	_ =	shalt  }
0x6e: {  	_ =	shalt  }
0x6f: {  	_ =	shalt  }
0x70: {  	_ =	shalt  }
0x71: {  	_ =	shalt  }
0x72: {  	_ =	shalt  }
0x73: {  	_ =	shalt  }
0x74: {  	_ =	shalt  }
0x75: {  	_ =	shalt  }
0x76: {  	_ =	shalt  }
0x77: {  	_ =	shalt  }
0x78: {  	_ =	shalt  }
0x79: {  	_ =	shalt  }
0x7a: {  	_ =	shalt  }
0x7b: {  	_ =	shalt  }
0x7c: {  	_ =	shalt  }
0x7d: {  	_ =	shalt  }
0x7e: {  	_ =	shalt  }
0x7f: {  	_ =	shalt  }
0x80: {  	_ =	shalt  }
0x81: {  	_ =	shalt  }
0x82: {  	_ =	shalt  }
0x83: {  	_ =	shalt  }
0x84: {  	_ =	shalt  }
0x85: {  	_ =	shalt  }
0x86: {  	_ =	shalt  }
0x87: {  	_ =	shalt  }
.Lfunc_end0:
.L_simem_size_0:
called_computation.1_lowered:
.L_overlay_start_0:
0x88: {  	s2 =	sld [smem:$0x3FD9]  }
0x89: {  	s3 =	sld [smem:$0x3FFE];
	_ =	sdelay $0x1  }
0x8a: {  	s1 =	srdreg.scid  }
0x8b: {  	s0 =	sand.u32 $0x1, s1  }
0x8c: {  	s16 =	sshll.u32 s0, $0xA;
	s2 =	sadd.s32 s3, s2  }
0x8d: {  	s2 =	sadd.s32 s2, s16  }
0x8e: {  	[smem:$0x3FBD] =	sst s2  }
0x8f: {  	_ = 	snop  }
0x90: {  	(tm) =	ssettm $0x1  }
0x91: {  	s17 =	sld [smem:$0x3FFB];
	_ =	sdelay $0x3  }
0x92: {  	_ =	strace s17  }
0x93: {  	s2 =	sld [smem:$0x3FFC];
	_ =	sdelay $0x3  }
0x94: {  	_ =	strace s2  }
0x95: {  	s2 =	sld [smem:$0x3FFD];
	_ =	sdelay $0x3  }
0x96: {  	_ =	strace s2  }
0x97: {  	_ =	strace $0x8FFFFFFF  }
0x98: {  	s18 =	sld [smem:$0x3FDB];
	_ =	sdelay $0x1  }
0x99: {  	s19 =	simm.s32 $_scs_section_size  }
0x9a: {  	s4 =	simm.s32 $_size__tile_overlayer_lowered;
	s5 =	simm.s32 $_tile_overlayer_lowered  }
0x9b: {  	s22 =	simm.s32 $0x1BFF;
	s21 =	sshll.u32 s5, $0x1;
	s2 =	sadd.s32 s19, s18  }
0x9c: {  	s6 =	simm.s32 $0x0;
	s20 =	sshll.u32 s4, $0x1;
	s4 =	sadd.s32 s21, s2  }
0x9d: {  	[timem:s6], [sflag:s22] =	dma.local [hbm:s4], s20  }
0x9e: {  	_ =	swait.ge [sflag:s22], s20  }
0x9f: {  	s3 =	ssub.s32 $0x0, s20;
	[sflag:s22] =	ssyncset.done $0x0  }
0xa0: {  	[sflag:s22] =	ssyncadd.s32 s3;
	_ =	sdelay $0x1  }
0xa1: {  	s23 =	simm.s32 $0x1B8B  }
0xa2: {  	_ =	swait.ge [sflag:s23], $0x1  }
0xa3: {  	[sflag:s23] =	ssyncset.done $0x0  }
0xa4: {  	s25 =	simm.s32 $0x1B8E;
	s24 =	sld [smem:$0x3FFE];
	[sflag:s23] =	ssyncadd.s32 $0xFFFFFFFF  }
0xa5: {  	s26 =	simm.s32 $execute0_lowered;
	[smem:$0x3FD2] =	sst s25  }
0xa6: {  	s4 =	sshll.u32 s26, $0x1;
	_ =	strace $0x80000049;
	[dreg:$0x1] =	wrdreg $0xFFFFFFFF  }
0xa7: {  	s28 =	simm.s32 $_size_execute0_lowered;
	s2 =	sadd.s32 s2, s4;
	[dreg:$0x0] =	wrdreg $0x0  }
0xa8: {  	s4 =	sshll.u32 s28, $0x1;
	[dreg:$0x2] =	wrdreg s2  }
0xa9: {  	[dreg:$0x3] =	wrdreg s4  }
0xaa: {  	[dreg:$0x4] =	wrdreg $0xC0  }
0xab: {  	_ =	task [dreg:s6], $0x5FFFF  }
0xac: {  	[dreg:$0x1] =	wrdreg $0xFFFFFFFF  }
0xad: {  	[dreg:$0x0] =	wrdreg $0x60  }
0xae: {  	[dreg:$0x2] =	wrdreg s24  }
0xaf: {  	[dreg:$0x3] =	wrdreg $0x115000  }
0xb0: {  	[dreg:$0x4] =	wrdreg $0x9  }
0xb1: {  	_ =	task.clear_ibuf [dreg:s6], $0x5FFFF;
	_ =	strace $0x90000049  }
0xb2: {  	s29 =	simm.s32 $0x9;
	_ =	strace $0x8000004B  }
0xb3: {  	_ =	swait.ge [sflag:s29], $0x1  }
0xb4: {  	[sflag:s29] =	ssyncadd.s32 $0xFFFFFFFF  }
0xb5: {  	_ =	strace $0x9000004B  }
0xb6: {  	_ =	sfence  }
0xb7: {  	s30 =	sld [smem:$0x0];
	_ =	sdelay $0x2  }
0xb8: {  	s31 =	sshll.u32 s1, $0xD;
	s1 =	sshrl.u32 s1, $0x2  }
0xb9: {  	s3 =	sand.u32 $0x4000, s31;
	s1 =	sadd.s32 s1, s30  }
0xba: {  	s0 =	sor.u32 s3, s0;
	s1 =	sshll.u32 s1, $0x11  }
0xbb: {  	s0 =	sor.u32 s1, s0  }
0xbc: {  	s0 =	sadd.s32 $0x8F2B, s0  }
0xbd: {  	[sflag:s0] =	ssyncadd.remote.s32 $0x1  }
0xbe: {  	_ =	sfence.sel $0xFFFF  }
0xbf: {  	[dreg:$0x0] =	wrdreg $0xFFFFFFFF;
	(pc) =	sbr.abs _section_cstart, $3  }
0xc0: {  	[dreg:$0x1] =	wrdreg $0xFFFFFFFF  }
0xc1: {  	_ =	task.clear_ibuf [dreg:s6], $0x2FFFF;
	_ =	strace $0x9FFFFFFF  }
0xc2: {  	(tm) =	ssettm $0x7FFFFFFF  }
0xc3: {  	_ =	shalt  }
tec
execute0_lowered:
.L_overlay_start_1:
0x0: {  	(tag) =	ssettag $0x1  }
0x1: {  	s0 =	srdreg.scid;
	s1 =	rddreg [dreg:$0x0]  }
0x2: {  	s10 =	stileid.u32;
	s2 =	rddreg [dreg:$0x1]  }
0x3: {  	s4 =	simm.s32 $0x0;
	s28 =	simm.s32 $0x1;
	s30 =	simm.s32 $0x2  }
0x4: {  	s31 =	simm.s32 $0x0;
	s0 =	sand.u32 $0x1, s0;
	s3 =	smul.u32 $0x4E, s10  }
0x5: {  	s5 =	smin.u32 s10, $0x4;
	s6 =	smul.u32 $0x1388, s10;
	[smem:$0x7FF] =	sst s4  }
0x6: {  	s4 =	sadd.s32 $0x16A00, s1;
	s15 =	sadd.s32 $0x2A400, s1;
	s17 =	smul.u32 $0x27100, s10  }
0x7: {  	p1 =	slt.u32 s10, $0x4;
	s20 =	sshll.u32 s10, $0x6;
	s12 =	smul.u32 $0x9C00, s10  }
0x8: {  	p0 =	seq.s32 s0, $0x0;
	s8 =	smul.u32 $0x13880, s0;
	_ =	strace $0x8000004A  }
0x9: {  	[dreg:$0x3] =	wrdreg s15;
	s0 =	ssub.s32 $0x2, s0;
	s5 =	simm.s32 @!p0 $0x4E4  }
0xa: {  	s18 =	sshrl.u32 s0, $0x1;
	s19 =	sshrl.u32 s17, $0x2;
	s3 =	sadd.s32 s3, s5  }
0xb: {  	s16 =	sadd.s32 s6, s8;
	s6 =	simm.s32 $0x4F;
	s0 =	ssub.s32 s0, s18  }
0xc: {  	s18 =	sadd.s32 s19, s2;
	s5 =	sshll.u32 s5, $0x9;
	s11 =	smin.u32 s3, $0x92F  }
0xd: {  	s6 =	simm.s32 @!p1 $0x4E;
	s23 =	sadd.s32 s5, s12;
	s13 =	smax.u32 s0, $0x1  }
0xe: {  	s7 =	sshll.u32 s11, $0x4;
	s6 =	simm.s32 @!p0 $0x4E;
	s3 =	ssub.s32 s3, s11  }
0xf: {  	s24 =	sshll.u32 s11, $0x9;
	s9 =	sadd.s32 s7, s1;
	s1 =	sadd.s32 s16, s1  }
0x10: {  	s7 =	sadd.s32 $0x1C09, s20;
	s3 =	sshll.u32 s3, $0x9;
	s25 =	ssub.s32 s23, s24  }
0x11: {  	s20 =	sshrl.u32 s18, $0x3;
	s23 =	simm.s32 $0x80;
	s24 =	simm.s32 $0x9500  }
0x12: {  	s21 =	sadd.s32 $0xC600, s9;
	s22 =	sadd.s32 $0x2800, s9;
	s10 =	sshra.s32 s3, $0x2  }
0x13: {  	s12 =	sadd.s32 $0x2B800, s1;
	s26 =	sadd.s32 $0x400, s25;
	[dreg:$0x4] =	wrdreg s21  }
0x14: {  	s29 =	sadd.s32 $0x800, s25;
	s25 =	simm.s32 $0xB500;
	[dreg:$0x5] =	wrdreg s22  }
0x15: {  	s11 =	sadd.s32 $0x80, s10;
	s14 =	sadd.s32 $0x100, s10;
	s15 =	sadd.s32 $0x4A80, s10  }
0x16: {  	s16 =	sadd.s32 $0x180, s10;
	s0 =	sshra.s32 s26, $0x2;
	s17 =	sadd.s32 $0x4B00, s10  }
0x17: {  	s19 =	sshra.s32 s29, $0x2;
	s21 =	simm.s32 $0x9;
	s26 =	sadd.s32 $0x4A80, s0  }
.LBB2_1:
0x18: {  	s0 =	rddreg [dreg:$0x3]  }
0x19: {  	[spmem:s20], [sflag:s7] =	dma.local [hbm:s0], $0x1388  }
0x1a: {  	_ =	swait.ge [sflag:s21], $0x1388  }
0x1b: {  	[sflag:s21] =	ssyncset.done $0x0  }
0x1c: {  	s22 =	simm.s32 $0x0;
	s1 =	rddreg [dreg:$0x4];
	[sflag:s21] =	ssyncadd.s32 $0xFFFFEC78  }
0x1d: {  	[tilespmem:s22], [sflag:$0x9] =	stream.linear.gather [hbm4b:s1+s22], $0x4A80, $0x38;
	[tilespmem:$0x1B140] =	vst v63  }
0x1e: {  	_ =	swait.ge [sflag:s21], $0x4A80  }
0x1f: {  	[sflag:s21] =	ssyncset.done $0x0  }
0x20: {  	s3 =	simm.s32 $0x4A80;
	s5 =	rddreg [dreg:$0x5];
	[sflag:s21] =	ssyncadd.s32 $0xFFFFB580  }
0x21: {  	[tilespmem:s3], [sflag:$0x9] =	stream.linear.gather [hbm4b:s5+s22], $0x4A80, $0x38;
	[tilespmem:$0x1B140] =	vst v63  }
0x22: {  	_ =	swait.ge [sflag:s21], $0x4A80  }
0x23: {  	[sflag:s21] =	ssyncset.done $0x0  }
0x24: {  	[sflag:s21] =	ssyncadd.s32 $0xFFFFB580  }
0x25: {  	[bflag:$0x0] =	sbarrier.arrive $0xFFFF  }
0x26: {  	[tilespmem:s24], [sflag:$0x1] =	stream.indirect.gather [hbm4b:s4+s23], $0x40, s10, s23, $0xb8;
	[tilespmem:$0x1B140] =	vst v63  }
0x27: {  	_ = 	snop  }
0x28: {  	[tilespmem:s25], [sflag:$0x2] =	stream.indirect.gather [hbm4b:s4+s23], $0x40, s11, s23, $0xb8;
	[tilespmem:$0x1B140] =	vst v63  }
0x29: {  	s8 =	simm.s32 $0xD500  }
0x2a: {  	[tilespmem:s8], [sflag:$0x3] =	stream.indirect.gather [hbm4b:s4+s23], $0x40, s14, s23, $0xb8;
	[tilespmem:$0x1B140] =	vst v63  }
0x2b: {  	_ =	swait.ge [sflag:s28], $0x2000  }
0x2c: {  	[sflag:s28] =	ssyncset.done $0x0  }
0x2d: {  	[sflag:s28] =	ssyncadd.s32 $0xFFFFE000  }
0x2e: {  	[spmem:s2] =	stream.indirect.scatter.add.f32 [tilespmem:s24], [sflag:$0x5], $0x40, s15, s23, $0xb8;
	[tilespmem:$0x1B140] =	vst v63  }
0x2f: {  	s9 =	simm.s32 $0xF500;
	s18 =	simm.s32 $0x2;
	p1 =	sne.s32 s6, $0x1  }
0x30: {  	[tilespmem:s9], [sflag:$0x4] =	stream.indirect.gather [hbm4b:s4+s23], $0x40, s16, s23, $0xb8;
	[tilespmem:$0x1B140] =	vst v63  }
0x31: {  	p2 =	sle.u32 s6, $0x4;
	s0 =	sand.u32 $0x3, s18;
	_ =	swait.ge [sflag:s30], $0x2000  }
0x32: {  	p0 =	sle.u32 s6, $0x2;
	s22 =	sxor.u32 $0x2, s0;
	[sflag:s30] =	ssyncset.done $0x0  }
0x33: {  	s18 =	simm.s32 @!p2 $0x80;
	s3 =	sadd.s32 $0x5, s22;
	[sflag:s30] =	ssyncadd.s32 $0xFFFFE000  }
0x34: {  	[spmem:s2] =	stream.indirect.scatter.add.f32 [tilespmem:s25], [sflag:$0x6], $0x40, s17, s23, $0xb8;
	[tilespmem:$0x1B140] =	vst v63  }
0x35: {  	s29 =	sadd.s32 @!p0 $0x5, s0;
	s5 =	simm.s32 $0x4;
	_ =	swait.ge [sflag:s3], $0x2000  }
0x36: {  	s1 =	simm.s32 $0x1;
	s5 =	sand.u32 @!p2 $0x3, s5;
	[sflag:s3] =	ssyncset.done $0x0  }
0x37: {  	s22 =	sshll.u32 @!p2 s5, $0xD;
	s5 =	sadd.s32 @!p2 $0x1, s5;
	[sflag:s3] =	ssyncadd.s32 $0xFFFFE000  }
.Ltmp0:
0x38: {  	s3 =	sor.u32 @!p2 $0x9500, s22;
	s22 =	sadd.s32 @!p0 $0x1, s0;
	(pc) =	sbr.rel @!p1 .LBB2_3-.Ltmp0, $4  }
0x39: {  	[tilespmem:s3], [sflag:s5] =	stream.indirect.gather @!p2 [hbm4b:s4+s18], $0x40, s19, s18, $0xb8;
	[tilespmem:$0x1B140] =	vst v63  }
0x3a: {  	s3 =	sshll.u32 @!p0 s0, $0xD;
	s0 =	sadd.s32 $0x80, s19;
	_ =	swait.ge @!p0 [sflag:s22], $0x2000  }
0x3b: {  	s5 =	simm.s32 @!p0 $0x80;
	s18 =	smov.u32 s26;
	[sflag:s22] =	ssyncset.done @!p0 $0x0  }
0x3c: {  	s3 =	sor.u32 @!p0 $0x9500, s3;
	[sflag:s22] =	ssyncadd.s32 @!p0 $0xFFFFE000;
	s22 =	sadd.s32 $0x80, s26  }
.LBB2_2:
0x3d: {  	[spmem:s2] =	stream.indirect.scatter.add.f32 @!p0 [tilespmem:s3], [sflag:s29], $0x40, s18, s5, $0xb8;
	[tilespmem:$0x1B140] =	vst v63  }
0x3e: {  	s3 =	smov.u32 s1;
	s1 =	sadd.s32 $0x1, s1;
	s18 =	smov.u32 s22  }
0x3f: {  	s5 =	sadd.s32 $0x2, s3;
	p1 =	sne.s32 s6, s1  }
0x40: {  	s29 =	sand.u32 $0x3, s5  }
0x41: {  	s3 =	sadd.s32 $0x4, s3;
	s8 =	sxor.u32 $0x2, s29  }
0x42: {  	p2 =	sge.u32 s3, s6;
	p0 =	sge.u32 s5, s6;
	s8 =	sadd.s32 $0x5, s8  }
0x43: {  	s3 =	sand.u32 @!p2 $0x3, s3;
	s5 =	simm.s32 @!p2 $0x80;
	_ =	swait.ge [sflag:s8], $0x2000  }
0x44: {  	s9 =	sshll.u32 @!p2 s3, $0xD;
	s3 =	sadd.s32 @!p2 $0x1, s3;
	[sflag:s8] =	ssyncset.done $0x0  }
0x45: {  	[sflag:s8] =	ssyncadd.s32 $0xFFFFE000  }
.Ltmp1:
0x46: {  	s8 =	sor.u32 @!p2 $0x9500, s9;
	s9 =	sadd.s32 @!p0 $0x1, s29;
	(pc) =	sbr.rel @p1 .LBB2_2-.Ltmp1, $4  }
0x47: {  	[tilespmem:s8], [sflag:s3] =	stream.indirect.gather @!p2 [hbm4b:s4+s5], $0x40, s0, s5, $0xb8;
	[tilespmem:$0x1B140] =	vst v63  }
0x48: {  	s3 =	sshll.u32 @!p0 s29, $0xD;
	s29 =	sadd.s32 @!p0 $0x5, s29;
	_ =	swait.ge @!p0 [sflag:s9], $0x2000  }
0x49: {  	s0 =	sadd.s32 $0x80, s0;
	s3 =	sor.u32 @!p0 $0x9500, s3;
	[sflag:s9] =	ssyncset.done @!p0 $0x0  }
0x4a: {  	s22 =	sadd.s32 $0x80, s22;
	s5 =	simm.s32 @!p0 $0x80;
	[sflag:s9] =	ssyncadd.s32 @!p0 $0xFFFFE000  }
.LBB2_3:
0x4b: {  	[spmem:s2] =	stream.indirect.scatter.add.f32 @!p0 [tilespmem:s3], [sflag:s29], $0x40, s18, s5, $0xb8;
	[tilespmem:$0x1B140] =	vst v63  }
0x4c: {  	s31 =	sadd.s32 $0x1, s31  }
0x4d: {  	p0 =	sne.s32 s31, s13  }
.Ltmp2:
0x4e: {  	[bflag:$0x0] =	sbarrier.arrive $0xFFFF;
	(pc) =	sbr.rel @p0 .LBB2_1-.Ltmp2, $4  }
0x4f: {  	[hbm:s12], [sflag:s7] =	dma.local [spmem:s20], $0x1388  }
0x50: {  	_ =	swait.ge [sflag:s21], $0x1388  }
0x51: {  	[sflag:s21] =	ssyncset.done $0x0  }
0x52: {  	[sflag:s21] =	ssyncadd.s32 $0xFFFFEC78  }
0x53: {  	_ =	sfence.sel $0x180000  }
0x54: {  	[bflag:$0x0] =	sbarrier.arrive $0xFFFF  }
0x55: {  	_ =	strace $0x9000004A  }
0x56: {  	s0 =	stileid.u32;
	[bflag:$0x2] =	sbarrier.arrive $0xFFFF  }
0x57: {  	p0 =	sne.s32 s0, $0x0;
	s0 =	rddreg [dreg:$0x2]  }
0x58: {  	s0 =	sadd.s32 @!p0 $0x100000, s0  }
0x59: {  	[sflag:s0] =	ssyncadd.tile.s32 @!p0 $0x1;
	_ =	shalt  }
.Lfunc_end2:
_tile_overlayer_lowered:
.L_overlay_start_2:
0x5a: {  	(tag) =	ssettag $0x2  }
0x5b: {  	s0 =	rddreg [dreg:$0x0];
	s2 =	stileid.u32  }
0x5c: {  	s1 =	rddreg [dreg:$0x1];
	p0 =	sne.s32 s2, $0x0  }
0x5d: {  	s3 =	rddreg [dreg:$0x2];
	[bflag:$0x3] =	sbarrier.arrive $0xFFFF;
	s2 =	simm.s32 @!p0 $0x1C09  }
0x5e: {  	[timem:s3], [sflag:s2] =	dma.local @!p0 [hbm:s0], s1  }
0x5f: {  	s0 =	simm.s32 @!p0 $0x9  }
0x60: {  	_ =	swait.ge @!p0 [sflag:s0], s1  }
0x61: {  	s1 =	ssub.s32 @!p0 $0x0, s1;
	[sflag:s0] =	ssyncset.done @!p0 $0x0  }
0x62: {  	[sflag:s0] =	ssyncadd.s32 @!p0 s1  }
0x63: {  	[bflag:$0x3] =	sbarrier.arrive $0xFFFF  }
0x64: {  	_ =	shalt  }

// kernel: kernel.18.cloned.1.call-start
scs
__scs_entry_jumppad:
0x0: {  	(pc) =	sbr.rel $0x88, $3  }
0x1: {  	(tag) =	ssettag $0x0;
	lr =	simm.s32 $0x1  }
0x2: {  	[smem:$0x3F96] =	sst lr;
	_ =	strace $0xD0000000  }
0x3: {  	_ = 	snop  }
0x4: {  	_ = 	snop  }
0x5: {  	_ = 	snop  }
0x6: {  	_ = 	snop  }
0x7: {  	_ = 	snop  }
__scs_overlays_trampoline_lowered:
0x8: {  	[smem:$0x3FA5] =	sst s0  }
0x9: {  	[smem:$0x3FA6] =	sst s1  }
0xa: {  	[smem:$0x3FA7] =	sst s2  }
0xb: {  	[smem:$0x3FA8] =	sst s3  }
0xc: {  	[smem:$0x3FA9] =	sst s4  }
0xd: {  	[smem:$0x3FAA] =	sst s5  }
0xe: {  	[smem:$0x3FAB] =	sst s6  }
0xf: {  	[smem:$0x3FAC] =	sst s7  }
0x10: {  	[smem:$0x3FAD] =	sst s8  }
0x11: {  	[smem:$0x3FAE] =	sst s9;
	s0 =	simm.s32 @!p0 $0x0  }
0x12: {  	s1 =	sld [smem:$0x3F94];
	s0 =	simm.s32 @p0 $0x1  }
0x13: {  	[smem:$0x3FAF] =	sst s0;
	s0 =	simm.s32 @!p1 $0x0  }
0x14: {  	s2 =	sld [smem:$0x3F93];
	s0 =	simm.s32 @p1 $0x1  }
0x15: {  	[smem:$0x3FB0] =	sst s0;
	s0 =	simm.s32 @!p2 $0x0  }
0x16: {  	s3 =	sld [smem:$0x3FDB];
	s0 =	simm.s32 @p2 $0x1  }
0x17: {  	s4 =	simm.s32 $0x1BF5;
	[smem:$0x3FB2] =	sst s0  }
0x18: {  	s0 =	sld [smem:$0x3F95];
	_ =	swait.ge [sflag:s4], $0x0  }
0x19: {  	s7 =	sld [smem:$0x3F96]  }
0x1a: {  	s8 =	sadd.s32 $0xFFFFE003, lr  }
0x1b: {  	s9 =	sadd.s32 $0xFFFFFEF7, lr;
	s5 =	simm.s32 $0xFFFFFFFF;
	p2 =	slt.u32 s8, $0xFFFFF086  }
0x1c: {  	p1 =	slt.u32 s9, $0xF7A;
	s5 =	simm.s32 @!p2 $0x0  }
0x1d: {  	s5 =	simm.s32 @p1 $0x1;
	p0 =	seq.s32 s7, s2  }
0x1e: {  	s7 =	smul.u32 @!p0 $0xF7A, s2;
	p2 =	seq.s32 @!p0 s5, $0x0  }
0x1f: {  	s9 =	smul.u32 $0xF7A, s1;
	s8 =	simm.s32 @!p0 $0x1BF5;
	p2 =	por !p2, p0  }
0x20: {  	[sflag:s8] =	ssyncset.s32 @!p0 $0xFFFFF086;
	s6 =	sadd.s32 @!p0 s3, s7;
	s7 =	simm.s32 @!p0 $0x108  }
0x21: {  	s3 =	sadd.s32 s3, s9;
	s6 =	sadd.s32 @!p0 $0x88, s6;
	s7 =	simm.s32 @p2 $0x1082  }
0x22: {  	[simem:s7], [sflag:s8] =	dma.local @!p0 [hbm:s6], $0xF7A  }
0x23: {  	s9 =	sor.u32 $0xD0000000, s2;
	s6 =	simm.s32 $0x108;
	_ =	swait.ge @!p0 [sflag:s8], $0x0  }
0x24: {  	s3 =	sadd.s32 $0x88, s3;
	s6 =	simm.s32 @!p1 $0x1082;
	[sflag:s4] =	ssyncset.s32 $0xFFFFF086  }
0x25: {  	[simem:s6], [sflag:s4] =	dma.local [hbm:s3], $0xF7A  }
0x26: {  	[smem:$0x3F96] =	sst s1;
	(tag) =	ssettag s2;
	_ =	strace s9  }
0x27: {  	s1 =	sld [smem:$0x3FA6]  }
0x28: {  	s2 =	sld [smem:$0x3FA7]  }
0x29: {  	s4 =	sld [smem:$0x3FA9]  }
0x2a: {  	p0 =	seq.s32 s5, $0x0;
	s5 =	sld [smem:$0x3FAA]  }
0x2b: {  	s6 =	sld [smem:$0x3FAB]  }
0x2c: {  	s7 =	sld [smem:$0x3FAC]  }
0x2d: {  	s3 =	simm.s32 $0x108;
	s8 =	sld [smem:$0x3FAD]  }
0x2e: {  	s3 =	simm.s32 @!p0 $0x1082;
	s9 =	sld [smem:$0x3FAE]  }
0x2f: {  	lr =	sadd.s32 s0, s3;
	s0 =	sld [smem:$0x3FA5]  }
0x30: {  	s3 =	sld [smem:$0x3FA8]  }
0x31: {  	[smem:$0x3FB1] =	sst s10  }
0x32: {  	s10 =	sld [smem:$0x3FAF];
	_ =	sdelay $0x3  }
0x33: {  	p0 =	seq.s32 s10, $0x1;
	s10 =	sld [smem:$0x3FB1];
	_ =	sdelay $0x3  }
0x34: {  	[smem:$0x3FB1] =	sst s10  }
0x35: {  	s10 =	sld [smem:$0x3FB0];
	_ =	sdelay $0x3  }
0x36: {  	p1 =	seq.s32 s10, $0x1;
	s10 =	sld [smem:$0x3FB1];
	_ =	sdelay $0x3  }
0x37: {  	[smem:$0x3FB1] =	sst s10  }
0x38: {  	s10 =	sld [smem:$0x3FB2]  }
0x39: {  	_ = 	snop;
	(pc) =	sbr.ind lr, $3  }
0x3a: {  	_ = 	snop  }
0x3b: {  	_ = 	snop  }
0x3c: {  	p2 =	seq.s32 s10, $0x1;
	s10 =	sld [smem:$0x3FB1]  }
0x3d: {  	_ =	shalt  }
0x3e: {  	_ =	shalt  }
0x3f: {  	_ =	shalt  }
0x40: {  	_ =	shalt  }
0x41: {  	_ =	shalt  }
0x42: {  	_ =	shalt  }
0x43: {  	_ =	shalt  }
0x44: {  	_ =	shalt  }
0x45: {  	_ =	shalt  }
0x46: {  	_ =	shalt  }
0x47: {  	_ =	shalt  }
0x48: {  	_ =	shalt  }
0x49: {  	_ =	shalt  }
0x4a: {  	_ =	shalt  }
0x4b: {  	_ =	shalt  }
0x4c: {  	_ =	shalt  }
0x4d: {  	_ =	shalt  }
0x4e: {  	_ =	shalt  }
0x4f: {  	_ =	shalt  }
0x50: {  	_ =	shalt  }
0x51: {  	_ =	shalt  }
0x52: {  	_ =	shalt  }
0x53: {  	_ =	shalt  }
0x54: {  	_ =	shalt  }
0x55: {  	_ =	shalt  }
0x56: {  	_ =	shalt  }
0x57: {  	_ =	shalt  }
0x58: {  	_ =	shalt  }
0x59: {  	_ =	shalt  }
0x5a: {  	_ =	shalt  }
0x5b: {  	_ =	shalt  }
0x5c: {  	_ =	shalt  }
0x5d: {  	_ =	shalt  }
0x5e: {  	_ =	shalt  }
0x5f: {  	_ =	shalt  }
0x60: {  	_ =	shalt  }
0x61: {  	_ =	shalt  }
0x62: {  	_ =	shalt  }
0x63: {  	_ =	shalt  }
0x64: {  	_ =	shalt  }
0x65: {  	_ =	shalt  }
0x66: {  	_ =	shalt  }
0x67: {  	_ =	shalt  }
0x68: {  	_ =	shalt  }
0x69: {  	_ =	shalt  }
0x6a: {  	_ =	shalt  }
0x6b: {  	_ =	shalt  }
0x6c: {  	_ =	shalt  }
0x6d: {  	_ =	shalt  }
0x6e: {  	_ =	shalt  }
0x6f: {  	_ =	shalt  }
0x70: {  	_ =	shalt  }
0x71: {  	_ =	shalt  }
0x72: {  	_ =	shalt  }
0x73: {  	_ =	shalt  }
0x74: {  	_ =	shalt  }
0x75: {  	_ =	shalt  }
0x76: {  	_ =	shalt  }
0x77: {  	_ =	shalt  }
0x78: {  	_ =	shalt  }
0x79: {  	_ =	shalt  }
0x7a: {  	_ =	shalt  }
0x7b: {  	_ =	shalt  }
0x7c: {  	_ =	shalt  }
0x7d: {  	_ =	shalt  }
0x7e: {  	_ =	shalt  }
0x7f: {  	_ =	shalt  }
0x80: {  	_ =	shalt  }
0x81: {  	_ =	shalt  }
0x82: {  	_ =	shalt  }
0x83: {  	_ =	shalt  }
0x84: {  	_ =	shalt  }
0x85: {  	_ =	shalt  }
0x86: {  	_ =	shalt  }
0x87: {  	_ =	shalt  }
.Lfunc_end0:
.L_simem_size_0:
called_computation.2_lowered:
.L_overlay_start_0:
0x88: {  	s2 =	sld [smem:$0x3FD9]  }
0x89: {  	s3 =	sld [smem:$0x3FFE];
	_ =	sdelay $0x1  }
0x8a: {  	s1 =	srdreg.scid  }
0x8b: {  	s0 =	sand.u32 $0x1, s1  }
0x8c: {  	s16 =	sshll.u32 s0, $0xA;
	s2 =	sadd.s32 s3, s2  }
0x8d: {  	s2 =	sadd.s32 s2, s16  }
0x8e: {  	[smem:$0x3FBD] =	sst s2  }
0x8f: {  	_ = 	snop  }
0x90: {  	(tm) =	ssettm $0x1  }
0x91: {  	s17 =	sld [smem:$0x3FFB];
	_ =	sdelay $0x3  }
0x92: {  	_ =	strace s17  }
0x93: {  	s2 =	sld [smem:$0x3FFC];
	_ =	sdelay $0x3  }
0x94: {  	_ =	strace s2  }
0x95: {  	s2 =	sld [smem:$0x3FFD];
	_ =	sdelay $0x3  }
0x96: {  	_ =	strace s2  }
0x97: {  	_ =	strace $0x8FFFFFFF  }
0x98: {  	s18 =	sld [smem:$0x3FDB];
	_ =	sdelay $0x1  }
0x99: {  	s19 =	simm.s32 $_scs_section_size  }
0x9a: {  	s4 =	simm.s32 $_size__tile_overlayer_lowered;
	s5 =	simm.s32 $_tile_overlayer_lowered  }
0x9b: {  	s22 =	simm.s32 $0x1BFF;
	s21 =	sshll.u32 s5, $0x1;
	s2 =	sadd.s32 s19, s18  }
0x9c: {  	s6 =	simm.s32 $0x0;
	s20 =	sshll.u32 s4, $0x1;
	s4 =	sadd.s32 s21, s2  }
0x9d: {  	[timem:s6], [sflag:s22] =	dma.local [hbm:s4], s20  }
0x9e: {  	_ =	swait.ge [sflag:s22], s20  }
0x9f: {  	s3 =	ssub.s32 $0x0, s20;
	[sflag:s22] =	ssyncset.done $0x0  }
0xa0: {  	[sflag:s22] =	ssyncadd.s32 s3;
	_ =	sdelay $0x1  }
0xa1: {  	s23 =	simm.s32 $0x1B8B  }
0xa2: {  	_ =	swait.ge [sflag:s23], $0x1  }
0xa3: {  	[sflag:s23] =	ssyncset.done $0x0  }
0xa4: {  	s25 =	simm.s32 $0x1B8E;
	s24 =	sld [smem:$0x3FFE];
	[sflag:s23] =	ssyncadd.s32 $0xFFFFFFFF  }
0xa5: {  	s26 =	simm.s32 $execute0_lowered;
	[smem:$0x3FD2] =	sst s25  }
0xa6: {  	s4 =	sshll.u32 s26, $0x1;
	_ =	strace $0x8000004C;
	[dreg:$0x1] =	wrdreg $0xFFFFFFFF  }
0xa7: {  	s28 =	simm.s32 $_size_execute0_lowered;
	s2 =	sadd.s32 s2, s4;
	[dreg:$0x0] =	wrdreg $0x0  }
0xa8: {  	s4 =	sshll.u32 s28, $0x1;
	[dreg:$0x2] =	wrdreg s2  }
0xa9: {  	[dreg:$0x3] =	wrdreg s4  }
0xaa: {  	[dreg:$0x4] =	wrdreg $0xC0  }
0xab: {  	_ =	task [dreg:s6], $0x5FFFF  }
0xac: {  	[dreg:$0x1] =	wrdreg $0xFFFFFFFF  }
0xad: {  	[dreg:$0x0] =	wrdreg $0x60  }
0xae: {  	[dreg:$0x2] =	wrdreg s24  }
0xaf: {  	[dreg:$0x3] =	wrdreg $0x115000  }
0xb0: {  	[dreg:$0x4] =	wrdreg $0x9  }
0xb1: {  	_ =	task.clear_ibuf [dreg:s6], $0x5FFFF;
	_ =	strace $0x9000004C  }
0xb2: {  	s29 =	simm.s32 $0x9;
	_ =	strace $0x8000004E  }
0xb3: {  	_ =	swait.ge [sflag:s29], $0x1  }
0xb4: {  	[sflag:s29] =	ssyncadd.s32 $0xFFFFFFFF  }
0xb5: {  	_ =	strace $0x9000004E  }
0xb6: {  	_ =	sfence  }
0xb7: {  	s30 =	sld [smem:$0x0];
	_ =	sdelay $0x2  }
0xb8: {  	s31 =	sshll.u32 s1, $0xD;
	s1 =	sshrl.u32 s1, $0x2  }
0xb9: {  	s3 =	sand.u32 $0x4000, s31;
	s1 =	sadd.s32 s1, s30  }
0xba: {  	s0 =	sor.u32 s3, s0;
	s1 =	sshll.u32 s1, $0x11  }
0xbb: {  	s0 =	sor.u32 s1, s0  }
0xbc: {  	s0 =	sadd.s32 $0x8F2B, s0  }
0xbd: {  	[sflag:s0] =	ssyncadd.remote.s32 $0x1  }
0xbe: {  	_ =	sfence.sel $0xFFFF  }
0xbf: {  	[dreg:$0x0] =	wrdreg $0xFFFFFFFF;
	(pc) =	sbr.abs _section_cstart, $3  }
0xc0: {  	[dreg:$0x1] =	wrdreg $0xFFFFFFFF  }
0xc1: {  	_ =	task.clear_ibuf [dreg:s6], $0x2FFFF;
	_ =	strace $0x9FFFFFFF  }
0xc2: {  	(tm) =	ssettm $0x7FFFFFFF  }
0xc3: {  	_ =	shalt  }
tec
execute0_lowered:
.L_overlay_start_1:
0x0: {  	(tag) =	ssettag $0x1  }
0x1: {  	s0 =	srdreg.scid;
	s1 =	rddreg [dreg:$0x0]  }
0x2: {  	s10 =	stileid.u32;
	s2 =	rddreg [dreg:$0x1]  }
0x3: {  	s4 =	simm.s32 $0x0;
	s28 =	simm.s32 $0x1;
	s30 =	simm.s32 $0x2  }
0x4: {  	s31 =	simm.s32 $0x0;
	s0 =	sand.u32 $0x1, s0;
	s3 =	smul.u32 $0x4E, s10  }
0x5: {  	s5 =	smin.u32 s10, $0x4;
	s6 =	smul.u32 $0x1388, s10;
	[smem:$0x7FF] =	sst s4  }
0x6: {  	s4 =	sadd.s32 $0x16A00, s1;
	s15 =	sadd.s32 $0x2A400, s1;
	s17 =	smul.u32 $0x27100, s10  }
0x7: {  	p1 =	slt.u32 s10, $0x4;
	s20 =	sshll.u32 s10, $0x6;
	s12 =	smul.u32 $0x9C00, s10  }
0x8: {  	p0 =	seq.s32 s0, $0x0;
	s8 =	smul.u32 $0x13880, s0;
	_ =	strace $0x8000004D  }
0x9: {  	[dreg:$0x3] =	wrdreg s15;
	s0 =	ssub.s32 $0x2, s0;
	s5 =	simm.s32 @!p0 $0x4E4  }
0xa: {  	s18 =	sshrl.u32 s0, $0x1;
	s19 =	sshrl.u32 s17, $0x2;
	s3 =	sadd.s32 s3, s5  }
0xb: {  	s16 =	sadd.s32 s6, s8;
	s6 =	simm.s32 $0x4F;
	s0 =	ssub.s32 s0, s18  }
0xc: {  	s18 =	sadd.s32 s19, s2;
	s5 =	sshll.u32 s5, $0x9;
	s11 =	smin.u32 s3, $0x92F  }
0xd: {  	s6 =	simm.s32 @!p1 $0x4E;
	s23 =	sadd.s32 s5, s12;
	s13 =	smax.u32 s0, $0x1  }
0xe: {  	s7 =	sshll.u32 s11, $0x4;
	s6 =	simm.s32 @!p0 $0x4E;
	s3 =	ssub.s32 s3, s11  }
0xf: {  	s24 =	sshll.u32 s11, $0x9;
	s9 =	sadd.s32 s7, s1;
	s1 =	sadd.s32 s16, s1  }
0x10: {  	s7 =	sadd.s32 $0x1C09, s20;
	s3 =	sshll.u32 s3, $0x9;
	s25 =	ssub.s32 s23, s24  }
0x11: {  	s20 =	sshrl.u32 s18, $0x3;
	s23 =	simm.s32 $0x80;
	s24 =	simm.s32 $0x9500  }
0x12: {  	s21 =	sadd.s32 $0xC600, s9;
	s22 =	sadd.s32 $0x2800, s9;
	s10 =	sshra.s32 s3, $0x2  }
0x13: {  	s12 =	sadd.s32 $0x2B800, s1;
	s26 =	sadd.s32 $0x400, s25;
	[dreg:$0x4] =	wrdreg s21  }
0x14: {  	s29 =	sadd.s32 $0x800, s25;
	s25 =	simm.s32 $0xB500;
	[dreg:$0x5] =	wrdreg s22  }
0x15: {  	s11 =	sadd.s32 $0x80, s10;
	s14 =	sadd.s32 $0x100, s10;
	s15 =	sadd.s32 $0x4A80, s10  }
0x16: {  	s16 =	sadd.s32 $0x180, s10;
	s0 =	sshra.s32 s26, $0x2;
	s17 =	sadd.s32 $0x4B00, s10  }
0x17: {  	s19 =	sshra.s32 s29, $0x2;
	s21 =	simm.s32 $0x9;
	s26 =	sadd.s32 $0x4A80, s0  }
.LBB2_1:
0x18: {  	s0 =	rddreg [dreg:$0x3]  }
0x19: {  	[spmem:s20], [sflag:s7] =	dma.local [hbm:s0], $0x1388  }
0x1a: {  	_ =	swait.ge [sflag:s21], $0x1388  }
0x1b: {  	[sflag:s21] =	ssyncset.done $0x0  }
0x1c: {  	s22 =	simm.s32 $0x0;
	s1 =	rddreg [dreg:$0x4];
	[sflag:s21] =	ssyncadd.s32 $0xFFFFEC78  }
0x1d: {  	[tilespmem:s22], [sflag:$0x9] =	stream.linear.gather [hbm4b:s1+s22], $0x4A80, $0x38;
	[tilespmem:$0x1B140] =	vst v63  }
0x1e: {  	_ =	swait.ge [sflag:s21], $0x4A80  }
0x1f: {  	[sflag:s21] =	ssyncset.done $0x0  }
0x20: {  	s3 =	simm.s32 $0x4A80;
	s5 =	rddreg [dreg:$0x5];
	[sflag:s21] =	ssyncadd.s32 $0xFFFFB580  }
0x21: {  	[tilespmem:s3], [sflag:$0x9] =	stream.linear.gather [hbm4b:s5+s22], $0x4A80, $0x38;
	[tilespmem:$0x1B140] =	vst v63  }
0x22: {  	_ =	swait.ge [sflag:s21], $0x4A80  }
0x23: {  	[sflag:s21] =	ssyncset.done $0x0  }
0x24: {  	[sflag:s21] =	ssyncadd.s32 $0xFFFFB580  }
0x25: {  	[bflag:$0x0] =	sbarrier.arrive $0xFFFF  }
0x26: {  	[tilespmem:s24], [sflag:$0x1] =	stream.indirect.gather [hbm4b:s4+s23], $0x40, s10, s23, $0xb8;
	[tilespmem:$0x1B140] =	vst v63  }
0x27: {  	_ = 	snop  }
0x28: {  	[tilespmem:s25], [sflag:$0x2] =	stream.indirect.gather [hbm4b:s4+s23], $0x40, s11, s23, $0xb8;
	[tilespmem:$0x1B140] =	vst v63  }
0x29: {  	s8 =	simm.s32 $0xD500  }
0x2a: {  	[tilespmem:s8], [sflag:$0x3] =	stream.indirect.gather [hbm4b:s4+s23], $0x40, s14, s23, $0xb8;
	[tilespmem:$0x1B140] =	vst v63  }
0x2b: {  	_ =	swait.ge [sflag:s28], $0x2000  }
0x2c: {  	[sflag:s28] =	ssyncset.done $0x0  }
0x2d: {  	[sflag:s28] =	ssyncadd.s32 $0xFFFFE000  }
0x2e: {  	[spmem:s2] =	stream.indirect.scatter.add.f32 [tilespmem:s24], [sflag:$0x5], $0x40, s15, s23, $0xb8;
	[tilespmem:$0x1B140] =	vst v63  }
0x2f: {  	s9 =	simm.s32 $0xF500;
	s18 =	simm.s32 $0x2;
	p1 =	sne.s32 s6, $0x1  }
0x30: {  	[tilespmem:s9], [sflag:$0x4] =	stream.indirect.gather [hbm4b:s4+s23], $0x40, s16, s23, $0xb8;
	[tilespmem:$0x1B140] =	vst v63  }
0x31: {  	p2 =	sle.u32 s6, $0x4;
	s0 =	sand.u32 $0x3, s18;
	_ =	swait.ge [sflag:s30], $0x2000  }
0x32: {  	p0 =	sle.u32 s6, $0x2;
	s22 =	sxor.u32 $0x2, s0;
	[sflag:s30] =	ssyncset.done $0x0  }
0x33: {  	s18 =	simm.s32 @!p2 $0x80;
	s3 =	sadd.s32 $0x5, s22;
	[sflag:s30] =	ssyncadd.s32 $0xFFFFE000  }
0x34: {  	[spmem:s2] =	stream.indirect.scatter.add.f32 [tilespmem:s25], [sflag:$0x6], $0x40, s17, s23, $0xb8;
	[tilespmem:$0x1B140] =	vst v63  }
0x35: {  	s29 =	sadd.s32 @!p0 $0x5, s0;
	s5 =	simm.s32 $0x4;
	_ =	swait.ge [sflag:s3], $0x2000  }
0x36: {  	s1 =	simm.s32 $0x1;
	s5 =	sand.u32 @!p2 $0x3, s5;
	[sflag:s3] =	ssyncset.done $0x0  }
0x37: {  	s22 =	sshll.u32 @!p2 s5, $0xD;
	s5 =	sadd.s32 @!p2 $0x1, s5;
	[sflag:s3] =	ssyncadd.s32 $0xFFFFE000  }
.Ltmp0:
0x38: {  	s3 =	sor.u32 @!p2 $0x9500, s22;
	s22 =	sadd.s32 @!p0 $0x1, s0;
	(pc) =	sbr.rel @!p1 .LBB2_3-.Ltmp0, $4  }
0x39: {  	[tilespmem:s3], [sflag:s5] =	stream.indirect.gather @!p2 [hbm4b:s4+s18], $0x40, s19, s18, $0xb8;
	[tilespmem:$0x1B140] =	vst v63  }
0x3a: {  	s3 =	sshll.u32 @!p0 s0, $0xD;
	s0 =	sadd.s32 $0x80, s19;
	_ =	swait.ge @!p0 [sflag:s22], $0x2000  }
0x3b: {  	s5 =	simm.s32 @!p0 $0x80;
	s18 =	smov.u32 s26;
	[sflag:s22] =	ssyncset.done @!p0 $0x0  }
0x3c: {  	s3 =	sor.u32 @!p0 $0x9500, s3;
	[sflag:s22] =	ssyncadd.s32 @!p0 $0xFFFFE000;
	s22 =	sadd.s32 $0x80, s26  }
.LBB2_2:
0x3d: {  	[spmem:s2] =	stream.indirect.scatter.add.f32 @!p0 [tilespmem:s3], [sflag:s29], $0x40, s18, s5, $0xb8;
	[tilespmem:$0x1B140] =	vst v63  }
0x3e: {  	s3 =	smov.u32 s1;
	s1 =	sadd.s32 $0x1, s1;
	s18 =	smov.u32 s22  }
0x3f: {  	s5 =	sadd.s32 $0x2, s3;
	p1 =	sne.s32 s6, s1  }
0x40: {  	s29 =	sand.u32 $0x3, s5  }
0x41: {  	s3 =	sadd.s32 $0x4, s3;
	s8 =	sxor.u32 $0x2, s29  }
0x42: {  	p2 =	sge.u32 s3, s6;
	p0 =	sge.u32 s5, s6;
	s8 =	sadd.s32 $0x5, s8  }
0x43: {  	s3 =	sand.u32 @!p2 $0x3, s3;
	s5 =	simm.s32 @!p2 $0x80;
	_ =	swait.ge [sflag:s8], $0x2000  }
0x44: {  	s9 =	sshll.u32 @!p2 s3, $0xD;
	s3 =	sadd.s32 @!p2 $0x1, s3;
	[sflag:s8] =	ssyncset.done $0x0  }
0x45: {  	[sflag:s8] =	ssyncadd.s32 $0xFFFFE000  }
.Ltmp1:
0x46: {  	s8 =	sor.u32 @!p2 $0x9500, s9;
	s9 =	sadd.s32 @!p0 $0x1, s29;
	(pc) =	sbr.rel @p1 .LBB2_2-.Ltmp1, $4  }
0x47: {  	[tilespmem:s8], [sflag:s3] =	stream.indirect.gather @!p2 [hbm4b:s4+s5], $0x40, s0, s5, $0xb8;
	[tilespmem:$0x1B140] =	vst v63  }
0x48: {  	s3 =	sshll.u32 @!p0 s29, $0xD;
	s29 =	sadd.s32 @!p0 $0x5, s29;
	_ =	swait.ge @!p0 [sflag:s9], $0x2000  }
0x49: {  	s0 =	sadd.s32 $0x80, s0;
	s3 =	sor.u32 @!p0 $0x9500, s3;
	[sflag:s9] =	ssyncset.done @!p0 $0x0  }
0x4a: {  	s22 =	sadd.s32 $0x80, s22;
	s5 =	simm.s32 @!p0 $0x80;
	[sflag:s9] =	ssyncadd.s32 @!p0 $0xFFFFE000  }
.LBB2_3:
0x4b: {  	[spmem:s2] =	stream.indirect.scatter.add.f32 @!p0 [tilespmem:s3], [sflag:s29], $0x40, s18, s5, $0xb8;
	[tilespmem:$0x1B140] =	vst v63  }
0x4c: {  	s31 =	sadd.s32 $0x1, s31  }
0x4d: {  	p0 =	sne.s32 s31, s13  }
.Ltmp2:
0x4e: {  	[bflag:$0x0] =	sbarrier.arrive $0xFFFF;
	(pc) =	sbr.rel @p0 .LBB2_1-.Ltmp2, $4  }
0x4f: {  	[hbm:s12], [sflag:s7] =	dma.local [spmem:s20], $0x1388  }
0x50: {  	_ =	swait.ge [sflag:s21], $0x1388  }
0x51: {  	[sflag:s21] =	ssyncset.done $0x0  }
0x52: {  	[sflag:s21] =	ssyncadd.s32 $0xFFFFEC78  }
0x53: {  	_ =	sfence.sel $0x180000  }
0x54: {  	[bflag:$0x0] =	sbarrier.arrive $0xFFFF  }
0x55: {  	_ =	strace $0x9000004D  }
0x56: {  	s0 =	stileid.u32;
	[bflag:$0x2] =	sbarrier.arrive $0xFFFF  }
0x57: {  	p0 =	sne.s32 s0, $0x0;
	s0 =	rddreg [dreg:$0x2]  }
0x58: {  	s0 =	sadd.s32 @!p0 $0x100000, s0  }
0x59: {  	[sflag:s0] =	ssyncadd.tile.s32 @!p0 $0x1;
	_ =	shalt  }
.Lfunc_end2:
_tile_overlayer_lowered:
.L_overlay_start_2:
0x5a: {  	(tag) =	ssettag $0x2  }
0x5b: {  	s0 =	rddreg [dreg:$0x0];
	s2 =	stileid.u32  }
0x5c: {  	s1 =	rddreg [dreg:$0x1];
	p0 =	sne.s32 s2, $0x0  }
0x5d: {  	s3 =	rddreg [dreg:$0x2];
	[bflag:$0x3] =	sbarrier.arrive $0xFFFF;
	s2 =	simm.s32 @!p0 $0x1C09  }
0x5e: {  	[timem:s3], [sflag:s2] =	dma.local @!p0 [hbm:s0], s1  }
0x5f: {  	s0 =	simm.s32 @!p0 $0x9  }
0x60: {  	_ =	swait.ge @!p0 [sflag:s0], s1  }
0x61: {  	s1 =	ssub.s32 @!p0 $0x0, s1;
	[sflag:s0] =	ssyncset.done @!p0 $0x0  }
0x62: {  	[sflag:s0] =	ssyncadd.s32 @!p0 s1  }
0x63: {  	[bflag:$0x3] =	sbarrier.arrive $0xFFFF  }
0x64: {  	_ =	shalt  }

// kernel: kernel.21.cloned.1.call-start
scs
__scs_entry_jumppad:
0x0: {  	(pc) =	sbr.rel $0x88, $3  }
0x1: {  	(tag) =	ssettag $0x0;
	lr =	simm.s32 $0x1  }
0x2: {  	[smem:$0x3F96] =	sst lr;
	_ =	strace $0xD0000000  }
0x3: {  	_ = 	snop  }
0x4: {  	_ = 	snop  }
0x5: {  	_ = 	snop  }
0x6: {  	_ = 	snop  }
0x7: {  	_ = 	snop  }
__scs_overlays_trampoline_lowered:
0x8: {  	[smem:$0x3FA5] =	sst s0  }
0x9: {  	[smem:$0x3FA6] =	sst s1  }
0xa: {  	[smem:$0x3FA7] =	sst s2  }
0xb: {  	[smem:$0x3FA8] =	sst s3  }
0xc: {  	[smem:$0x3FA9] =	sst s4  }
0xd: {  	[smem:$0x3FAA] =	sst s5  }
0xe: {  	[smem:$0x3FAB] =	sst s6  }
0xf: {  	[smem:$0x3FAC] =	sst s7  }
0x10: {  	[smem:$0x3FAD] =	sst s8  }
0x11: {  	[smem:$0x3FAE] =	sst s9;
	s0 =	simm.s32 @!p0 $0x0  }
0x12: {  	s1 =	sld [smem:$0x3F94];
	s0 =	simm.s32 @p0 $0x1  }
0x13: {  	[smem:$0x3FAF] =	sst s0;
	s0 =	simm.s32 @!p1 $0x0  }
0x14: {  	s2 =	sld [smem:$0x3F93];
	s0 =	simm.s32 @p1 $0x1  }
0x15: {  	[smem:$0x3FB0] =	sst s0;
	s0 =	simm.s32 @!p2 $0x0  }
0x16: {  	s3 =	sld [smem:$0x3FDB];
	s0 =	simm.s32 @p2 $0x1  }
0x17: {  	s4 =	simm.s32 $0x1BF5;
	[smem:$0x3FB2] =	sst s0  }
0x18: {  	s0 =	sld [smem:$0x3F95];
	_ =	swait.ge [sflag:s4], $0x0  }
0x19: {  	s7 =	sld [smem:$0x3F96]  }
0x1a: {  	s8 =	sadd.s32 $0xFFFFE003, lr  }
0x1b: {  	s9 =	sadd.s32 $0xFFFFFEF7, lr;
	s5 =	simm.s32 $0xFFFFFFFF;
	p2 =	slt.u32 s8, $0xFFFFF086  }
0x1c: {  	p1 =	slt.u32 s9, $0xF7A;
	s5 =	simm.s32 @!p2 $0x0  }
0x1d: {  	s5 =	simm.s32 @p1 $0x1;
	p0 =	seq.s32 s7, s2  }
0x1e: {  	s7 =	smul.u32 @!p0 $0xF7A, s2;
	p2 =	seq.s32 @!p0 s5, $0x0  }
0x1f: {  	s9 =	smul.u32 $0xF7A, s1;
	s8 =	simm.s32 @!p0 $0x1BF5;
	p2 =	por !p2, p0  }
0x20: {  	[sflag:s8] =	ssyncset.s32 @!p0 $0xFFFFF086;
	s6 =	sadd.s32 @!p0 s3, s7;
	s7 =	simm.s32 @!p0 $0x108  }
0x21: {  	s3 =	sadd.s32 s3, s9;
	s6 =	sadd.s32 @!p0 $0x88, s6;
	s7 =	simm.s32 @p2 $0x1082  }
0x22: {  	[simem:s7], [sflag:s8] =	dma.local @!p0 [hbm:s6], $0xF7A  }
0x23: {  	s9 =	sor.u32 $0xD0000000, s2;
	s6 =	simm.s32 $0x108;
	_ =	swait.ge @!p0 [sflag:s8], $0x0  }
0x24: {  	s3 =	sadd.s32 $0x88, s3;
	s6 =	simm.s32 @!p1 $0x1082;
	[sflag:s4] =	ssyncset.s32 $0xFFFFF086  }
0x25: {  	[simem:s6], [sflag:s4] =	dma.local [hbm:s3], $0xF7A  }
0x26: {  	[smem:$0x3F96] =	sst s1;
	(tag) =	ssettag s2;
	_ =	strace s9  }
0x27: {  	s1 =	sld [smem:$0x3FA6]  }
0x28: {  	s2 =	sld [smem:$0x3FA7]  }
0x29: {  	s4 =	sld [smem:$0x3FA9]  }
0x2a: {  	p0 =	seq.s32 s5, $0x0;
	s5 =	sld [smem:$0x3FAA]  }
0x2b: {  	s6 =	sld [smem:$0x3FAB]  }
0x2c: {  	s7 =	sld [smem:$0x3FAC]  }
0x2d: {  	s3 =	simm.s32 $0x108;
	s8 =	sld [smem:$0x3FAD]  }
0x2e: {  	s3 =	simm.s32 @!p0 $0x1082;
	s9 =	sld [smem:$0x3FAE]  }
0x2f: {  	lr =	sadd.s32 s0, s3;
	s0 =	sld [smem:$0x3FA5]  }
0x30: {  	s3 =	sld [smem:$0x3FA8]  }
0x31: {  	[smem:$0x3FB1] =	sst s10  }
0x32: {  	s10 =	sld [smem:$0x3FAF];
	_ =	sdelay $0x3  }
0x33: {  	p0 =	seq.s32 s10, $0x1;
	s10 =	sld [smem:$0x3FB1];
	_ =	sdelay $0x3  }
0x34: {  	[smem:$0x3FB1] =	sst s10  }
0x35: {  	s10 =	sld [smem:$0x3FB0];
	_ =	sdelay $0x3  }
0x36: {  	p1 =	seq.s32 s10, $0x1;
	s10 =	sld [smem:$0x3FB1];
	_ =	sdelay $0x3  }
0x37: {  	[smem:$0x3FB1] =	sst s10  }
0x38: {  	s10 =	sld [smem:$0x3FB2]  }
0x39: {  	_ = 	snop;
	(pc) =	sbr.ind lr, $3  }
0x3a: {  	_ = 	snop  }
0x3b: {  	_ = 	snop  }
0x3c: {  	p2 =	seq.s32 s10, $0x1;
	s10 =	sld [smem:$0x3FB1]  }
0x3d: {  	_ =	shalt  }
0x3e: {  	_ =	shalt  }
0x3f: {  	_ =	shalt  }
0x40: {  	_ =	shalt  }
0x41: {  	_ =	shalt  }
0x42: {  	_ =	shalt  }
0x43: {  	_ =	shalt  }
0x44: {  	_ =	shalt  }
0x45: {  	_ =	shalt  }
0x46: {  	_ =	shalt  }
0x47: {  	_ =	shalt  }
0x48: {  	_ =	shalt  }
0x49: {  	_ =	shalt  }
0x4a: {  	_ =	shalt  }
0x4b: {  	_ =	shalt  }
0x4c: {  	_ =	shalt  }
0x4d: {  	_ =	shalt  }
0x4e: {  	_ =	shalt  }
0x4f: {  	_ =	shalt  }
0x50: {  	_ =	shalt  }
0x51: {  	_ =	shalt  }
0x52: {  	_ =	shalt  }
0x53: {  	_ =	shalt  }
0x54: {  	_ =	shalt  }
0x55: {  	_ =	shalt  }
0x56: {  	_ =	shalt  }
0x57: {  	_ =	shalt  }
0x58: {  	_ =	shalt  }
0x59: {  	_ =	shalt  }
0x5a: {  	_ =	shalt  }
0x5b: {  	_ =	shalt  }
0x5c: {  	_ =	shalt  }
0x5d: {  	_ =	shalt  }
0x5e: {  	_ =	shalt  }
0x5f: {  	_ =	shalt  }
0x60: {  	_ =	shalt  }
0x61: {  	_ =	shalt  }
0x62: {  	_ =	shalt  }
0x63: {  	_ =	shalt  }
0x64: {  	_ =	shalt  }
0x65: {  	_ =	shalt  }
0x66: {  	_ =	shalt  }
0x67: {  	_ =	shalt  }
0x68: {  	_ =	shalt  }
0x69: {  	_ =	shalt  }
0x6a: {  	_ =	shalt  }
0x6b: {  	_ =	shalt  }
0x6c: {  	_ =	shalt  }
0x6d: {  	_ =	shalt  }
0x6e: {  	_ =	shalt  }
0x6f: {  	_ =	shalt  }
0x70: {  	_ =	shalt  }
0x71: {  	_ =	shalt  }
0x72: {  	_ =	shalt  }
0x73: {  	_ =	shalt  }
0x74: {  	_ =	shalt  }
0x75: {  	_ =	shalt  }
0x76: {  	_ =	shalt  }
0x77: {  	_ =	shalt  }
0x78: {  	_ =	shalt  }
0x79: {  	_ =	shalt  }
0x7a: {  	_ =	shalt  }
0x7b: {  	_ =	shalt  }
0x7c: {  	_ =	shalt  }
0x7d: {  	_ =	shalt  }
0x7e: {  	_ =	shalt  }
0x7f: {  	_ =	shalt  }
0x80: {  	_ =	shalt  }
0x81: {  	_ =	shalt  }
0x82: {  	_ =	shalt  }
0x83: {  	_ =	shalt  }
0x84: {  	_ =	shalt  }
0x85: {  	_ =	shalt  }
0x86: {  	_ =	shalt  }
0x87: {  	_ =	shalt  }
.Lfunc_end0:
.L_simem_size_0:
called_computation.3_lowered:
.L_overlay_start_0:
0x88: {  	s2 =	sld [smem:$0x3FD9]  }
0x89: {  	s3 =	sld [smem:$0x3FFE];
	_ =	sdelay $0x1  }
0x8a: {  	s1 =	srdreg.scid  }
0x8b: {  	s0 =	sand.u32 $0x1, s1  }
0x8c: {  	s16 =	sshll.u32 s0, $0xA;
	s2 =	sadd.s32 s3, s2  }
0x8d: {  	s2 =	sadd.s32 s2, s16  }
0x8e: {  	[smem:$0x3FBD] =	sst s2  }
0x8f: {  	_ = 	snop  }
0x90: {  	(tm) =	ssettm $0x1  }
0x91: {  	s17 =	sld [smem:$0x3FFB];
	_ =	sdelay $0x3  }
0x92: {  	_ =	strace s17  }
0x93: {  	s2 =	sld [smem:$0x3FFC];
	_ =	sdelay $0x3  }
0x94: {  	_ =	strace s2  }
0x95: {  	s2 =	sld [smem:$0x3FFD];
	_ =	sdelay $0x3  }
0x96: {  	_ =	strace s2  }
0x97: {  	_ =	strace $0x8FFFFFFF  }
0x98: {  	s18 =	sld [smem:$0x3FDB];
	_ =	sdelay $0x1  }
0x99: {  	s19 =	simm.s32 $_scs_section_size  }
0x9a: {  	s4 =	simm.s32 $_size__tile_overlayer_lowered;
	s5 =	simm.s32 $_tile_overlayer_lowered  }
0x9b: {  	s22 =	simm.s32 $0x1BFF;
	s21 =	sshll.u32 s5, $0x1;
	s2 =	sadd.s32 s19, s18  }
0x9c: {  	s6 =	simm.s32 $0x0;
	s20 =	sshll.u32 s4, $0x1;
	s4 =	sadd.s32 s21, s2  }
0x9d: {  	[timem:s6], [sflag:s22] =	dma.local [hbm:s4], s20  }
0x9e: {  	_ =	swait.ge [sflag:s22], s20  }
0x9f: {  	s3 =	ssub.s32 $0x0, s20;
	[sflag:s22] =	ssyncset.done $0x0  }
0xa0: {  	[sflag:s22] =	ssyncadd.s32 s3;
	_ =	sdelay $0x1  }
0xa1: {  	s23 =	simm.s32 $0x1B8B  }
0xa2: {  	_ =	swait.ge [sflag:s23], $0x1  }
0xa3: {  	[sflag:s23] =	ssyncset.done $0x0  }
0xa4: {  	s25 =	simm.s32 $0x1B8E;
	s24 =	sld [smem:$0x3FFE];
	[sflag:s23] =	ssyncadd.s32 $0xFFFFFFFF  }
0xa5: {  	s26 =	simm.s32 $execute0_lowered;
	[smem:$0x3FD2] =	sst s25  }
0xa6: {  	s4 =	sshll.u32 s26, $0x1;
	_ =	strace $0x8000004F;
	[dreg:$0x1] =	wrdreg $0xFFFFFFFF  }
0xa7: {  	s28 =	simm.s32 $_size_execute0_lowered;
	s2 =	sadd.s32 s2, s4;
	[dreg:$0x0] =	wrdreg $0x0  }
0xa8: {  	s4 =	sshll.u32 s28, $0x1;
	[dreg:$0x2] =	wrdreg s2  }
0xa9: {  	[dreg:$0x3] =	wrdreg s4  }
0xaa: {  	[dreg:$0x4] =	wrdreg $0xC0  }
0xab: {  	_ =	task [dreg:s6], $0x5FFFF  }
0xac: {  	[dreg:$0x1] =	wrdreg $0xFFFFFFFF  }
0xad: {  	[dreg:$0x0] =	wrdreg $0x60  }
0xae: {  	[dreg:$0x2] =	wrdreg s24  }
0xaf: {  	[dreg:$0x3] =	wrdreg $0xD5000  }
0xb0: {  	[dreg:$0x4] =	wrdreg $0x9  }
0xb1: {  	_ =	task.clear_ibuf [dreg:s6], $0x5FFFF;
	_ =	strace $0x9000004F  }
0xb2: {  	s29 =	simm.s32 $0x9;
	_ =	strace $0x80000051  }
0xb3: {  	_ =	swait.ge [sflag:s29], $0x1  }
0xb4: {  	[sflag:s29] =	ssyncadd.s32 $0xFFFFFFFF  }
0xb5: {  	_ =	strace $0x90000051  }
0xb6: {  	_ =	sfence  }
0xb7: {  	s30 =	sld [smem:$0x0];
	_ =	sdelay $0x2  }
0xb8: {  	s31 =	sshll.u32 s1, $0xD;
	s1 =	sshrl.u32 s1, $0x2  }
0xb9: {  	s3 =	sand.u32 $0x4000, s31;
	s1 =	sadd.s32 s1, s30  }
0xba: {  	s0 =	sor.u32 s3, s0;
	s1 =	sshll.u32 s1, $0x11  }
0xbb: {  	s0 =	sor.u32 s1, s0  }
0xbc: {  	s0 =	sadd.s32 $0x8F2B, s0  }
0xbd: {  	[sflag:s0] =	ssyncadd.remote.s32 $0x1  }
0xbe: {  	_ =	sfence.sel $0xFFFF  }
0xbf: {  	[dreg:$0x0] =	wrdreg $0xFFFFFFFF;
	(pc) =	sbr.abs _section_cstart, $3  }
0xc0: {  	[dreg:$0x1] =	wrdreg $0xFFFFFFFF  }
0xc1: {  	_ =	task.clear_ibuf [dreg:s6], $0x2FFFF;
	_ =	strace $0x9FFFFFFF  }
0xc2: {  	(tm) =	ssettm $0x7FFFFFFF  }
0xc3: {  	_ =	shalt  }
tec
execute0_lowered:
.L_overlay_start_1:
0x0: {  	(tag) =	ssettag $0x1  }
0x1: {  	s0 =	srdreg.scid;
	s1 =	rddreg [dreg:$0x0]  }
0x2: {  	s10 =	stileid.u32;
	s2 =	rddreg [dreg:$0x1]  }
0x3: {  	s4 =	simm.s32 $0x0;
	s28 =	simm.s32 $0x1;
	s30 =	simm.s32 $0x2  }
0x4: {  	s31 =	simm.s32 $0x0;
	s0 =	sand.u32 $0x1, s0;
	s3 =	smul.u32 $0x4E, s10  }
0x5: {  	s5 =	smin.u32 s10, $0x4;
	s6 =	smul.u32 $0x9C4, s10;
	[smem:$0x7FF] =	sst s4  }
0x6: {  	s4 =	sadd.s32 $0x16A00, s1;
	s15 =	sadd.s32 $0x20800, s1;
	s17 =	smul.u32 $0x13880, s10  }
0x7: {  	p1 =	slt.u32 s10, $0x4;
	s20 =	sshll.u32 s10, $0x6;
	s12 =	smul.u32 $0x9C00, s10  }
0x8: {  	p0 =	seq.s32 s0, $0x0;
	s8 =	smul.u32 $0x9C40, s0;
	_ =	strace $0x80000050  }
0x9: {  	[dreg:$0x3] =	wrdreg s15;
	s0 =	ssub.s32 $0x2, s0;
	s5 =	simm.s32 @!p0 $0x4E4  }
0xa: {  	s18 =	sshrl.u32 s0, $0x1;
	s19 =	sshrl.u32 s17, $0x2;
	s3 =	sadd.s32 s3, s5  }
0xb: {  	s16 =	sadd.s32 s6, s8;
	s6 =	simm.s32 $0x4F;
	s0 =	ssub.s32 s0, s18  }
0xc: {  	s18 =	sadd.s32 s19, s2;
	s5 =	sshll.u32 s5, $0x9;
	s11 =	smin.u32 s3, $0x92F  }
0xd: {  	s6 =	simm.s32 @!p1 $0x4E;
	s23 =	sadd.s32 s5, s12;
	s13 =	smax.u32 s0, $0x1  }
0xe: {  	s7 =	sshll.u32 s11, $0x4;
	s6 =	simm.s32 @!p0 $0x4E;
	s3 =	ssub.s32 s3, s11  }
0xf: {  	s24 =	sshll.u32 s11, $0x9;
	s9 =	sadd.s32 s7, s1;
	s1 =	sadd.s32 s16, s1  }
0x10: {  	s7 =	sadd.s32 $0x1C09, s20;
	s3 =	sshll.u32 s3, $0x9;
	s25 =	ssub.s32 s23, s24  }
0x11: {  	s20 =	sshrl.u32 s18, $0x3;
	s23 =	simm.s32 $0x80;
	s24 =	simm.s32 $0x9500  }
0x12: {  	s21 =	sadd.s32 $0xC600, s9;
	s22 =	sadd.s32 $0x2800, s9;
	s10 =	sshra.s32 s3, $0x2  }
0x13: {  	s12 =	sadd.s32 $0x21200, s1;
	s26 =	sadd.s32 $0x400, s25;
	[dreg:$0x4] =	wrdreg s21  }
0x14: {  	s29 =	sadd.s32 $0x800, s25;
	s25 =	simm.s32 $0xA500;
	[dreg:$0x5] =	wrdreg s22  }
0x15: {  	s11 =	sadd.s32 $0x80, s10;
	s14 =	sadd.s32 $0x100, s10;
	s15 =	sadd.s32 $0x4A80, s10  }
0x16: {  	s16 =	sadd.s32 $0x180, s10;
	s0 =	sshra.s32 s26, $0x2;
	s17 =	sadd.s32 $0x4B00, s10  }
0x17: {  	s19 =	sshra.s32 s29, $0x2;
	s21 =	simm.s32 $0x9;
	s26 =	sadd.s32 $0x4A80, s0  }
.LBB2_1:
0x18: {  	s0 =	rddreg [dreg:$0x3]  }
0x19: {  	[spmem:s20], [sflag:s7] =	dma.local [hbm:s0], $0x9C4  }
0x1a: {  	_ =	swait.ge [sflag:s21], $0x9C4  }
0x1b: {  	[sflag:s21] =	ssyncset.done $0x0  }
0x1c: {  	s22 =	simm.s32 $0x0;
	s1 =	rddreg [dreg:$0x4];
	[sflag:s21] =	ssyncadd.s32 $0xFFFFF63C  }
0x1d: {  	[tilespmem:s22], [sflag:$0x9] =	stream.linear.gather [hbm4b:s1+s22], $0x4A80, $0x38;
	[tilespmem:$0x12320] =	vst v63  }
0x1e: {  	_ =	swait.ge [sflag:s21], $0x4A80  }
0x1f: {  	[sflag:s21] =	ssyncset.done $0x0  }
0x20: {  	s3 =	simm.s32 $0x4A80;
	s5 =	rddreg [dreg:$0x5];
	[sflag:s21] =	ssyncadd.s32 $0xFFFFB580  }
0x21: {  	[tilespmem:s3], [sflag:$0x9] =	stream.linear.gather [hbm4b:s5+s22], $0x4A80, $0x38;
	[tilespmem:$0x12320] =	vst v63  }
0x22: {  	_ =	swait.ge [sflag:s21], $0x4A80  }
0x23: {  	[sflag:s21] =	ssyncset.done $0x0  }
0x24: {  	[sflag:s21] =	ssyncadd.s32 $0xFFFFB580  }
0x25: {  	[bflag:$0x0] =	sbarrier.arrive $0xFFFF  }
0x26: {  	[tilespmem:s24], [sflag:$0x1] =	stream.indirect.gather [hbm4b:s4+s23], $0x20, s10, s23, $0xb8;
	[tilespmem:$0x12320] =	vst v63  }
0x27: {  	_ = 	snop  }
0x28: {  	[tilespmem:s25], [sflag:$0x2] =	stream.indirect.gather [hbm4b:s4+s23], $0x20, s11, s23, $0xb8;
	[tilespmem:$0x12320] =	vst v63  }
0x29: {  	s8 =	simm.s32 $0xB500  }
0x2a: {  	[tilespmem:s8], [sflag:$0x3] =	stream.indirect.gather [hbm4b:s4+s23], $0x20, s14, s23, $0xb8;
	[tilespmem:$0x12320] =	vst v63  }
0x2b: {  	_ =	swait.ge [sflag:s28], $0x1000  }
0x2c: {  	[sflag:s28] =	ssyncset.done $0x0  }
0x2d: {  	[sflag:s28] =	ssyncadd.s32 $0xFFFFF000  }
0x2e: {  	[spmem:s2] =	stream.indirect.scatter.add.f32 [tilespmem:s24], [sflag:$0x5], $0x20, s15, s23, $0xb8;
	[tilespmem:$0x12320] =	vst v63  }
0x2f: {  	s9 =	simm.s32 $0xC500;
	s18 =	simm.s32 $0x2;
	p1 =	sne.s32 s6, $0x1  }
0x30: {  	[tilespmem:s9], [sflag:$0x4] =	stream.indirect.gather [hbm4b:s4+s23], $0x20, s16, s23, $0xb8;
	[tilespmem:$0x12320] =	vst v63  }
0x31: {  	p2 =	sle.u32 s6, $0x4;
	s0 =	sand.u32 $0x3, s18;
	_ =	swait.ge [sflag:s30], $0x1000  }
0x32: {  	p0 =	sle.u32 s6, $0x2;
	s22 =	sxor.u32 $0x2, s0;
	[sflag:s30] =	ssyncset.done $0x0  }
0x33: {  	s18 =	simm.s32 @!p2 $0x80;
	s3 =	sadd.s32 $0x5, s22;
	[sflag:s30] =	ssyncadd.s32 $0xFFFFF000  }
0x34: {  	[spmem:s2] =	stream.indirect.scatter.add.f32 [tilespmem:s25], [sflag:$0x6], $0x20, s17, s23, $0xb8;
	[tilespmem:$0x12320] =	vst v63  }
0x35: {  	s29 =	sadd.s32 @!p0 $0x5, s0;
	s5 =	simm.s32 $0x4;
	_ =	swait.ge [sflag:s3], $0x1000  }
0x36: {  	s1 =	simm.s32 $0x1;
	s5 =	sand.u32 @!p2 $0x3, s5;
	[sflag:s3] =	ssyncset.done $0x0  }
0x37: {  	s22 =	sshll.u32 @!p2 s5, $0xC;
	s5 =	sadd.s32 @!p2 $0x1, s5;
	[sflag:s3] =	ssyncadd.s32 $0xFFFFF000  }
.Ltmp0:
0x38: {  	s3 =	sadd.s32 @!p2 $0x9500, s22;
	s22 =	sadd.s32 @!p0 $0x1, s0;
	(pc) =	sbr.rel @!p1 .LBB2_3-.Ltmp0, $4  }
0x39: {  	[tilespmem:s3], [sflag:s5] =	stream.indirect.gather @!p2 [hbm4b:s4+s18], $0x20, s19, s18, $0xb8;
	[tilespmem:$0x12320] =	vst v63  }
0x3a: {  	s3 =	sshll.u32 @!p0 s0, $0xC;
	s0 =	sadd.s32 $0x80, s19;
	_ =	swait.ge @!p0 [sflag:s22], $0x1000  }
0x3b: {  	s5 =	simm.s32 @!p0 $0x80;
	s18 =	smov.u32 s26;
	[sflag:s22] =	ssyncset.done @!p0 $0x0  }
0x3c: {  	s3 =	sadd.s32 @!p0 $0x9500, s3;
	[sflag:s22] =	ssyncadd.s32 @!p0 $0xFFFFF000;
	s22 =	sadd.s32 $0x80, s26  }
.LBB2_2:
0x3d: {  	[spmem:s2] =	stream.indirect.scatter.add.f32 @!p0 [tilespmem:s3], [sflag:s29], $0x20, s18, s5, $0xb8;
	[tilespmem:$0x12320] =	vst v63  }
0x3e: {  	s3 =	smov.u32 s1;
	s1 =	sadd.s32 $0x1, s1;
	s18 =	smov.u32 s22  }
0x3f: {  	s5 =	sadd.s32 $0x2, s3;
	p1 =	sne.s32 s6, s1  }
0x40: {  	s29 =	sand.u32 $0x3, s5  }
0x41: {  	s3 =	sadd.s32 $0x4, s3;
	s8 =	sxor.u32 $0x2, s29  }
0x42: {  	p2 =	sge.u32 s3, s6;
	p0 =	sge.u32 s5, s6;
	s8 =	sadd.s32 $0x5, s8  }
0x43: {  	s3 =	sand.u32 @!p2 $0x3, s3;
	s5 =	simm.s32 @!p2 $0x80;
	_ =	swait.ge [sflag:s8], $0x1000  }
0x44: {  	s9 =	sshll.u32 @!p2 s3, $0xC;
	s3 =	sadd.s32 @!p2 $0x1, s3;
	[sflag:s8] =	ssyncset.done $0x0  }
0x45: {  	[sflag:s8] =	ssyncadd.s32 $0xFFFFF000  }
.Ltmp1:
0x46: {  	s8 =	sadd.s32 @!p2 $0x9500, s9;
	s9 =	sadd.s32 @!p0 $0x1, s29;
	(pc) =	sbr.rel @p1 .LBB2_2-.Ltmp1, $4  }
0x47: {  	[tilespmem:s8], [sflag:s3] =	stream.indirect.gather @!p2 [hbm4b:s4+s5], $0x20, s0, s5, $0xb8;
	[tilespmem:$0x12320] =	vst v63  }
0x48: {  	s3 =	sshll.u32 @!p0 s29, $0xC;
	s29 =	sadd.s32 @!p0 $0x5, s29;
	_ =	swait.ge @!p0 [sflag:s9], $0x1000  }
0x49: {  	s0 =	sadd.s32 $0x80, s0;
	s3 =	sadd.s32 @!p0 $0x9500, s3;
	[sflag:s9] =	ssyncset.done @!p0 $0x0  }
0x4a: {  	s22 =	sadd.s32 $0x80, s22;
	s5 =	simm.s32 @!p0 $0x80;
	[sflag:s9] =	ssyncadd.s32 @!p0 $0xFFFFF000  }
.LBB2_3:
0x4b: {  	[spmem:s2] =	stream.indirect.scatter.add.f32 @!p0 [tilespmem:s3], [sflag:s29], $0x20, s18, s5, $0xb8;
	[tilespmem:$0x12320] =	vst v63  }
0x4c: {  	s31 =	sadd.s32 $0x1, s31  }
0x4d: {  	p0 =	sne.s32 s31, s13  }
.Ltmp2:
0x4e: {  	[bflag:$0x0] =	sbarrier.arrive $0xFFFF;
	(pc) =	sbr.rel @p0 .LBB2_1-.Ltmp2, $4  }
0x4f: {  	[hbm:s12], [sflag:s7] =	dma.local [spmem:s20], $0x9C4  }
0x50: {  	_ =	swait.ge [sflag:s21], $0x9C4  }
0x51: {  	[sflag:s21] =	ssyncset.done $0x0  }
0x52: {  	[sflag:s21] =	ssyncadd.s32 $0xFFFFF63C  }
0x53: {  	_ =	sfence.sel $0x180000  }
0x54: {  	[bflag:$0x0] =	sbarrier.arrive $0xFFFF  }
0x55: {  	_ =	strace $0x90000050  }
0x56: {  	s0 =	stileid.u32;
	[bflag:$0x2] =	sbarrier.arrive $0xFFFF  }
0x57: {  	p0 =	sne.s32 s0, $0x0;
	s0 =	rddreg [dreg:$0x2]  }
0x58: {  	s0 =	sadd.s32 @!p0 $0x100000, s0  }
0x59: {  	[sflag:s0] =	ssyncadd.tile.s32 @!p0 $0x1;
	_ =	shalt  }
.Lfunc_end2:
_tile_overlayer_lowered:
.L_overlay_start_2:
0x5a: {  	(tag) =	ssettag $0x2  }
0x5b: {  	s0 =	rddreg [dreg:$0x0];
	s2 =	stileid.u32  }
0x5c: {  	s1 =	rddreg [dreg:$0x1];
	p0 =	sne.s32 s2, $0x0  }
0x5d: {  	s3 =	rddreg [dreg:$0x2];
	[bflag:$0x3] =	sbarrier.arrive $0xFFFF;
	s2 =	simm.s32 @!p0 $0x1C09  }
0x5e: {  	[timem:s3], [sflag:s2] =	dma.local @!p0 [hbm:s0], s1  }
0x5f: {  	s0 =	simm.s32 @!p0 $0x9  }
0x60: {  	_ =	swait.ge @!p0 [sflag:s0], s1  }
0x61: {  	s1 =	ssub.s32 @!p0 $0x0, s1;
	[sflag:s0] =	ssyncset.done @!p0 $0x0  }
0x62: {  	[sflag:s0] =	ssyncadd.s32 @!p0 s1  }
0x63: {  	[bflag:$0x3] =	sbarrier.arrive $0xFFFF  }
0x64: {  	_ =	shalt  }

// kernel: kernel.24.cloned.1.call-start
scs
__scs_entry_jumppad:
0x0: {  	(pc) =	sbr.rel $0x88, $3  }
0x1: {  	(tag) =	ssettag $0x0;
	lr =	simm.s32 $0x1  }
0x2: {  	[smem:$0x3F96] =	sst lr;
	_ =	strace $0xD0000000  }
0x3: {  	_ = 	snop  }
0x4: {  	_ = 	snop  }
0x5: {  	_ = 	snop  }
0x6: {  	_ = 	snop  }
0x7: {  	_ = 	snop  }
__scs_overlays_trampoline_lowered:
0x8: {  	[smem:$0x3FA5] =	sst s0  }
0x9: {  	[smem:$0x3FA6] =	sst s1  }
0xa: {  	[smem:$0x3FA7] =	sst s2  }
0xb: {  	[smem:$0x3FA8] =	sst s3  }
0xc: {  	[smem:$0x3FA9] =	sst s4  }
0xd: {  	[smem:$0x3FAA] =	sst s5  }
0xe: {  	[smem:$0x3FAB] =	sst s6  }
0xf: {  	[smem:$0x3FAC] =	sst s7  }
0x10: {  	[smem:$0x3FAD] =	sst s8  }
0x11: {  	[smem:$0x3FAE] =	sst s9;
	s0 =	simm.s32 @!p0 $0x0  }
0x12: {  	s1 =	sld [smem:$0x3F94];
	s0 =	simm.s32 @p0 $0x1  }
0x13: {  	[smem:$0x3FAF] =	sst s0;
	s0 =	simm.s32 @!p1 $0x0  }
0x14: {  	s2 =	sld [smem:$0x3F93];
	s0 =	simm.s32 @p1 $0x1  }
0x15: {  	[smem:$0x3FB0] =	sst s0;
	s0 =	simm.s32 @!p2 $0x0  }
0x16: {  	s3 =	sld [smem:$0x3FDB];
	s0 =	simm.s32 @p2 $0x1  }
0x17: {  	s4 =	simm.s32 $0x1BF5;
	[smem:$0x3FB2] =	sst s0  }
0x18: {  	s0 =	sld [smem:$0x3F95];
	_ =	swait.ge [sflag:s4], $0x0  }
0x19: {  	s7 =	sld [smem:$0x3F96]  }
0x1a: {  	s8 =	sadd.s32 $0xFFFFE003, lr  }
0x1b: {  	s9 =	sadd.s32 $0xFFFFFEF7, lr;
	s5 =	simm.s32 $0xFFFFFFFF;
	p2 =	slt.u32 s8, $0xFFFFF086  }
0x1c: {  	p1 =	slt.u32 s9, $0xF7A;
	s5 =	simm.s32 @!p2 $0x0  }
0x1d: {  	s5 =	simm.s32 @p1 $0x1;
	p0 =	seq.s32 s7, s2  }
0x1e: {  	s7 =	smul.u32 @!p0 $0xF7A, s2;
	p2 =	seq.s32 @!p0 s5, $0x0  }
0x1f: {  	s9 =	smul.u32 $0xF7A, s1;
	s8 =	simm.s32 @!p0 $0x1BF5;
	p2 =	por !p2, p0  }
0x20: {  	[sflag:s8] =	ssyncset.s32 @!p0 $0xFFFFF086;
	s6 =	sadd.s32 @!p0 s3, s7;
	s7 =	simm.s32 @!p0 $0x108  }
0x21: {  	s3 =	sadd.s32 s3, s9;
	s6 =	sadd.s32 @!p0 $0x88, s6;
	s7 =	simm.s32 @p2 $0x1082  }
0x22: {  	[simem:s7], [sflag:s8] =	dma.local @!p0 [hbm:s6], $0xF7A  }
0x23: {  	s9 =	sor.u32 $0xD0000000, s2;
	s6 =	simm.s32 $0x108;
	_ =	swait.ge @!p0 [sflag:s8], $0x0  }
0x24: {  	s3 =	sadd.s32 $0x88, s3;
	s6 =	simm.s32 @!p1 $0x1082;
	[sflag:s4] =	ssyncset.s32 $0xFFFFF086  }
0x25: {  	[simem:s6], [sflag:s4] =	dma.local [hbm:s3], $0xF7A  }
0x26: {  	[smem:$0x3F96] =	sst s1;
	(tag) =	ssettag s2;
	_ =	strace s9  }
0x27: {  	s1 =	sld [smem:$0x3FA6]  }
0x28: {  	s2 =	sld [smem:$0x3FA7]  }
0x29: {  	s4 =	sld [smem:$0x3FA9]  }
0x2a: {  	p0 =	seq.s32 s5, $0x0;
	s5 =	sld [smem:$0x3FAA]  }
0x2b: {  	s6 =	sld [smem:$0x3FAB]  }
0x2c: {  	s7 =	sld [smem:$0x3FAC]  }
0x2d: {  	s3 =	simm.s32 $0x108;
	s8 =	sld [smem:$0x3FAD]  }
0x2e: {  	s3 =	simm.s32 @!p0 $0x1082;
	s9 =	sld [smem:$0x3FAE]  }
0x2f: {  	lr =	sadd.s32 s0, s3;
	s0 =	sld [smem:$0x3FA5]  }
0x30: {  	s3 =	sld [smem:$0x3FA8]  }
0x31: {  	[smem:$0x3FB1] =	sst s10  }
0x32: {  	s10 =	sld [smem:$0x3FAF];
	_ =	sdelay $0x3  }
0x33: {  	p0 =	seq.s32 s10, $0x1;
	s10 =	sld [smem:$0x3FB1];
	_ =	sdelay $0x3  }
0x34: {  	[smem:$0x3FB1] =	sst s10  }
0x35: {  	s10 =	sld [smem:$0x3FB0];
	_ =	sdelay $0x3  }
0x36: {  	p1 =	seq.s32 s10, $0x1;
	s10 =	sld [smem:$0x3FB1];
	_ =	sdelay $0x3  }
0x37: {  	[smem:$0x3FB1] =	sst s10  }
0x38: {  	s10 =	sld [smem:$0x3FB2]  }
0x39: {  	_ = 	snop;
	(pc) =	sbr.ind lr, $3  }
0x3a: {  	_ = 	snop  }
0x3b: {  	_ = 	snop  }
0x3c: {  	p2 =	seq.s32 s10, $0x1;
	s10 =	sld [smem:$0x3FB1]  }
0x3d: {  	_ =	shalt  }
0x3e: {  	_ =	shalt  }
0x3f: {  	_ =	shalt  }
0x40: {  	_ =	shalt  }
0x41: {  	_ =	shalt  }
0x42: {  	_ =	shalt  }
0x43: {  	_ =	shalt  }
0x44: {  	_ =	shalt  }
0x45: {  	_ =	shalt  }
0x46: {  	_ =	shalt  }
0x47: {  	_ =	shalt  }
0x48: {  	_ =	shalt  }
0x49: {  	_ =	shalt  }
0x4a: {  	_ =	shalt  }
0x4b: {  	_ =	shalt  }
0x4c: {  	_ =	shalt  }
0x4d: {  	_ =	shalt  }
0x4e: {  	_ =	shalt  }
0x4f: {  	_ =	shalt  }
0x50: {  	_ =	shalt  }
0x51: {  	_ =	shalt  }
0x52: {  	_ =	shalt  }
0x53: {  	_ =	shalt  }
0x54: {  	_ =	shalt  }
0x55: {  	_ =	shalt  }
0x56: {  	_ =	shalt  }
0x57: {  	_ =	shalt  }
0x58: {  	_ =	shalt  }
0x59: {  	_ =	shalt  }
0x5a: {  	_ =	shalt  }
0x5b: {  	_ =	shalt  }
0x5c: {  	_ =	shalt  }
0x5d: {  	_ =	shalt  }
0x5e: {  	_ =	shalt  }
0x5f: {  	_ =	shalt  }
0x60: {  	_ =	shalt  }
0x61: {  	_ =	shalt  }
0x62: {  	_ =	shalt  }
0x63: {  	_ =	shalt  }
0x64: {  	_ =	shalt  }
0x65: {  	_ =	shalt  }
0x66: {  	_ =	shalt  }
0x67: {  	_ =	shalt  }
0x68: {  	_ =	shalt  }
0x69: {  	_ =	shalt  }
0x6a: {  	_ =	shalt  }
0x6b: {  	_ =	shalt  }
0x6c: {  	_ =	shalt  }
0x6d: {  	_ =	shalt  }
0x6e: {  	_ =	shalt  }
0x6f: {  	_ =	shalt  }
0x70: {  	_ =	shalt  }
0x71: {  	_ =	shalt  }
0x72: {  	_ =	shalt  }
0x73: {  	_ =	shalt  }
0x74: {  	_ =	shalt  }
0x75: {  	_ =	shalt  }
0x76: {  	_ =	shalt  }
0x77: {  	_ =	shalt  }
0x78: {  	_ =	shalt  }
0x79: {  	_ =	shalt  }
0x7a: {  	_ =	shalt  }
0x7b: {  	_ =	shalt  }
0x7c: {  	_ =	shalt  }
0x7d: {  	_ =	shalt  }
0x7e: {  	_ =	shalt  }
0x7f: {  	_ =	shalt  }
0x80: {  	_ =	shalt  }
0x81: {  	_ =	shalt  }
0x82: {  	_ =	shalt  }
0x83: {  	_ =	shalt  }
0x84: {  	_ =	shalt  }
0x85: {  	_ =	shalt  }
0x86: {  	_ =	shalt  }
0x87: {  	_ =	shalt  }
.Lfunc_end0:
.L_simem_size_0:
called_computation.4_lowered:
.L_overlay_start_0:
0x88: {  	s2 =	sld [smem:$0x3FD9]  }
0x89: {  	s3 =	sld [smem:$0x3FFE];
	_ =	sdelay $0x1  }
0x8a: {  	s1 =	srdreg.scid  }
0x8b: {  	s0 =	sand.u32 $0x1, s1  }
0x8c: {  	s16 =	sshll.u32 s0, $0xA;
	s2 =	sadd.s32 s3, s2  }
0x8d: {  	s2 =	sadd.s32 s2, s16  }
0x8e: {  	[smem:$0x3FBD] =	sst s2  }
0x8f: {  	_ = 	snop  }
0x90: {  	(tm) =	ssettm $0x1  }
0x91: {  	s17 =	sld [smem:$0x3FFB];
	_ =	sdelay $0x3  }
0x92: {  	_ =	strace s17  }
0x93: {  	s2 =	sld [smem:$0x3FFC];
	_ =	sdelay $0x3  }
0x94: {  	_ =	strace s2  }
0x95: {  	s2 =	sld [smem:$0x3FFD];
	_ =	sdelay $0x3  }
0x96: {  	_ =	strace s2  }
0x97: {  	_ =	strace $0x8FFFFFFF  }
0x98: {  	s18 =	sld [smem:$0x3FDB];
	_ =	sdelay $0x1  }
0x99: {  	s19 =	simm.s32 $_scs_section_size  }
0x9a: {  	s4 =	simm.s32 $_size__tile_overlayer_lowered;
	s5 =	simm.s32 $_tile_overlayer_lowered  }
0x9b: {  	s22 =	simm.s32 $0x1BFF;
	s21 =	sshll.u32 s5, $0x1;
	s2 =	sadd.s32 s19, s18  }
0x9c: {  	s6 =	simm.s32 $0x0;
	s20 =	sshll.u32 s4, $0x1;
	s4 =	sadd.s32 s21, s2  }
0x9d: {  	[timem:s6], [sflag:s22] =	dma.local [hbm:s4], s20  }
0x9e: {  	_ =	swait.ge [sflag:s22], s20  }
0x9f: {  	s3 =	ssub.s32 $0x0, s20;
	[sflag:s22] =	ssyncset.done $0x0  }
0xa0: {  	[sflag:s22] =	ssyncadd.s32 s3;
	_ =	sdelay $0x1  }
0xa1: {  	s23 =	simm.s32 $0x1B8B  }
0xa2: {  	_ =	swait.ge [sflag:s23], $0x1  }
0xa3: {  	[sflag:s23] =	ssyncset.done $0x0  }
0xa4: {  	s25 =	simm.s32 $0x1B8E;
	s24 =	sld [smem:$0x3FFE];
	[sflag:s23] =	ssyncadd.s32 $0xFFFFFFFF  }
0xa5: {  	s26 =	simm.s32 $execute0_lowered;
	[smem:$0x3FD2] =	sst s25  }
0xa6: {  	s4 =	sshll.u32 s26, $0x1;
	_ =	strace $0x80000052;
	[dreg:$0x1] =	wrdreg $0xFFFFFFFF  }
0xa7: {  	s28 =	simm.s32 $_size_execute0_lowered;
	s2 =	sadd.s32 s2, s4;
	[dreg:$0x0] =	wrdreg $0x0  }
0xa8: {  	s4 =	sshll.u32 s28, $0x1;
	[dreg:$0x2] =	wrdreg s2  }
0xa9: {  	[dreg:$0x3] =	wrdreg s4  }
0xaa: {  	[dreg:$0x4] =	wrdreg $0xC0  }
0xab: {  	_ =	task [dreg:s6], $0x5FFFF  }
0xac: {  	[dreg:$0x1] =	wrdreg $0xFFFFFFFF  }
0xad: {  	[dreg:$0x0] =	wrdreg $0x60  }
0xae: {  	[dreg:$0x2] =	wrdreg s24  }
0xaf: {  	[dreg:$0x3] =	wrdreg $0xB5000  }
0xb0: {  	[dreg:$0x4] =	wrdreg $0x9  }
0xb1: {  	_ =	task.clear_ibuf [dreg:s6], $0x5FFFF;
	_ =	strace $0x90000052  }
0xb2: {  	s29 =	simm.s32 $0x9;
	_ =	strace $0x80000054  }
0xb3: {  	_ =	swait.ge [sflag:s29], $0x1  }
0xb4: {  	[sflag:s29] =	ssyncadd.s32 $0xFFFFFFFF  }
0xb5: {  	_ =	strace $0x90000054  }
0xb6: {  	_ =	sfence  }
0xb7: {  	s30 =	sld [smem:$0x0];
	_ =	sdelay $0x2  }
0xb8: {  	s31 =	sshll.u32 s1, $0xD;
	s1 =	sshrl.u32 s1, $0x2  }
0xb9: {  	s3 =	sand.u32 $0x4000, s31;
	s1 =	sadd.s32 s1, s30  }
0xba: {  	s0 =	sor.u32 s3, s0;
	s1 =	sshll.u32 s1, $0x11  }
0xbb: {  	s0 =	sor.u32 s1, s0  }
0xbc: {  	s0 =	sadd.s32 $0x8F2B, s0  }
0xbd: {  	[sflag:s0] =	ssyncadd.remote.s32 $0x1  }
0xbe: {  	_ =	sfence.sel $0xFFFF  }
0xbf: {  	[dreg:$0x0] =	wrdreg $0xFFFFFFFF;
	(pc) =	sbr.abs _section_cstart, $3  }
0xc0: {  	[dreg:$0x1] =	wrdreg $0xFFFFFFFF  }
0xc1: {  	_ =	task.clear_ibuf [dreg:s6], $0x2FFFF;
	_ =	strace $0x9FFFFFFF  }
0xc2: {  	(tm) =	ssettm $0x7FFFFFFF  }
0xc3: {  	_ =	shalt  }
tec
execute0_lowered:
.L_overlay_start_1:
0x0: {  	(tag) =	ssettag $0x1  }
0x1: {  	s0 =	srdreg.scid;
	s1 =	rddreg [dreg:$0x0]  }
0x2: {  	s10 =	stileid.u32;
	s2 =	rddreg [dreg:$0x1]  }
0x3: {  	s4 =	simm.s32 $0x0;
	s28 =	simm.s32 $0x1;
	s30 =	simm.s32 $0x2  }
0x4: {  	s31 =	simm.s32 $0x0;
	s0 =	sand.u32 $0x1, s0;
	s3 =	smul.u32 $0x4E, s10  }
0x5: {  	s5 =	smin.u32 s10, $0x4;
	s6 =	smul.u32 $0x4E2, s10;
	[smem:$0x7FF] =	sst s4  }
0x6: {  	s4 =	sadd.s32 $0x16A00, s1;
	s15 =	sadd.s32 $0x16400, s1;
	s17 =	smul.u32 $0x9C40, s10  }
0x7: {  	p1 =	slt.u32 s10, $0x4;
	s20 =	sshll.u32 s10, $0x6;
	s12 =	smul.u32 $0x9C00, s10  }
0x8: {  	p0 =	seq.s32 s0, $0x0;
	s8 =	smul.u32 $0x4E20, s0;
	_ =	strace $0x80000053  }
0x9: {  	[dreg:$0x3] =	wrdreg s15;
	s0 =	ssub.s32 $0x2, s0;
	s5 =	simm.s32 @!p0 $0x4E4  }
0xa: {  	s18 =	sshrl.u32 s0, $0x1;
	s19 =	sshrl.u32 s17, $0x2;
	s3 =	sadd.s32 s3, s5  }
0xb: {  	s16 =	sadd.s32 s6, s8;
	s6 =	simm.s32 $0x4F;
	s0 =	ssub.s32 s0, s18  }
0xc: {  	s18 =	sadd.s32 s19, s2;
	s5 =	sshll.u32 s5, $0x9;
	s11 =	smin.u32 s3, $0x92F  }
0xd: {  	s6 =	simm.s32 @!p1 $0x4E;
	s23 =	sadd.s32 s5, s12;
	s13 =	smax.u32 s0, $0x1  }
0xe: {  	s7 =	sshll.u32 s11, $0x4;
	s6 =	simm.s32 @!p0 $0x4E;
	s3 =	ssub.s32 s3, s11  }
0xf: {  	s24 =	sshll.u32 s11, $0x9;
	s9 =	sadd.s32 s7, s1;
	s1 =	sadd.s32 s16, s1  }
0x10: {  	s7 =	sadd.s32 $0x1C09, s20;
	s3 =	sshll.u32 s3, $0x9;
	s25 =	ssub.s32 s23, s24  }
0x11: {  	s20 =	sshrl.u32 s18, $0x3;
	s23 =	simm.s32 $0x80;
	s24 =	simm.s32 $0x9500  }
0x12: {  	s21 =	sadd.s32 $0xC600, s9;
	s22 =	sadd.s32 $0x2800, s9;
	s10 =	sshra.s32 s3, $0x2  }
0x13: {  	s12 =	sadd.s32 $0x1BA00, s1;
	s26 =	sadd.s32 $0x400, s25;
	[dreg:$0x4] =	wrdreg s21  }
0x14: {  	s29 =	sadd.s32 $0x800, s25;
	s25 =	simm.s32 $0x9D00;
	[dreg:$0x5] =	wrdreg s22  }
0x15: {  	s11 =	sadd.s32 $0x80, s10;
	s14 =	sadd.s32 $0x100, s10;
	s15 =	sadd.s32 $0x4A80, s10  }
0x16: {  	s16 =	sadd.s32 $0x180, s10;
	s0 =	sshra.s32 s26, $0x2;
	s17 =	sadd.s32 $0x4B00, s10  }
0x17: {  	s19 =	sshra.s32 s29, $0x2;
	s21 =	simm.s32 $0x9;
	s26 =	sadd.s32 $0x4A80, s0  }
.LBB2_1:
0x18: {  	s0 =	rddreg [dreg:$0x3]  }
0x19: {  	[spmem:s20], [sflag:s7] =	dma.local [hbm:s0], $0x4E2  }
0x1a: {  	_ =	swait.ge [sflag:s21], $0x4E2  }
0x1b: {  	[sflag:s21] =	ssyncset.done $0x0  }
0x1c: {  	s22 =	simm.s32 $0x0;
	s1 =	rddreg [dreg:$0x4];
	[sflag:s21] =	ssyncadd.s32 $0xFFFFFB1E  }
0x1d: {  	[tilespmem:s22], [sflag:$0x9] =	stream.linear.gather [hbm4b:s1+s22], $0x4A80, $0x38;
	[tilespmem:$0xDC10] =	vst v63  }
0x1e: {  	_ =	swait.ge [sflag:s21], $0x4A80  }
0x1f: {  	[sflag:s21] =	ssyncset.done $0x0  }
0x20: {  	s3 =	simm.s32 $0x4A80;
	s5 =	rddreg [dreg:$0x5];
	[sflag:s21] =	ssyncadd.s32 $0xFFFFB580  }
0x21: {  	[tilespmem:s3], [sflag:$0x9] =	stream.linear.gather [hbm4b:s5+s22], $0x4A80, $0x38;
	[tilespmem:$0xDC10] =	vst v63  }
0x22: {  	_ =	swait.ge [sflag:s21], $0x4A80  }
0x23: {  	[sflag:s21] =	ssyncset.done $0x0  }
0x24: {  	[sflag:s21] =	ssyncadd.s32 $0xFFFFB580  }
0x25: {  	[bflag:$0x0] =	sbarrier.arrive $0xFFFF  }
0x26: {  	[tilespmem:s24], [sflag:$0x1] =	stream.indirect.gather [hbm4b:s4+s23], $0x10, s10, s23, $0xb8;
	[tilespmem:$0xDC10] =	vst v63  }
0x27: {  	_ = 	snop  }
0x28: {  	[tilespmem:s25], [sflag:$0x2] =	stream.indirect.gather [hbm4b:s4+s23], $0x10, s11, s23, $0xb8;
	[tilespmem:$0xDC10] =	vst v63  }
0x29: {  	s8 =	simm.s32 $0xA500  }
0x2a: {  	[tilespmem:s8], [sflag:$0x3] =	stream.indirect.gather [hbm4b:s4+s23], $0x10, s14, s23, $0xb8;
	[tilespmem:$0xDC10] =	vst v63  }
0x2b: {  	_ =	swait.ge [sflag:s28], $0x800  }
0x2c: {  	[sflag:s28] =	ssyncset.done $0x0  }
0x2d: {  	[sflag:s28] =	ssyncadd.s32 $0xFFFFF800  }
0x2e: {  	[spmem:s2] =	stream.indirect.scatter.add.f32 [tilespmem:s24], [sflag:$0x5], $0x10, s15, s23, $0xb8;
	[tilespmem:$0xDC10] =	vst v63  }
0x2f: {  	s9 =	simm.s32 $0xAD00;
	s18 =	simm.s32 $0x2;
	p1 =	sne.s32 s6, $0x1  }
0x30: {  	[tilespmem:s9], [sflag:$0x4] =	stream.indirect.gather [hbm4b:s4+s23], $0x10, s16, s23, $0xb8;
	[tilespmem:$0xDC10] =	vst v63  }
0x31: {  	p2 =	sle.u32 s6, $0x4;
	s0 =	sand.u32 $0x3, s18;
	_ =	swait.ge [sflag:s30], $0x800  }
0x32: {  	p0 =	sle.u32 s6, $0x2;
	s22 =	sxor.u32 $0x2, s0;
	[sflag:s30] =	ssyncset.done $0x0  }
0x33: {  	s18 =	simm.s32 @!p2 $0x80;
	s3 =	sadd.s32 $0x5, s22;
	[sflag:s30] =	ssyncadd.s32 $0xFFFFF800  }
0x34: {  	[spmem:s2] =	stream.indirect.scatter.add.f32 [tilespmem:s25], [sflag:$0x6], $0x10, s17, s23, $0xb8;
	[tilespmem:$0xDC10] =	vst v63  }
0x35: {  	s29 =	sadd.s32 @!p0 $0x5, s0;
	s5 =	simm.s32 $0x4;
	_ =	swait.ge [sflag:s3], $0x800  }
0x36: {  	s1 =	simm.s32 $0x1;
	s5 =	sand.u32 @!p2 $0x3, s5;
	[sflag:s3] =	ssyncset.done $0x0  }
0x37: {  	s22 =	sshll.u32 @!p2 s5, $0xB;
	s5 =	sadd.s32 @!p2 $0x1, s5;
	[sflag:s3] =	ssyncadd.s32 $0xFFFFF800  }
.Ltmp0:
0x38: {  	s3 =	sadd.s32 @!p2 $0x9500, s22;
	s22 =	sadd.s32 @!p0 $0x1, s0;
	(pc) =	sbr.rel @!p1 .LBB2_3-.Ltmp0, $4  }
0x39: {  	[tilespmem:s3], [sflag:s5] =	stream.indirect.gather @!p2 [hbm4b:s4+s18], $0x10, s19, s18, $0xb8;
	[tilespmem:$0xDC10] =	vst v63  }
0x3a: {  	s3 =	sshll.u32 @!p0 s0, $0xB;
	s0 =	sadd.s32 $0x80, s19;
	_ =	swait.ge @!p0 [sflag:s22], $0x800  }
0x3b: {  	s5 =	simm.s32 @!p0 $0x80;
	s18 =	smov.u32 s26;
	[sflag:s22] =	ssyncset.done @!p0 $0x0  }
0x3c: {  	s3 =	sadd.s32 @!p0 $0x9500, s3;
	[sflag:s22] =	ssyncadd.s32 @!p0 $0xFFFFF800;
	s22 =	sadd.s32 $0x80, s26  }
.LBB2_2:
0x3d: {  	[spmem:s2] =	stream.indirect.scatter.add.f32 @!p0 [tilespmem:s3], [sflag:s29], $0x10, s18, s5, $0xb8;
	[tilespmem:$0xDC10] =	vst v63  }
0x3e: {  	s3 =	smov.u32 s1;
	s1 =	sadd.s32 $0x1, s1;
	s18 =	smov.u32 s22  }
0x3f: {  	s5 =	sadd.s32 $0x2, s3;
	p1 =	sne.s32 s6, s1  }
0x40: {  	s29 =	sand.u32 $0x3, s5  }
0x41: {  	s3 =	sadd.s32 $0x4, s3;
	s8 =	sxor.u32 $0x2, s29  }
0x42: {  	p2 =	sge.u32 s3, s6;
	p0 =	sge.u32 s5, s6;
	s8 =	sadd.s32 $0x5, s8  }
0x43: {  	s3 =	sand.u32 @!p2 $0x3, s3;
	s5 =	simm.s32 @!p2 $0x80;
	_ =	swait.ge [sflag:s8], $0x800  }
0x44: {  	s9 =	sshll.u32 @!p2 s3, $0xB;
	s3 =	sadd.s32 @!p2 $0x1, s3;
	[sflag:s8] =	ssyncset.done $0x0  }
0x45: {  	[sflag:s8] =	ssyncadd.s32 $0xFFFFF800  }
.Ltmp1:
0x46: {  	s8 =	sadd.s32 @!p2 $0x9500, s9;
	s9 =	sadd.s32 @!p0 $0x1, s29;
	(pc) =	sbr.rel @p1 .LBB2_2-.Ltmp1, $4  }
0x47: {  	[tilespmem:s8], [sflag:s3] =	stream.indirect.gather @!p2 [hbm4b:s4+s5], $0x10, s0, s5, $0xb8;
	[tilespmem:$0xDC10] =	vst v63  }
0x48: {  	s3 =	sshll.u32 @!p0 s29, $0xB;
	s29 =	sadd.s32 @!p0 $0x5, s29;
	_ =	swait.ge @!p0 [sflag:s9], $0x800  }
0x49: {  	s0 =	sadd.s32 $0x80, s0;
	s3 =	sadd.s32 @!p0 $0x9500, s3;
	[sflag:s9] =	ssyncset.done @!p0 $0x0  }
0x4a: {  	s22 =	sadd.s32 $0x80, s22;
	s5 =	simm.s32 @!p0 $0x80;
	[sflag:s9] =	ssyncadd.s32 @!p0 $0xFFFFF800  }
.LBB2_3:
0x4b: {  	[spmem:s2] =	stream.indirect.scatter.add.f32 @!p0 [tilespmem:s3], [sflag:s29], $0x10, s18, s5, $0xb8;
	[tilespmem:$0xDC10] =	vst v63  }
0x4c: {  	s31 =	sadd.s32 $0x1, s31  }
0x4d: {  	p0 =	sne.s32 s31, s13  }
.Ltmp2:
0x4e: {  	[bflag:$0x0] =	sbarrier.arrive $0xFFFF;
	(pc) =	sbr.rel @p0 .LBB2_1-.Ltmp2, $4  }
0x4f: {  	[hbm:s12], [sflag:s7] =	dma.local [spmem:s20], $0x4E2  }
0x50: {  	_ =	swait.ge [sflag:s21], $0x4E2  }
0x51: {  	[sflag:s21] =	ssyncset.done $0x0  }
0x52: {  	[sflag:s21] =	ssyncadd.s32 $0xFFFFFB1E  }
0x53: {  	_ =	sfence.sel $0x180000  }
0x54: {  	[bflag:$0x0] =	sbarrier.arrive $0xFFFF  }
0x55: {  	_ =	strace $0x90000053  }
0x56: {  	s0 =	stileid.u32;
	[bflag:$0x2] =	sbarrier.arrive $0xFFFF  }
0x57: {  	p0 =	sne.s32 s0, $0x0;
	s0 =	rddreg [dreg:$0x2]  }
0x58: {  	s0 =	sadd.s32 @!p0 $0x100000, s0  }
0x59: {  	[sflag:s0] =	ssyncadd.tile.s32 @!p0 $0x1;
	_ =	shalt  }
.Lfunc_end2:
_tile_overlayer_lowered:
.L_overlay_start_2:
0x5a: {  	(tag) =	ssettag $0x2  }
0x5b: {  	s0 =	rddreg [dreg:$0x0];
	s2 =	stileid.u32  }
0x5c: {  	s1 =	rddreg [dreg:$0x1];
	p0 =	sne.s32 s2, $0x0  }
0x5d: {  	s3 =	rddreg [dreg:$0x2];
	[bflag:$0x3] =	sbarrier.arrive $0xFFFF;
	s2 =	simm.s32 @!p0 $0x1C09  }
0x5e: {  	[timem:s3], [sflag:s2] =	dma.local @!p0 [hbm:s0], s1  }
0x5f: {  	s0 =	simm.s32 @!p0 $0x9  }
0x60: {  	_ =	swait.ge @!p0 [sflag:s0], s1  }
0x61: {  	s1 =	ssub.s32 @!p0 $0x0, s1;
	[sflag:s0] =	ssyncset.done @!p0 $0x0  }
0x62: {  	[sflag:s0] =	ssyncadd.s32 @!p0 s1  }
0x63: {  	[bflag:$0x3] =	sbarrier.arrive $0xFFFF  }
0x64: {  	_ =	shalt  }

</sc_bundles>
